<compile_context>
chip_gen: v7x
topology: tpu7x:2x2x1
jax: 0.10.2.dev20260603
libtpu: 0.0.44.dev20260713+nightly
codegen_flags: <defaults>
</compile_context>

<pallas_src>
import functools

import jax
import jax.numpy as jnp
from jax import lax
from jax.experimental import pallas as pl
from jax.experimental.pallas import tpu as pltpu
from jax.experimental.pallas import tpu_sc as plsc

N = 10000
D = 128
E = 320000

NC = 2
NS = 16
DH = D // NC

N_PAD = 10240
ROWS_PER_TILE = N_PAD // NS
CNT_ROWS = N_PAD // 128
E_PAD = 327680
EPT = E_PAD // NS
CHUNK = 128
NCHUNK = EPT // CHUNK
BLK_CH = 16
NBLK = NCHUNK // BLK_CH
RING = 8
LOOKAHEAD = 4
NGRP = NCHUNK // RING
DUMMY = N

_f32 = jnp.float32
_i32 = jnp.int32


def _mlp_body(x_ref, w1_ref, b1_ref, w2_ref, b2_ref, o_ref):
    h = jnp.tanh(
        jnp.dot(x_ref[...], w1_ref[...], preferred_element_type=_f32)
        + b1_ref[...]
    )
    res = jnp.dot(h, w2_ref[...], preferred_element_type=_f32) + b2_ref[...]
    o_ref[0] = res[:, :DH]
    o_ref[1] = res[:, DH:]


def _mlp(x_pad, W1, b1, W2, b2):
    blk = 256
    grid = N_PAD // blk
    return pl.pallas_call(
        _mlp_body,
        grid=(grid,),
        in_specs=[
            pl.BlockSpec((blk, D), lambda i: (i, 0)),
            pl.BlockSpec((D, D), lambda i: (0, 0)),
            pl.BlockSpec((1, D), lambda i: (0, 0)),
            pl.BlockSpec((D, D), lambda i: (0, 0)),
            pl.BlockSpec((1, D), lambda i: (0, 0)),
        ],
        out_specs=pl.BlockSpec((NC, blk, DH), lambda i: (0, i, 0)),
        out_shape=jax.ShapeDtypeStruct((NC, N_PAD, DH), _f32),
    )(x_pad, W1, b1.reshape(1, D), W2, b2.reshape(1, D))


_sc_mesh = plsc.VectorSubcoreMesh(
    core_axis_name="c", subcore_axis_name="s", num_cores=NC, num_subcores=NS
)


@functools.partial(
    pl.kernel,
    out_type=jax.ShapeDtypeStruct((NC * N_PAD, DH), _f32),
    mesh=_sc_mesh,
    compiler_params=pltpu.CompilerParams(
        use_tc_tiling_on_sc=False, needs_layout_passes=False
    ),
    scratch_types=[
        pltpu.VMEM((2 * BLK_CH, CHUNK), _i32),
        pltpu.VMEM((2 * BLK_CH, CHUNK), _i32),
        pltpu.VMEM((CNT_ROWS, 128), _f32),
        pltpu.VMEM((CNT_ROWS // NS, 128), _f32),
        pltpu.VMEM((CNT_ROWS,), _i32),
    ]
    + [pltpu.VMEM((CHUNK, DH), _f32)] * RING
    + [
        pltpu.VMEM_SHARED((N_PAD, DH), _f32),
        pltpu.VMEM_SHARED((CNT_ROWS, 128), _f32),
    ]
    + [pltpu.SemaphoreType.DMA] * (2 * RING + 1),
)
def _sc_aggregate(
    src_hbm, dst_hbm, table_hbm, emb_out,
    isrc, idst, cnt_local, cntv, idx80, *rest,
):
    rows = rest[:RING]
    emb_acc, cnt_acc = rest[RING:RING + 2]
    sem_g = rest[RING + 2:RING + 2 + RING]
    sem_sc = rest[RING + 2 + RING:RING + 2 + 2 * RING]
    sem_blk = rest[RING + 2 + 2 * RING]
    c = lax.axis_index("c")
    s = lax.axis_index("s")
    rows0 = rows[0]
    tbl_off = c * N_PAD
    ones16 = jnp.ones((16,), _f32)

    def fill_rows(i, carry):
        for j in range(DH // 16):
            rows0[i, pl.ds(j * 16, 16)] = jnp.zeros((16,), _f32)
        return carry

    lax.fori_loop(0, CHUNK, fill_rows, 0)

    def fill_cnt(i, carry):
        for j in range(128 // 16):
            cnt_local[i, pl.ds(j * 16, 16)] = jnp.zeros((16,), _f32)
        return carry

    lax.fori_loop(0, CNT_ROWS, fill_cnt, 0)

    for i in range(CNT_ROWS // NS):
        for j in range(128 // 16):
            cntv[i, pl.ds(j * 16, 16)] = jnp.zeros((16,), _f32)
    for j in range(CNT_ROWS // 16):
        idx80[pl.ds(j * 16, 16)] = lax.iota(_i32, 16) + j * 16

    base_r = s * ROWS_PER_TILE
    for j in range(ROWS_PER_TILE // CHUNK):
        pltpu.sync_copy(rows0, emb_acc.at[pl.ds(base_r + j * CHUNK, CHUNK)])
    pltpu.sync_copy(
        cntv, cnt_acc.at[pl.ds(s * (CNT_ROWS // NS), CNT_ROWS // NS)]
    )
    plsc.subcore_barrier()

    def transform_block(blk):
        slot = lax.rem(blk, 2) * BLK_CH

        def add_off(r, carry):
            for j in range(CHUNK // 16):
                sl = pl.ds(j * 16, 16)
                idst[slot + r, sl] = idst[slot + r, sl] + tbl_off
            return carry

        lax.fori_loop(0, BLK_CH, add_off, 0)

    def issue_block(blk):
        slot = lax.rem(blk, 2) * BLK_CH
        hrow = s * NBLK + blk
        pltpu.async_copy(src_hbm.at[hrow], isrc.at[pl.ds(slot, BLK_CH)], sem_blk)
        pltpu.async_copy(dst_hbm.at[hrow], idst.at[pl.ds(slot, BLK_CH)], sem_blk)

    def finish_block(blk):
        slot = lax.rem(blk, 2) * BLK_CH
        hrow = s * NBLK + blk
        for ref in (isrc, idst):
            pltpu.make_async_copy(
                src_hbm.at[hrow], ref.at[pl.ds(slot, BLK_CH)], sem_blk
            ).wait()
        transform_block(blk)

    def load_block(blk):
        issue_block(blk)
        finish_block(blk)

    def idx_row(g):
        return lax.rem(lax.div(g, BLK_CH), 2) * BLK_CH + lax.rem(g, BLK_CH)

    def issue_gather(g, b):
        pltpu.async_copy(table_hbm.at[idst.at[idx_row(g)]], rows[b], sem_g[b])

    def wait_gather(b):
        pltpu.make_async_copy(
            table_hbm.at[pl.ds(0, CHUNK)], rows[b], sem_g[b]
        ).wait()

    def wait_scatter(b):
        pltpu.make_async_copy(
            table_hbm.at[pl.ds(0, CHUNK)], rows[b], sem_sc[b]
        ).wait()

    load_block(jnp.int32(0))
    for b in range(LOOKAHEAD):
        issue_gather(jnp.int32(b), b)

    def group_body(grp, carry):
        for b in range(RING):
            g = grp * RING + b
            b2 = (b + LOOKAHEAD) % RING
            srow = idx_row(g)

            if b == LOOKAHEAD:
                @pl.when(
                    jnp.logical_and(lax.rem(grp, 2) == 0, grp < NGRP - 2)
                )
                def _():
                    issue_block(lax.div(g, BLK_CH) + 1)

                @pl.when(
                    jnp.logical_and(lax.rem(grp, 2) == 1, grp < NGRP - 1)
                )
                def _():
                    finish_block(lax.div(g, BLK_CH) + 1)

            for j in range(CHUNK // 16):
                v = isrc[srow, pl.ds(j * 16, 16)]
                plsc.addupdate_scatter(
                    cnt_local,
                    [lax.shift_right_logical(v, 7), lax.bitwise_and(v, 127)],
                    ones16,
                )

            wait_gather(b)
            pltpu.async_copy(
                rows[b], emb_acc.at[isrc.at[srow]], sem_sc[b], add=True
            )

            def issue_next():
                if b < LOOKAHEAD:
                    @pl.when(grp > 0)
                    def _():
                        wait_scatter(b2)
                else:
                    wait_scatter(b2)
                issue_gather(g + LOOKAHEAD, b2)

            @pl.when(jnp.logical_or(grp < NGRP - 1, b < RING - LOOKAHEAD))
            def _():
                issue_next()

        return carry

    lax.fori_loop(0, NGRP, group_body, 0)

    for b in range(RING):
        wait_scatter(b)
    pltpu.sync_copy(cnt_local, cnt_acc.at[idx80], add=True)
    plsc.subcore_barrier()

    crows = CNT_ROWS // NS
    pltpu.sync_copy(cnt_acc.at[pl.ds(s * crows, crows)], cntv)
    for j in range(crows):
        r0 = base_r + j * CHUNK
        pltpu.sync_copy(emb_acc.at[pl.ds(r0, CHUNK)], rows0)
        jrow = jnp.full((16,), j, _i32)

        def div_row(r, carry):
            cntr = plsc.load_gather(cntv, [jrow, jnp.zeros((16,), _i32) + r])
            denom = jnp.where(cntr == 0.0, _f32(1.0), cntr)
            for k in range(DH // 16):
                sl = pl.ds(k * 16, 16)
                rows0[r, sl] = rows0[r, sl] / denom
            return carry

        lax.fori_loop(0, CHUNK, div_row, 0)
        pltpu.sync_copy(rows0, emb_out.at[pl.ds(tbl_off + r0, CHUNK)])


def _combine_body(e_ref, o_ref):
    o_ref[...] = jnp.concatenate([e_ref[0], e_ref[1]], axis=1)


def _combine(emb_part):
    blk = 400
    grid = N // blk
    return pl.pallas_call(
        _combine_body,
        grid=(grid,),
        in_specs=[pl.BlockSpec((NC, blk, DH), lambda i: (0, i, 0))],
        out_specs=pl.BlockSpec((blk, D), lambda i: (i, 0)),
        out_shape=jax.ShapeDtypeStruct((N, D), _f32),
    )(emb_part)


def kernel(local_features, W1, b1, W2, b2, nodes, edge_index, ind):
    x_pad = jnp.pad(local_features, ((0, N_PAD - N), (0, 0)))
    new_emb = _mlp(x_pad, W1, b1, W2, b2)
    table = new_emb.reshape(NC * N_PAD, DH)

    pad = jnp.full((E_PAD - E,), DUMMY, dtype=_i32)
    src = jnp.concatenate([edge_index[0].astype(_i32), pad])
    dst = jnp.concatenate([edge_index[1].astype(_i32), pad])
    src_blk = src.reshape(NS * NBLK, BLK_CH, CHUNK)
    dst_blk = dst.reshape(NS * NBLK, BLK_CH, CHUNK)

    emb_flat = _sc_aggregate(src_blk, dst_blk, table)
    return _combine(emb_flat.reshape(NC, N_PAD, DH))

# --- scband reference (transcript-rebuilt; emitter-appended) ---
"""Pipeline reference for scband-mean-aggregator-e-2551210574180 (READ-ONLY COPY).

The authoritative reference and input builder live on the scoring server;
editing this copy changes nothing except your own understanding.
"""

import jax, jax.numpy as jnp
import numpy as np

N_NODES = 10000
N_EDGES = 320000
IN_DIM = 128
OUT_DIM = 128

def setup_inputs(seed: int = 0) -> dict:
    key = jax.random.key(seed)
    k1, k2, k3, k4, k5, k6 = jax.random.split(key, 6)
    nodes = jnp.arange(N_NODES, dtype=jnp.int64) if jax.config.jax_enable_x64 else jnp.arange(N_NODES, dtype=jnp.int32)
    edge_index = jax.random.randint(k1, (2, N_EDGES), 0, N_NODES, dtype=jnp.int32)
    local_features = jax.random.normal(k2, (N_NODES, IN_DIM), dtype=jnp.float32)
    W1 = jax.random.normal(k3, (IN_DIM, OUT_DIM), dtype=jnp.float32) * (1.0 / np.sqrt(IN_DIM))
    b1 = jnp.zeros((OUT_DIM,), dtype=jnp.float32)
    W2 = jax.random.normal(k4, (OUT_DIM, OUT_DIM), dtype=jnp.float32) * (1.0 / np.sqrt(OUT_DIM))
    b2 = jnp.zeros((OUT_DIM,), dtype=jnp.float32)
    return {"local_features": local_features, "W1": W1, "b1": b1, "W2": W2, "b2": b2, "nodes": nodes, "edge_index": edge_index, "ind": 1}

def reference(local_features, W1, b1, W2, b2, nodes, edge_index, ind):
    # mask applied to self-loop edge weights per `ind`
    mask = jnp.array([1.0, 1.0, 0.0, 0.0], dtype=jnp.float32)
    N = local_features.shape[0]
    # features(n2, local_features): gather node features (nodes == arange(N), so
    # unique_nodes_list covers all nodes and the relabeling dict is identity)
    x = jnp.take(local_features, nodes, axis=0)
    # out_linear_layer: Linear -> Tanh -> Linear
    h = jnp.tanh(x @ W1 + b1)
    new_embeddings = h @ W2 + b2
    src = edge_index[0]
    dst = edge_index[1]
    # sparse adjacency values: mask[ind] on diagonal (self loops), 1 elsewhere
    values = jnp.where(src == dst, mask[ind], jnp.float32(1.0))
    # row_sum = spmm(matrix, ones)
    row_sum = jax.ops.segment_sum(values, src, num_segments=N)
    row_sum = jnp.where(row_sum == 0, jnp.float32(1.0), row_sum)
    # results = spmm(matrix, new_embeddings)
    results = jax.ops.segment_sum(values[:, None] * jnp.take(new_embeddings, dst, axis=0), src, num_segments=N)
    output_emb = results / row_sum[:, None]
    return jnp.take(output_emb, nodes, axis=0)

if __name__ == "__main__":
    import jax
    _d = setup_inputs()
    print(jax.jit(kernel)(*tuple(_d.values())))

</pallas_src>

<mosaic_0001>
#map = affine_map<(d0, d1) -> (0, 0, 0)>
#map1 = affine_map<(d0, d1) -> (0, 0)>
module attributes {stable_mosaic.version = 14 : i64} {
  func.func @_sc_aggregate(%arg0: i32, %arg1: i32, %arg2: memref<160x16x128xi32, #tpu.memory_space<hbm>>, %arg3: memref<160x16x128xi32, #tpu.memory_space<hbm>>, %arg4: memref<20480x64xf32, #tpu.memory_space<hbm>>, %arg5: memref<20480x64xf32, #tpu.memory_space<hbm>>, %arg6: memref<32x128xi32, #tpu.memory_space<vmem>>, %arg7: memref<32x128xi32, #tpu.memory_space<vmem>>, %arg8: memref<80x128xf32, #tpu.memory_space<vmem>>, %arg9: memref<5x128xf32, #tpu.memory_space<vmem>>, %arg10: memref<80xi32, #tpu.memory_space<vmem>>, %arg11: memref<128x64xf32, #tpu.memory_space<vmem>>, %arg12: memref<128x64xf32, #tpu.memory_space<vmem>>, %arg13: memref<128x64xf32, #tpu.memory_space<vmem>>, %arg14: memref<128x64xf32, #tpu.memory_space<vmem>>, %arg15: memref<128x64xf32, #tpu.memory_space<vmem>>, %arg16: memref<128x64xf32, #tpu.memory_space<vmem>>, %arg17: memref<128x64xf32, #tpu.memory_space<vmem>>, %arg18: memref<128x64xf32, #tpu.memory_space<vmem>>, %arg19: memref<10240x64xf32, #tpu.memory_space<vmem_shared>>, %arg20: memref<80x128xf32, #tpu.memory_space<vmem_shared>>, %arg21: memref<!tpu.dma_semaphore, #tpu.memory_space<semaphore_mem>>, %arg22: memref<!tpu.dma_semaphore, #tpu.memory_space<semaphore_mem>>, %arg23: memref<!tpu.dma_semaphore, #tpu.memory_space<semaphore_mem>>, %arg24: memref<!tpu.dma_semaphore, #tpu.memory_space<semaphore_mem>>, %arg25: memref<!tpu.dma_semaphore, #tpu.memory_space<semaphore_mem>>, %arg26: memref<!tpu.dma_semaphore, #tpu.memory_space<semaphore_mem>>, %arg27: memref<!tpu.dma_semaphore, #tpu.memory_space<semaphore_mem>>, %arg28: memref<!tpu.dma_semaphore, #tpu.memory_space<semaphore_mem>>, %arg29: memref<!tpu.dma_semaphore, #tpu.memory_space<semaphore_mem>>, %arg30: memref<!tpu.dma_semaphore, #tpu.memory_space<semaphore_mem>>, %arg31: memref<!tpu.dma_semaphore, #tpu.memory_space<semaphore_mem>>, %arg32: memref<!tpu.dma_semaphore, #tpu.memory_space<semaphore_mem>>, %arg33: memref<!tpu.dma_semaphore, #tpu.memory_space<semaphore_mem>>, %arg34: memref<!tpu.dma_semaphore, #tpu.memory_space<semaphore_mem>>, %arg35: memref<!tpu.dma_semaphore, #tpu.memory_space<semaphore_mem>>, %arg36: memref<!tpu.dma_semaphore, #tpu.memory_space<semaphore_mem>>, %arg37: memref<!tpu.dma_semaphore, #tpu.memory_space<semaphore_mem>>) attributes {dimension_semantics = [#tpu.dimension_semantics<core_parallel>, #tpu.dimension_semantics<subcore_parallel>], iteration_bounds = array<i64: 2, 16>, scalar_prefetch = 0 : i64, scratch_operands = 32 : i64, tpu.core_type = #tpu.core_type<sc_vector_subcore>, window_params = [{transform_indices = #map}, {transform_indices = #map}, {transform_indices = #map1}, {transform_indices = #map1}]} {
    %mul3A = arith.constant 10240 : i32
    %mul3A_0 = arith.muli %arg0, %mul3A : i32
    %broadcast_in_dim3A = arith.constant 1.000000e+00 : f32
    %broadcast_in_dim3A_1 = vector.broadcast %broadcast_in_dim3A : f32 to vector<16xf32>
    %scan3A = arith.constant 0 : i32
    %scan3A_2 = arith.constant 0 : i32
    %scan3A_3 = arith.constant 128 : i32
    %scan3A_4 = arith.addi %scan3A_2, %scan3A_3 : i32
    %scan3A_5 = arith.constant 1 : i32
    scf.for %scan3A_547 = %scan3A_2 to %scan3A_4 step %scan3A_5  : i32 {
      %broadcast_in_dim3A_548 = arith.constant 0.000000e+00 : f32
      %broadcast_in_dim3A_549 = vector.broadcast %broadcast_in_dim3A_548 : f32 to vector<16xf32>
      %swap3A_550 = arith.index_cast %scan3A_547 : i32 to index
      %swap3A_551 = arith.constant 0 : index
      %swap3A_552 = tpu.vector_load %arg11[%swap3A_550, %swap3A_551] {strides = array<i32>} : memref<128x64xf32, #tpu.memory_space<vmem>>, vector<16xf32>,
      tpu.vector_store %arg11[%swap3A_550, %swap3A_551], %broadcast_in_dim3A_549 {strides = array<i32>} : memref<128x64xf32, #tpu.memory_space<vmem>>, vector<16xf32>,
      %broadcast_in_dim3A_553 = arith.constant 0.000000e+00 : f32
      %broadcast_in_dim3A_554 = vector.broadcast %broadcast_in_dim3A_553 : f32 to vector<16xf32>
      %swap3A_555 = arith.index_cast %scan3A_547 : i32 to index
      %swap3A_556 = arith.constant 16 : index
      %swap3A_557 = tpu.vector_load %arg11[%swap3A_555, %swap3A_556] {strides = array<i32>} : memref<128x64xf32, #tpu.memory_space<vmem>>, vector<16xf32>,
      tpu.vector_store %arg11[%swap3A_555, %swap3A_556], %broadcast_in_dim3A_554 {strides = array<i32>} : memref<128x64xf32, #tpu.memory_space<vmem>>, vector<16xf32>,
      %broadcast_in_dim3A_558 = arith.constant 0.000000e+00 : f32
      %broadcast_in_dim3A_559 = vector.broadcast %broadcast_in_dim3A_558 : f32 to vector<16xf32>
      %swap3A_560 = arith.index_cast %scan3A_547 : i32 to index
      %swap3A_561 = arith.constant 32 : index
      %swap3A_562 = tpu.vector_load %arg11[%swap3A_560, %swap3A_561] {strides = array<i32>} : memref<128x64xf32, #tpu.memory_space<vmem>>, vector<16xf32>,
      tpu.vector_store %arg11[%swap3A_560, %swap3A_561], %broadcast_in_dim3A_559 {strides = array<i32>} : memref<128x64xf32, #tpu.memory_space<vmem>>, vector<16xf32>,
      %broadcast_in_dim3A_563 = arith.constant 0.000000e+00 : f32
      %broadcast_in_dim3A_564 = vector.broadcast %broadcast_in_dim3A_563 : f32 to vector<16xf32>
      %swap3A_565 = arith.index_cast %scan3A_547 : i32 to index
      %swap3A_566 = arith.constant 48 : index
      %swap3A_567 = tpu.vector_load %arg11[%swap3A_565, %swap3A_566] {strides = array<i32>} : memref<128x64xf32, #tpu.memory_space<vmem>>, vector<16xf32>,
      tpu.vector_store %arg11[%swap3A_565, %swap3A_566], %broadcast_in_dim3A_564 {strides = array<i32>} : memref<128x64xf32, #tpu.memory_space<vmem>>, vector<16xf32>,
    }
    %scan3A_6 = arith.constant 128 : i32
    %scan3A_7 = arith.constant 0 : i32
    %scan3A_8 = arith.constant 0 : i32
    %scan3A_9 = arith.constant 80 : i32
    %scan3A_10 = arith.addi %scan3A_8, %scan3A_9 : i32
    %scan3A_11 = arith.constant 1 : i32
    scf.for %scan3A_547 = %scan3A_8 to %scan3A_10 step %scan3A_11  : i32 {
      %broadcast_in_dim3A_548 = arith.constant 0.000000e+00 : f32
      %broadcast_in_dim3A_549 = vector.broadcast %broadcast_in_dim3A_548 : f32 to vector<16xf32>
      %swap3A_550 = arith.index_cast %scan3A_547 : i32 to index
      %swap3A_551 = arith.constant 0 : index
      %swap3A_552 = tpu.vector_load %arg8[%swap3A_550, %swap3A_551] {strides = array<i32>} : memref<80x128xf32, #tpu.memory_space<vmem>>, vector<16xf32>,
      tpu.vector_store %arg8[%swap3A_550, %swap3A_551], %broadcast_in_dim3A_549 {strides = array<i32>} : memref<80x128xf32, #tpu.memory_space<vmem>>, vector<16xf32>,
      %broadcast_in_dim3A_553 = arith.constant 0.000000e+00 : f32
      %broadcast_in_dim3A_554 = vector.broadcast %broadcast_in_dim3A_553 : f32 to vector<16xf32>
      %swap3A_555 = arith.index_cast %scan3A_547 : i32 to index
      %swap3A_556 = arith.constant 16 : index
      %swap3A_557 = tpu.vector_load %arg8[%swap3A_555, %swap3A_556] {strides = array<i32>} : memref<80x128xf32, #tpu.memory_space<vmem>>, vector<16xf32>,
      tpu.vector_store %arg8[%swap3A_555, %swap3A_556], %broadcast_in_dim3A_554 {strides = array<i32>} : memref<80x128xf32, #tpu.memory_space<vmem>>, vector<16xf32>,
      %broadcast_in_dim3A_558 = arith.constant 0.000000e+00 : f32
      %broadcast_in_dim3A_559 = vector.broadcast %broadcast_in_dim3A_558 : f32 to vector<16xf32>
      %swap3A_560 = arith.index_cast %scan3A_547 : i32 to index
      %swap3A_561 = arith.constant 32 : index
      %swap3A_562 = tpu.vector_load %arg8[%swap3A_560, %swap3A_561] {strides = array<i32>} : memref<80x128xf32, #tpu.memory_space<vmem>>, vector<16xf32>,
      tpu.vector_store %arg8[%swap3A_560, %swap3A_561], %broadcast_in_dim3A_559 {strides = array<i32>} : memref<80x128xf32, #tpu.memory_space<vmem>>, vector<16xf32>,
      %broadcast_in_dim3A_563 = arith.constant 0.000000e+00 : f32
      %broadcast_in_dim3A_564 = vector.broadcast %broadcast_in_dim3A_563 : f32 to vector<16xf32>
      %swap3A_565 = arith.index_cast %scan3A_547 : i32 to index
      %swap3A_566 = arith.constant 48 : index
      %swap3A_567 = tpu.vector_load %arg8[%swap3A_565, %swap3A_566] {strides = array<i32>} : memref<80x128xf32, #tpu.memory_space<vmem>>, vector<16xf32>,
      tpu.vector_store %arg8[%swap3A_565, %swap3A_566], %broadcast_in_dim3A_564 {strides = array<i32>} : memref<80x128xf32, #tpu.memory_space<vmem>>, vector<16xf32>,
      %broadcast_in_dim3A_568 = arith.constant 0.000000e+00 : f32
      %broadcast_in_dim3A_569 = vector.broadcast %broadcast_in_dim3A_568 : f32 to vector<16xf32>
      %swap3A_570 = arith.index_cast %scan3A_547 : i32 to index
      %swap3A_571 = arith.constant 64 : index
      %swap3A_572 = tpu.vector_load %arg8[%swap3A_570, %swap3A_571] {strides = array<i32>} : memref<80x128xf32, #tpu.memory_space<vmem>>, vector<16xf32>,
      tpu.vector_store %arg8[%swap3A_570, %swap3A_571], %broadcast_in_dim3A_569 {strides = array<i32>} : memref<80x128xf32, #tpu.memory_space<vmem>>, vector<16xf32>,
      %broadcast_in_dim3A_573 = arith.constant 0.000000e+00 : f32
      %broadcast_in_dim3A_574 = vector.broadcast %broadcast_in_dim3A_573 : f32 to vector<16xf32>
      %swap3A_575 = arith.index_cast %scan3A_547 : i32 to index
      %swap3A_576 = arith.constant 80 : index
      %swap3A_577 = tpu.vector_load %arg8[%swap3A_575, %swap3A_576] {strides = array<i32>} : memref<80x128xf32, #tpu.memory_space<vmem>>, vector<16xf32>,
      tpu.vector_store %arg8[%swap3A_575, %swap3A_576], %broadcast_in_dim3A_574 {strides = array<i32>} : memref<80x128xf32, #tpu.memory_space<vmem>>, vector<16xf32>,
      %broadcast_in_dim3A_578 = arith.constant 0.000000e+00 : f32
      %broadcast_in_dim3A_579 = vector.broadcast %broadcast_in_dim3A_578 : f32 to vector<16xf32>
      %swap3A_580 = arith.index_cast %scan3A_547 : i32 to index
      %swap3A_581 = arith.constant 96 : index
      %swap3A_582 = tpu.vector_load %arg8[%swap3A_580, %swap3A_581] {strides = array<i32>} : memref<80x128xf32, #tpu.memory_space<vmem>>, vector<16xf32>,
      tpu.vector_store %arg8[%swap3A_580, %swap3A_581], %broadcast_in_dim3A_579 {strides = array<i32>} : memref<80x128xf32, #tpu.memory_space<vmem>>, vector<16xf32>,
      %broadcast_in_dim3A_583 = arith.constant 0.000000e+00 : f32
      %broadcast_in_dim3A_584 = vector.broadcast %broadcast_in_dim3A_583 : f32 to vector<16xf32>
      %swap3A_585 = arith.index_cast %scan3A_547 : i32 to index
      %swap3A_586 = arith.constant 112 : index
      %swap3A_587 = tpu.vector_load %arg8[%swap3A_585, %swap3A_586] {strides = array<i32>} : memref<80x128xf32, #tpu.memory_space<vmem>>, vector<16xf32>,
      tpu.vector_store %arg8[%swap3A_585, %swap3A_586], %broadcast_in_dim3A_584 {strides = array<i32>} : memref<80x128xf32, #tpu.memory_space<vmem>>, vector<16xf32>,
    }
    %scan3A_12 = arith.constant 80 : i32
    %broadcast_in_dim3A_13 = arith.constant 0.000000e+00 : f32
    %broadcast_in_dim3A_14 = vector.broadcast %broadcast_in_dim3A_13 : f32 to vector<16xf32>
    %swap3A = arith.constant 0 : i32
    %swap3A_15 = arith.index_cast %swap3A : i32 to index
    %swap3A_16 = arith.constant 0 : index
    %swap3A_17 = tpu.vector_load %arg9[%swap3A_15, %swap3A_16] {strides = array<i32>} : memref<5x128xf32, #tpu.memory_space<vmem>>, vector<16xf32>,
    tpu.vector_store %arg9[%swap3A_15, %swap3A_16], %broadcast_in_dim3A_14 {strides = array<i32>} : memref<5x128xf32, #tpu.memory_space<vmem>>, vector<16xf32>,
    %broadcast_in_dim3A_18 = arith.constant 0.000000e+00 : f32
    %broadcast_in_dim3A_19 = vector.broadcast %broadcast_in_dim3A_18 : f32 to vector<16xf32>
    %swap3A_20 = arith.constant 0 : i32
    %swap3A_21 = arith.index_cast %swap3A_20 : i32 to index
    %swap3A_22 = arith.constant 16 : index
    %swap3A_23 = tpu.vector_load %arg9[%swap3A_21, %swap3A_22] {strides = array<i32>} : memref<5x128xf32, #tpu.memory_space<vmem>>, vector<16xf32>,
    tpu.vector_store %arg9[%swap3A_21, %swap3A_22], %broadcast_in_dim3A_19 {strides = array<i32>} : memref<5x128xf32, #tpu.memory_space<vmem>>, vector<16xf32>,
    %broadcast_in_dim3A_24 = arith.constant 0.000000e+00 : f32
    %broadcast_in_dim3A_25 = vector.broadcast %broadcast_in_dim3A_24 : f32 to vector<16xf32>
    %swap3A_26 = arith.constant 0 : i32
    %swap3A_27 = arith.index_cast %swap3A_26 : i32 to index
    %swap3A_28 = arith.constant 32 : index
    %swap3A_29 = tpu.vector_load %arg9[%swap3A_27, %swap3A_28] {strides = array<i32>} : memref<5x128xf32, #tpu.memory_space<vmem>>, vector<16xf32>,
    tpu.vector_store %arg9[%swap3A_27, %swap3A_28], %broadcast_in_dim3A_25 {strides = array<i32>} : memref<5x128xf32, #tpu.memory_space<vmem>>, vector<16xf32>,
    %broadcast_in_dim3A_30 = arith.constant 0.000000e+00 : f32
    %broadcast_in_dim3A_31 = vector.broadcast %broadcast_in_dim3A_30 : f32 to vector<16xf32>
    %swap3A_32 = arith.constant 0 : i32
    %swap3A_33 = arith.index_cast %swap3A_32 : i32 to index
    %swap3A_34 = arith.constant 48 : index
    %swap3A_35 = tpu.vector_load %arg9[%swap3A_33, %swap3A_34] {strides = array<i32>} : memref<5x128xf32, #tpu.memory_space<vmem>>, vector<16xf32>,
    tpu.vector_store %arg9[%swap3A_33, %swap3A_34], %broadcast_in_dim3A_31 {strides = array<i32>} : memref<5x128xf32, #tpu.memory_space<vmem>>, vector<16xf32>,
    %broadcast_in_dim3A_36 = arith.constant 0.000000e+00 : f32
    %broadcast_in_dim3A_37 = vector.broadcast %broadcast_in_dim3A_36 : f32 to vector<16xf32>
    %swap3A_38 = arith.constant 0 : i32
    %swap3A_39 = arith.index_cast %swap3A_38 : i32 to index
    %swap3A_40 = arith.constant 64 : index
    %swap3A_41 = tpu.vector_load %arg9[%swap3A_39, %swap3A_40] {strides = array<i32>} : memref<5x128xf32, #tpu.memory_space<vmem>>, vector<16xf32>,
    tpu.vector_store %arg9[%swap3A_39, %swap3A_40], %broadcast_in_dim3A_37 {strides = array<i32>} : memref<5x128xf32, #tpu.memory_space<vmem>>, vector<16xf32>,
    %broadcast_in_dim3A_42 = arith.constant 0.000000e+00 : f32
    %broadcast_in_dim3A_43 = vector.broadcast %broadcast_in_dim3A_42 : f32 to vector<16xf32>
    %swap3A_44 = arith.constant 0 : i32
    %swap3A_45 = arith.index_cast %swap3A_44 : i32 to index
    %swap3A_46 = arith.constant 80 : index
    %swap3A_47 = tpu.vector_load %arg9[%swap3A_45, %swap3A_46] {strides = array<i32>} : memref<5x128xf32, #tpu.memory_space<vmem>>, vector<16xf32>,
    tpu.vector_store %arg9[%swap3A_45, %swap3A_46], %broadcast_in_dim3A_43 {strides = array<i32>} : memref<5x128xf32, #tpu.memory_space<vmem>>, vector<16xf32>,
    %broadcast_in_dim3A_48 = arith.constant 0.000000e+00 : f32
    %broadcast_in_dim3A_49 = vector.broadcast %broadcast_in_dim3A_48 : f32 to vector<16xf32>
    %swap3A_50 = arith.constant 0 : i32
    %swap3A_51 = arith.index_cast %swap3A_50 : i32 to index
    %swap3A_52 = arith.constant 96 : index
    %swap3A_53 = tpu.vector_load %arg9[%swap3A_51, %swap3A_52] {strides = array<i32>} : memref<5x128xf32, #tpu.memory_space<vmem>>, vector<16xf32>,
    tpu.vector_store %arg9[%swap3A_51, %swap3A_52], %broadcast_in_dim3A_49 {strides = array<i32>} : memref<5x128xf32, #tpu.memory_space<vmem>>, vector<16xf32>,
    %broadcast_in_dim3A_54 = arith.constant 0.000000e+00 : f32
    %broadcast_in_dim3A_55 = vector.broadcast %broadcast_in_dim3A_54 : f32 to vector<16xf32>
    %swap3A_56 = arith.constant 0 : i32
    %swap3A_57 = arith.index_cast %swap3A_56 : i32 to index
    %swap3A_58 = arith.constant 112 : index
    %swap3A_59 = tpu.vector_load %arg9[%swap3A_57, %swap3A_58] {strides = array<i32>} : memref<5x128xf32, #tpu.memory_space<vmem>>, vector<16xf32>,
    tpu.vector_store %arg9[%swap3A_57, %swap3A_58], %broadcast_in_dim3A_55 {strides = array<i32>} : memref<5x128xf32, #tpu.memory_space<vmem>>, vector<16xf32>,
    %broadcast_in_dim3A_60 = arith.constant 0.000000e+00 : f32
    %broadcast_in_dim3A_61 = vector.broadcast %broadcast_in_dim3A_60 : f32 to vector<16xf32>
    %swap3A_62 = arith.constant 1 : i32
    %swap3A_63 = arith.index_cast %swap3A_62 : i32 to index
    %swap3A_64 = arith.constant 0 : index
    %swap3A_65 = tpu.vector_load %arg9[%swap3A_63, %swap3A_64] {strides = array<i32>} : memref<5x128xf32, #tpu.memory_space<vmem>>, vector<16xf32>,
    tpu.vector_store %arg9[%swap3A_63, %swap3A_64], %broadcast_in_dim3A_61 {strides = array<i32>} : memref<5x128xf32, #tpu.memory_space<vmem>>, vector<16xf32>,
    %broadcast_in_dim3A_66 = arith.constant 0.000000e+00 : f32
    %broadcast_in_dim3A_67 = vector.broadcast %broadcast_in_dim3A_66 : f32 to vector<16xf32>
    %swap3A_68 = arith.constant 1 : i32
    %swap3A_69 = arith.index_cast %swap3A_68 : i32 to index
    %swap3A_70 = arith.constant 16 : index
    %swap3A_71 = tpu.vector_load %arg9[%swap3A_69, %swap3A_70] {strides = array<i32>} : memref<5x128xf32, #tpu.memory_space<vmem>>, vector<16xf32>,
    tpu.vector_store %arg9[%swap3A_69, %swap3A_70], %broadcast_in_dim3A_67 {strides = array<i32>} : memref<5x128xf32, #tpu.memory_space<vmem>>, vector<16xf32>,
    %broadcast_in_dim3A_72 = arith.constant 0.000000e+00 : f32
    %broadcast_in_dim3A_73 = vector.broadcast %broadcast_in_dim3A_72 : f32 to vector<16xf32>
    %swap3A_74 = arith.constant 1 : i32
    %swap3A_75 = arith.index_cast %swap3A_74 : i32 to index
    %swap3A_76 = arith.constant 32 : index
    %swap3A_77 = tpu.vector_load %arg9[%swap3A_75, %swap3A_76] {strides = array<i32>} : memref<5x128xf32, #tpu.memory_space<vmem>>, vector<16xf32>,
    tpu.vector_store %arg9[%swap3A_75, %swap3A_76], %broadcast_in_dim3A_73 {strides = array<i32>} : memref<5x128xf32, #tpu.memory_space<vmem>>, vector<16xf32>,
    %broadcast_in_dim3A_78 = arith.constant 0.000000e+00 : f32
    %broadcast_in_dim3A_79 = vector.broadcast %broadcast_in_dim3A_78 : f32 to vector<16xf32>
    %swap3A_80 = arith.constant 1 : i32
    %swap3A_81 = arith.index_cast %swap3A_80 : i32 to index
    %swap3A_82 = arith.constant 48 : index
    %swap3A_83 = tpu.vector_load %arg9[%swap3A_81, %swap3A_82] {strides = array<i32>} : memref<5x128xf32, #tpu.memory_space<vmem>>, vector<16xf32>,
    tpu.vector_store %arg9[%swap3A_81, %swap3A_82], %broadcast_in_dim3A_79 {strides = array<i32>} : memref<5x128xf32, #tpu.memory_space<vmem>>, vector<16xf32>,
    %broadcast_in_dim3A_84 = arith.constant 0.000000e+00 : f32
    %broadcast_in_dim3A_85 = vector.broadcast %broadcast_in_dim3A_84 : f32 to vector<16xf32>
    %swap3A_86 = arith.constant 1 : i32
    %swap3A_87 = arith.index_cast %swap3A_86 : i32 to index
    %swap3A_88 = arith.constant 64 : index
    %swap3A_89 = tpu.vector_load %arg9[%swap3A_87, %swap3A_88] {strides = array<i32>} : memref<5x128xf32, #tpu.memory_space<vmem>>, vector<16xf32>,
    tpu.vector_store %arg9[%swap3A_87, %swap3A_88], %broadcast_in_dim3A_85 {strides = array<i32>} : memref<5x128xf32, #tpu.memory_space<vmem>>, vector<16xf32>,
    %broadcast_in_dim3A_90 = arith.constant 0.000000e+00 : f32
    %broadcast_in_dim3A_91 = vector.broadcast %broadcast_in_dim3A_90 : f32 to vector<16xf32>
    %swap3A_92 = arith.constant 1 : i32
    %swap3A_93 = arith.index_cast %swap3A_92 : i32 to index
    %swap3A_94 = arith.constant 80 : index
    %swap3A_95 = tpu.vector_load %arg9[%swap3A_93, %swap3A_94] {strides = array<i32>} : memref<5x128xf32, #tpu.memory_space<vmem>>, vector<16xf32>,
    tpu.vector_store %arg9[%swap3A_93, %swap3A_94], %broadcast_in_dim3A_91 {strides = array<i32>} : memref<5x128xf32, #tpu.memory_space<vmem>>, vector<16xf32>,
    %broadcast_in_dim3A_96 = arith.constant 0.000000e+00 : f32
    %broadcast_in_dim3A_97 = vector.broadcast %broadcast_in_dim3A_96 : f32 to vector<16xf32>
    %swap3A_98 = arith.constant 1 : i32
    %swap3A_99 = arith.index_cast %swap3A_98 : i32 to index
    %swap3A_100 = arith.constant 96 : index
    %swap3A_101 = tpu.vector_load %arg9[%swap3A_99, %swap3A_100] {strides = array<i32>} : memref<5x128xf32, #tpu.memory_space<vmem>>, vector<16xf32>,
    tpu.vector_store %arg9[%swap3A_99, %swap3A_100], %broadcast_in_dim3A_97 {strides = array<i32>} : memref<5x128xf32, #tpu.memory_space<vmem>>, vector<16xf32>,
    %broadcast_in_dim3A_102 = arith.constant 0.000000e+00 : f32
    %broadcast_in_dim3A_103 = vector.broadcast %broadcast_in_dim3A_102 : f32 to vector<16xf32>
    %swap3A_104 = arith.constant 1 : i32
    %swap3A_105 = arith.index_cast %swap3A_104 : i32 to index
    %swap3A_106 = arith.constant 112 : index
    %swap3A_107 = tpu.vector_load %arg9[%swap3A_105, %swap3A_106] {strides = array<i32>} : memref<5x128xf32, #tpu.memory_space<vmem>>, vector<16xf32>,
    tpu.vector_store %arg9[%swap3A_105, %swap3A_106], %broadcast_in_dim3A_103 {strides = array<i32>} : memref<5x128xf32, #tpu.memory_space<vmem>>, vector<16xf32>,
    %broadcast_in_dim3A_108 = arith.constant 0.000000e+00 : f32
    %broadcast_in_dim3A_109 = vector.broadcast %broadcast_in_dim3A_108 : f32 to vector<16xf32>
    %swap3A_110 = arith.constant 2 : i32
    %swap3A_111 = arith.index_cast %swap3A_110 : i32 to index
    %swap3A_112 = arith.constant 0 : index
    %swap3A_113 = tpu.vector_load %arg9[%swap3A_111, %swap3A_112] {strides = array<i32>} : memref<5x128xf32, #tpu.memory_space<vmem>>, vector<16xf32>,
    tpu.vector_store %arg9[%swap3A_111, %swap3A_112], %broadcast_in_dim3A_109 {strides = array<i32>} : memref<5x128xf32, #tpu.memory_space<vmem>>, vector<16xf32>,
    %broadcast_in_dim3A_114 = arith.constant 0.000000e+00 : f32
    %broadcast_in_dim3A_115 = vector.broadcast %broadcast_in_dim3A_114 : f32 to vector<16xf32>
    %swap3A_116 = arith.constant 2 : i32
    %swap3A_117 = arith.index_cast %swap3A_116 : i32 to index
    %swap3A_118 = arith.constant 16 : index
    %swap3A_119 = tpu.vector_load %arg9[%swap3A_117, %swap3A_118] {strides = array<i32>} : memref<5x128xf32, #tpu.memory_space<vmem>>, vector<16xf32>,
    tpu.vector_store %arg9[%swap3A_117, %swap3A_118], %broadcast_in_dim3A_115 {strides = array<i32>} : memref<5x128xf32, #tpu.memory_space<vmem>>, vector<16xf32>,
    %broadcast_in_dim3A_120 = arith.constant 0.000000e+00 : f32
    %broadcast_in_dim3A_121 = vector.broadcast %broadcast_in_dim3A_120 : f32 to vector<16xf32>
    %swap3A_122 = arith.constant 2 : i32
    %swap3A_123 = arith.index_cast %swap3A_122 : i32 to index
    %swap3A_124 = arith.constant 32 : index
    %swap3A_125 = tpu.vector_load %arg9[%swap3A_123, %swap3A_124] {strides = array<i32>} : memref<5x128xf32, #tpu.memory_space<vmem>>, vector<16xf32>,
    tpu.vector_store %arg9[%swap3A_123, %swap3A_124], %broadcast_in_dim3A_121 {strides = array<i32>} : memref<5x128xf32, #tpu.memory_space<vmem>>, vector<16xf32>,
    %broadcast_in_dim3A_126 = arith.constant 0.000000e+00 : f32
    %broadcast_in_dim3A_127 = vector.broadcast %broadcast_in_dim3A_126 : f32 to vector<16xf32>
    %swap3A_128 = arith.constant 2 : i32
    %swap3A_129 = arith.index_cast %swap3A_128 : i32 to index
    %swap3A_130 = arith.constant 48 : index
    %swap3A_131 = tpu.vector_load %arg9[%swap3A_129, %swap3A_130] {strides = array<i32>} : memref<5x128xf32, #tpu.memory_space<vmem>>, vector<16xf32>,
    tpu.vector_store %arg9[%swap3A_129, %swap3A_130], %broadcast_in_dim3A_127 {strides = array<i32>} : memref<5x128xf32, #tpu.memory_space<vmem>>, vector<16xf32>,
    %broadcast_in_dim3A_132 = arith.constant 0.000000e+00 : f32
    %broadcast_in_dim3A_133 = vector.broadcast %broadcast_in_dim3A_132 : f32 to vector<16xf32>
    %swap3A_134 = arith.constant 2 : i32
    %swap3A_135 = arith.index_cast %swap3A_134 : i32 to index
    %swap3A_136 = arith.constant 64 : index
    %swap3A_137 = tpu.vector_load %arg9[%swap3A_135, %swap3A_136] {strides = array<i32>} : memref<5x128xf32, #tpu.memory_space<vmem>>, vector<16xf32>,
    tpu.vector_store %arg9[%swap3A_135, %swap3A_136], %broadcast_in_dim3A_133 {strides = array<i32>} : memref<5x128xf32, #tpu.memory_space<vmem>>, vector<16xf32>,
    %broadcast_in_dim3A_138 = arith.constant 0.000000e+00 : f32
    %broadcast_in_dim3A_139 = vector.broadcast %broadcast_in_dim3A_138 : f32 to vector<16xf32>
    %swap3A_140 = arith.constant 2 : i32
    %swap3A_141 = arith.index_cast %swap3A_140 : i32 to index
    %swap3A_142 = arith.constant 80 : index
    %swap3A_143 = tpu.vector_load %arg9[%swap3A_141, %swap3A_142] {strides = array<i32>} : memref<5x128xf32, #tpu.memory_space<vmem>>, vector<16xf32>,
    tpu.vector_store %arg9[%swap3A_141, %swap3A_142], %broadcast_in_dim3A_139 {strides = array<i32>} : memref<5x128xf32, #tpu.memory_space<vmem>>, vector<16xf32>,
    %broadcast_in_dim3A_144 = arith.constant 0.000000e+00 : f32
    %broadcast_in_dim3A_145 = vector.broadcast %broadcast_in_dim3A_144 : f32 to vector<16xf32>
    %swap3A_146 = arith.constant 2 : i32
    %swap3A_147 = arith.index_cast %swap3A_146 : i32 to index
    %swap3A_148 = arith.constant 96 : index
    %swap3A_149 = tpu.vector_load %arg9[%swap3A_147, %swap3A_148] {strides = array<i32>} : memref<5x128xf32, #tpu.memory_space<vmem>>, vector<16xf32>,
    tpu.vector_store %arg9[%swap3A_147, %swap3A_148], %broadcast_in_dim3A_145 {strides = array<i32>} : memref<5x128xf32, #tpu.memory_space<vmem>>, vector<16xf32>,
    %broadcast_in_dim3A_150 = arith.constant 0.000000e+00 : f32
    %broadcast_in_dim3A_151 = vector.broadcast %broadcast_in_dim3A_150 : f32 to vector<16xf32>
    %swap3A_152 = arith.constant 2 : i32
    %swap3A_153 = arith.index_cast %swap3A_152 : i32 to index
    %swap3A_154 = arith.constant 112 : index
    %swap3A_155 = tpu.vector_load %arg9[%swap3A_153, %swap3A_154] {strides = array<i32>} : memref<5x128xf32, #tpu.memory_space<vmem>>, vector<16xf32>,
    tpu.vector_store %arg9[%swap3A_153, %swap3A_154], %broadcast_in_dim3A_151 {strides = array<i32>} : memref<5x128xf32, #tpu.memory_space<vmem>>, vector<16xf32>,
    %broadcast_in_dim3A_156 = arith.constant 0.000000e+00 : f32
    %broadcast_in_dim3A_157 = vector.broadcast %broadcast_in_dim3A_156 : f32 to vector<16xf32>
    %swap3A_158 = arith.constant 3 : i32
    %swap3A_159 = arith.index_cast %swap3A_158 : i32 to index
    %swap3A_160 = arith.constant 0 : index
    %swap3A_161 = tpu.vector_load %arg9[%swap3A_159, %swap3A_160] {strides = array<i32>} : memref<5x128xf32, #tpu.memory_space<vmem>>, vector<16xf32>,
    tpu.vector_store %arg9[%swap3A_159, %swap3A_160], %broadcast_in_dim3A_157 {strides = array<i32>} : memref<5x128xf32, #tpu.memory_space<vmem>>, vector<16xf32>,
    %broadcast_in_dim3A_162 = arith.constant 0.000000e+00 : f32
    %broadcast_in_dim3A_163 = vector.broadcast %broadcast_in_dim3A_162 : f32 to vector<16xf32>
    %swap3A_164 = arith.constant 3 : i32
    %swap3A_165 = arith.index_cast %swap3A_164 : i32 to index
    %swap3A_166 = arith.constant 16 : index
    %swap3A_167 = tpu.vector_load %arg9[%swap3A_165, %swap3A_166] {strides = array<i32>} : memref<5x128xf32, #tpu.memory_space<vmem>>, vector<16xf32>,
    tpu.vector_store %arg9[%swap3A_165, %swap3A_166], %broadcast_in_dim3A_163 {strides = array<i32>} : memref<5x128xf32, #tpu.memory_space<vmem>>, vector<16xf32>,
    %broadcast_in_dim3A_168 = arith.constant 0.000000e+00 : f32
    %broadcast_in_dim3A_169 = vector.broadcast %broadcast_in_dim3A_168 : f32 to vector<16xf32>
    %swap3A_170 = arith.constant 3 : i32
    %swap3A_171 = arith.index_cast %swap3A_170 : i32 to index
    %swap3A_172 = arith.constant 32 : index
    %swap3A_173 = tpu.vector_load %arg9[%swap3A_171, %swap3A_172] {strides = array<i32>} : memref<5x128xf32, #tpu.memory_space<vmem>>, vector<16xf32>,
    tpu.vector_store %arg9[%swap3A_171, %swap3A_172], %broadcast_in_dim3A_169 {strides = array<i32>} : memref<5x128xf32, #tpu.memory_space<vmem>>, vector<16xf32>,
    %broadcast_in_dim3A_174 = arith.constant 0.000000e+00 : f32
    %broadcast_in_dim3A_175 = vector.broadcast %broadcast_in_dim3A_174 : f32 to vector<16xf32>
    %swap3A_176 = arith.constant 3 : i32
    %swap3A_177 = arith.index_cast %swap3A_176 : i32 to index
    %swap3A_178 = arith.constant 48 : index
    %swap3A_179 = tpu.vector_load %arg9[%swap3A_177, %swap3A_178] {strides = array<i32>} : memref<5x128xf32, #tpu.memory_space<vmem>>, vector<16xf32>,
    tpu.vector_store %arg9[%swap3A_177, %swap3A_178], %broadcast_in_dim3A_175 {strides = array<i32>} : memref<5x128xf32, #tpu.memory_space<vmem>>, vector<16xf32>,
    %broadcast_in_dim3A_180 = arith.constant 0.000000e+00 : f32
    %broadcast_in_dim3A_181 = vector.broadcast %broadcast_in_dim3A_180 : f32 to vector<16xf32>
    %swap3A_182 = arith.constant 3 : i32
    %swap3A_183 = arith.index_cast %swap3A_182 : i32 to index
    %swap3A_184 = arith.constant 64 : index
    %swap3A_185 = tpu.vector_load %arg9[%swap3A_183, %swap3A_184] {strides = array<i32>} : memref<5x128xf32, #tpu.memory_space<vmem>>, vector<16xf32>,
    tpu.vector_store %arg9[%swap3A_183, %swap3A_184], %broadcast_in_dim3A_181 {strides = array<i32>} : memref<5x128xf32, #tpu.memory_space<vmem>>, vector<16xf32>,
    %broadcast_in_dim3A_186 = arith.constant 0.000000e+00 : f32
    %broadcast_in_dim3A_187 = vector.broadcast %broadcast_in_dim3A_186 : f32 to vector<16xf32>
    %swap3A_188 = arith.constant 3 : i32
    %swap3A_189 = arith.index_cast %swap3A_188 : i32 to index
    %swap3A_190 = arith.constant 80 : index
    %swap3A_191 = tpu.vector_load %arg9[%swap3A_189, %swap3A_190] {strides = array<i32>} : memref<5x128xf32, #tpu.memory_space<vmem>>, vector<16xf32>,
    tpu.vector_store %arg9[%swap3A_189, %swap3A_190], %broadcast_in_dim3A_187 {strides = array<i32>} : memref<5x128xf32, #tpu.memory_space<vmem>>, vector<16xf32>,
    %broadcast_in_dim3A_192 = arith.constant 0.000000e+00 : f32
    %broadcast_in_dim3A_193 = vector.broadcast %broadcast_in_dim3A_192 : f32 to vector<16xf32>
    %swap3A_194 = arith.constant 3 : i32
    %swap3A_195 = arith.index_cast %swap3A_194 : i32 to index
    %swap3A_196 = arith.constant 96 : index
    %swap3A_197 = tpu.vector_load %arg9[%swap3A_195, %swap3A_196] {strides = array<i32>} : memref<5x128xf32, #tpu.memory_space<vmem>>, vector<16xf32>,
    tpu.vector_store %arg9[%swap3A_195, %swap3A_196], %broadcast_in_dim3A_193 {strides = array<i32>} : memref<5x128xf32, #tpu.memory_space<vmem>>, vector<16xf32>,
    %broadcast_in_dim3A_198 = arith.constant 0.000000e+00 : f32
    %broadcast_in_dim3A_199 = vector.broadcast %broadcast_in_dim3A_198 : f32 to vector<16xf32>
    %swap3A_200 = arith.constant 3 : i32
    %swap3A_201 = arith.index_cast %swap3A_200 : i32 to index
    %swap3A_202 = arith.constant 112 : index
    %swap3A_203 = tpu.vector_load %arg9[%swap3A_201, %swap3A_202] {strides = array<i32>} : memref<5x128xf32, #tpu.memory_space<vmem>>, vector<16xf32>,
    tpu.vector_store %arg9[%swap3A_201, %swap3A_202], %broadcast_in_dim3A_199 {strides = array<i32>} : memref<5x128xf32, #tpu.memory_space<vmem>>, vector<16xf32>,
    %broadcast_in_dim3A_204 = arith.constant 0.000000e+00 : f32
    %broadcast_in_dim3A_205 = vector.broadcast %broadcast_in_dim3A_204 : f32 to vector<16xf32>
    %swap3A_206 = arith.constant 4 : i32
    %swap3A_207 = arith.index_cast %swap3A_206 : i32 to index
    %swap3A_208 = arith.constant 0 : index
    %swap3A_209 = tpu.vector_load %arg9[%swap3A_207, %swap3A_208] {strides = array<i32>} : memref<5x128xf32, #tpu.memory_space<vmem>>, vector<16xf32>,
    tpu.vector_store %arg9[%swap3A_207, %swap3A_208], %broadcast_in_dim3A_205 {strides = array<i32>} : memref<5x128xf32, #tpu.memory_space<vmem>>, vector<16xf32>,
    %broadcast_in_dim3A_210 = arith.constant 0.000000e+00 : f32
    %broadcast_in_dim3A_211 = vector.broadcast %broadcast_in_dim3A_210 : f32 to vector<16xf32>
    %swap3A_212 = arith.constant 4 : i32
    %swap3A_213 = arith.index_cast %swap3A_212 : i32 to index
    %swap3A_214 = arith.constant 16 : index
    %swap3A_215 = tpu.vector_load %arg9[%swap3A_213, %swap3A_214] {strides = array<i32>} : memref<5x128xf32, #tpu.memory_space<vmem>>, vector<16xf32>,
    tpu.vector_store %arg9[%swap3A_213, %swap3A_214], %broadcast_in_dim3A_211 {strides = array<i32>} : memref<5x128xf32, #tpu.memory_space<vmem>>, vector<16xf32>,
    %broadcast_in_dim3A_216 = arith.constant 0.000000e+00 : f32
    %broadcast_in_dim3A_217 = vector.broadcast %broadcast_in_dim3A_216 : f32 to vector<16xf32>
    %swap3A_218 = arith.constant 4 : i32
    %swap3A_219 = arith.index_cast %swap3A_218 : i32 to index
    %swap3A_220 = arith.constant 32 : index
    %swap3A_221 = tpu.vector_load %arg9[%swap3A_219, %swap3A_220] {strides = array<i32>} : memref<5x128xf32, #tpu.memory_space<vmem>>, vector<16xf32>,
    tpu.vector_store %arg9[%swap3A_219, %swap3A_220], %broadcast_in_dim3A_217 {strides = array<i32>} : memref<5x128xf32, #tpu.memory_space<vmem>>, vector<16xf32>,
    %broadcast_in_dim3A_222 = arith.constant 0.000000e+00 : f32
    %broadcast_in_dim3A_223 = vector.broadcast %broadcast_in_dim3A_222 : f32 to vector<16xf32>
    %swap3A_224 = arith.constant 4 : i32
    %swap3A_225 = arith.index_cast %swap3A_224 : i32 to index
    %swap3A_226 = arith.constant 48 : index
    %swap3A_227 = tpu.vector_load %arg9[%swap3A_225, %swap3A_226] {strides = array<i32>} : memref<5x128xf32, #tpu.memory_space<vmem>>, vector<16xf32>,
    tpu.vector_store %arg9[%swap3A_225, %swap3A_226], %broadcast_in_dim3A_223 {strides = array<i32>} : memref<5x128xf32, #tpu.memory_space<vmem>>, vector<16xf32>,
    %broadcast_in_dim3A_228 = arith.constant 0.000000e+00 : f32
    %broadcast_in_dim3A_229 = vector.broadcast %broadcast_in_dim3A_228 : f32 to vector<16xf32>
    %swap3A_230 = arith.constant 4 : i32
    %swap3A_231 = arith.index_cast %swap3A_230 : i32 to index
    %swap3A_232 = arith.constant 64 : index
    %swap3A_233 = tpu.vector_load %arg9[%swap3A_231, %swap3A_232] {strides = array<i32>} : memref<5x128xf32, #tpu.memory_space<vmem>>, vector<16xf32>,
    tpu.vector_store %arg9[%swap3A_231, %swap3A_232], %broadcast_in_dim3A_229 {strides = array<i32>} : memref<5x128xf32, #tpu.memory_space<vmem>>, vector<16xf32>,
    %broadcast_in_dim3A_234 = arith.constant 0.000000e+00 : f32
    %broadcast_in_dim3A_235 = vector.broadcast %broadcast_in_dim3A_234 : f32 to vector<16xf32>
    %swap3A_236 = arith.constant 4 : i32
    %swap3A_237 = arith.index_cast %swap3A_236 : i32 to index
    %swap3A_238 = arith.constant 80 : index
    %swap3A_239 = tpu.vector_load %arg9[%swap3A_237, %swap3A_238] {strides = array<i32>} : memref<5x128xf32, #tpu.memory_space<vmem>>, vector<16xf32>,
    tpu.vector_store %arg9[%swap3A_237, %swap3A_238], %broadcast_in_dim3A_235 {strides = array<i32>} : memref<5x128xf32, #tpu.memory_space<vmem>>, vector<16xf32>,
    %broadcast_in_dim3A_240 = arith.constant 0.000000e+00 : f32
    %broadcast_in_dim3A_241 = vector.broadcast %broadcast_in_dim3A_240 : f32 to vector<16xf32>
    %swap3A_242 = arith.constant 4 : i32
    %swap3A_243 = arith.index_cast %swap3A_242 : i32 to index
    %swap3A_244 = arith.constant 96 : index
    %swap3A_245 = tpu.vector_load %arg9[%swap3A_243, %swap3A_244] {strides = array<i32>} : memref<5x128xf32, #tpu.memory_space<vmem>>, vector<16xf32>,
    tpu.vector_store %arg9[%swap3A_243, %swap3A_244], %broadcast_in_dim3A_241 {strides = array<i32>} : memref<5x128xf32, #tpu.memory_space<vmem>>, vector<16xf32>,
    %broadcast_in_dim3A_246 = arith.constant 0.000000e+00 : f32
    %broadcast_in_dim3A_247 = vector.broadcast %broadcast_in_dim3A_246 : f32 to vector<16xf32>
    %swap3A_248 = arith.constant 4 : i32
    %swap3A_249 = arith.index_cast %swap3A_248 : i32 to index
    %swap3A_250 = arith.constant 112 : index
    %swap3A_251 = tpu.vector_load %arg9[%swap3A_249, %swap3A_250] {strides = array<i32>} : memref<5x128xf32, #tpu.memory_space<vmem>>, vector<16xf32>,
    tpu.vector_store %arg9[%swap3A_249, %swap3A_250], %broadcast_in_dim3A_247 {strides = array<i32>} : memref<5x128xf32, #tpu.memory_space<vmem>>, vector<16xf32>,
    %iota3A = tpu.iota {dimensions = array<i32: 0>} : vector<16xi32>
    %add3A = arith.constant 0 : i32
    %add3A_252 = vector.broadcast %add3A : i32 to vector<16xi32>
    %add3A_253 = arith.addi %iota3A, %add3A_252 : vector<16xi32>
    %swap3A_254 = arith.constant 0 : index
    %swap3A_255 = tpu.vector_load %arg10[%swap3A_254] {strides = array<i32>} : memref<80xi32, #tpu.memory_space<vmem>>, vector<16xi32>,
    tpu.vector_store %arg10[%swap3A_254], %add3A_253 {strides = array<i32>} : memref<80xi32, #tpu.memory_space<vmem>>, vector<16xi32>,
    %iota3A_256 = tpu.iota {dimensions = array<i32: 0>} : vector<16xi32>
    %add3A_257 = arith.constant 16 : i32
    %add3A_258 = vector.broadcast %add3A_257 : i32 to vector<16xi32>
    %add3A_259 = arith.addi %iota3A_256, %add3A_258 : vector<16xi32>
    %swap3A_260 = arith.constant 16 : index
    %swap3A_261 = tpu.vector_load %arg10[%swap3A_260] {strides = array<i32>} : memref<80xi32, #tpu.memory_space<vmem>>, vector<16xi32>,
    tpu.vector_store %arg10[%swap3A_260], %add3A_259 {strides = array<i32>} : memref<80xi32, #tpu.memory_space<vmem>>, vector<16xi32>,
    %iota3A_262 = tpu.iota {dimensions = array<i32: 0>} : vector<16xi32>
    %add3A_263 = arith.constant 32 : i32
    %add3A_264 = vector.broadcast %add3A_263 : i32 to vector<16xi32>
    %add3A_265 = arith.addi %iota3A_262, %add3A_264 : vector<16xi32>
    %swap3A_266 = arith.constant 32 : index
    %swap3A_267 = tpu.vector_load %arg10[%swap3A_266] {strides = array<i32>} : memref<80xi32, #tpu.memory_space<vmem>>, vector<16xi32>,
    tpu.vector_store %arg10[%swap3A_266], %add3A_265 {strides = array<i32>} : memref<80xi32, #tpu.memory_space<vmem>>, vector<16xi32>,
    %iota3A_268 = tpu.iota {dimensions = array<i32: 0>} : vector<16xi32>
    %add3A_269 = arith.constant 48 : i32
    %add3A_270 = vector.broadcast %add3A_269 : i32 to vector<16xi32>
    %add3A_271 = arith.addi %iota3A_268, %add3A_270 : vector<16xi32>
    %swap3A_272 = arith.constant 48 : index
    %swap3A_273 = tpu.vector_load %arg10[%swap3A_272] {strides = array<i32>} : memref<80xi32, #tpu.memory_space<vmem>>, vector<16xi32>,
    tpu.vector_store %arg10[%swap3A_272], %add3A_271 {strides = array<i32>} : memref<80xi32, #tpu.memory_space<vmem>>, vector<16xi32>,
    %iota3A_274 = tpu.iota {dimensions = array<i32: 0>} : vector<16xi32>
    %add3A_275 = arith.constant 64 : i32
    %add3A_276 = vector.broadcast %add3A_275 : i32 to vector<16xi32>
    %add3A_277 = arith.addi %iota3A_274, %add3A_276 : vector<16xi32>
    %swap3A_278 = arith.constant 64 : index
    %swap3A_279 = tpu.vector_load %arg10[%swap3A_278] {strides = array<i32>} : memref<80xi32, #tpu.memory_space<vmem>>, vector<16xi32>,
    tpu.vector_store %arg10[%swap3A_278], %add3A_277 {strides = array<i32>} : memref<80xi32, #tpu.memory_space<vmem>>, vector<16xi32>,
    %mul3A_280 = arith.constant 640 : i32
    %mul3A_281 = arith.muli %arg1, %mul3A_280 : i32
    %add3A_282 = arith.constant 0 : i32
    %add3A_283 = arith.addi %mul3A_281, %add3A_282 : i32
    "tpu.region"() ({
      %run_scoped3A = tpu.sem_alloc : memref<!tpu.dma_semaphore, #tpu.memory_space<semaphore_mem>>
      %dma_start3A_547 = arith.constant 0 : i32
      %dma_start3A_548 = tpu.memref_slice %arg19[%add3A_283, %dma_start3A_547] : memref<10240x64xf32, #tpu.memory_space<vmem_shared>> -> memref<128x64xf32, #tpu.memory_space<vmem_shared>>
      %dma_start3A_549 = arith.constant 0 : i32
      %dma_start3A_550 = tpu.memref_slice %arg19[%add3A_283, %dma_start3A_549] : memref<10240x64xf32, #tpu.memory_space<vmem_shared>> -> memref<128x64xf32, #tpu.memory_space<vmem_shared>>
      tpu.enqueue_dma source(%arg11 : memref<128x64xf32, #tpu.memory_space<vmem>>) target(%dma_start3A_550 : memref<128x64xf32, #tpu.memory_space<vmem_shared>>) target_semaphore(%run_scoped3A : memref<!tpu.dma_semaphore, #tpu.memory_space<semaphore_mem>>)
      %dma_wait3A_551 = arith.constant 0 : i32
      %dma_wait3A_552 = tpu.memref_slice %arg19[%add3A_283, %dma_wait3A_551] : memref<10240x64xf32, #tpu.memory_space<vmem_shared>> -> memref<128x64xf32, #tpu.memory_space<vmem_shared>>
      %dma_wait3A_553 = arith.constant 0 : i32
      %dma_wait3A_554 = tpu.memref_slice %arg19[%add3A_283, %dma_wait3A_553] : memref<10240x64xf32, #tpu.memory_space<vmem_shared>> -> memref<128x64xf32, #tpu.memory_space<vmem_shared>>
      tpu.wait_dma2 semaphore(%run_scoped3A : memref<!tpu.dma_semaphore, #tpu.memory_space<semaphore_mem>>) src(%arg11 : memref<128x64xf32, #tpu.memory_space<vmem>>) dst(%dma_wait3A_554 : memref<128x64xf32, #tpu.memory_space<vmem_shared>>)
      tpu.yield
    }) : () -> ()
    %add3A_284 = arith.constant 128 : i32
    %add3A_285 = arith.addi %mul3A_281, %add3A_284 : i32
    "tpu.region"() ({
      %run_scoped3A = tpu.sem_alloc : memref<!tpu.dma_semaphore, #tpu.memory_space<semaphore_mem>>
      %dma_start3A_547 = arith.constant 0 : i32
      %dma_start3A_548 = tpu.memref_slice %arg19[%add3A_285, %dma_start3A_547] : memref<10240x64xf32, #tpu.memory_space<vmem_shared>> -> memref<128x64xf32, #tpu.memory_space<vmem_shared>>
      %dma_start3A_549 = arith.constant 0 : i32
      %dma_start3A_550 = tpu.memref_slice %arg19[%add3A_285, %dma_start3A_549] : memref<10240x64xf32, #tpu.memory_space<vmem_shared>> -> memref<128x64xf32, #tpu.memory_space<vmem_shared>>
      tpu.enqueue_dma source(%arg11 : memref<128x64xf32, #tpu.memory_space<vmem>>) target(%dma_start3A_550 : memref<128x64xf32, #tpu.memory_space<vmem_shared>>) target_semaphore(%run_scoped3A : memref<!tpu.dma_semaphore, #tpu.memory_space<semaphore_mem>>)
      %dma_wait3A_551 = arith.constant 0 : i32
      %dma_wait3A_552 = tpu.memref_slice %arg19[%add3A_285, %dma_wait3A_551] : memref<10240x64xf32, #tpu.memory_space<vmem_shared>> -> memref<128x64xf32, #tpu.memory_space<vmem_shared>>
      %dma_wait3A_553 = arith.constant 0 : i32
      %dma_wait3A_554 = tpu.memref_slice %arg19[%add3A_285, %dma_wait3A_553] : memref<10240x64xf32, #tpu.memory_space<vmem_shared>> -> memref<128x64xf32, #tpu.memory_space<vmem_shared>>
      tpu.wait_dma2 semaphore(%run_scoped3A : memref<!tpu.dma_semaphore, #tpu.memory_space<semaphore_mem>>) src(%arg11 : memref<128x64xf32, #tpu.memory_space<vmem>>) dst(%dma_wait3A_554 : memref<128x64xf32, #tpu.memory_space<vmem_shared>>)
      tpu.yield
    }) : () -> ()
    %add3A_286 = arith.constant 256 : i32
    %add3A_287 = arith.addi %mul3A_281, %add3A_286 : i32
    "tpu.region"() ({
      %run_scoped3A = tpu.sem_alloc : memref<!tpu.dma_semaphore, #tpu.memory_space<semaphore_mem>>
      %dma_start3A_547 = arith.constant 0 : i32
      %dma_start3A_548 = tpu.memref_slice %arg19[%add3A_287, %dma_start3A_547] : memref<10240x64xf32, #tpu.memory_space<vmem_shared>> -> memref<128x64xf32, #tpu.memory_space<vmem_shared>>
      %dma_start3A_549 = arith.constant 0 : i32
      %dma_start3A_550 = tpu.memref_slice %arg19[%add3A_287, %dma_start3A_549] : memref<10240x64xf32, #tpu.memory_space<vmem_shared>> -> memref<128x64xf32, #tpu.memory_space<vmem_shared>>
      tpu.enqueue_dma source(%arg11 : memref<128x64xf32, #tpu.memory_space<vmem>>) target(%dma_start3A_550 : memref<128x64xf32, #tpu.memory_space<vmem_shared>>) target_semaphore(%run_scoped3A : memref<!tpu.dma_semaphore, #tpu.memory_space<semaphore_mem>>)
      %dma_wait3A_551 = arith.constant 0 : i32
      %dma_wait3A_552 = tpu.memref_slice %arg19[%add3A_287, %dma_wait3A_551] : memref<10240x64xf32, #tpu.memory_space<vmem_shared>> -> memref<128x64xf32, #tpu.memory_space<vmem_shared>>
      %dma_wait3A_553 = arith.constant 0 : i32
      %dma_wait3A_554 = tpu.memref_slice %arg19[%add3A_287, %dma_wait3A_553] : memref<10240x64xf32, #tpu.memory_space<vmem_shared>> -> memref<128x64xf32, #tpu.memory_space<vmem_shared>>
      tpu.wait_dma2 semaphore(%run_scoped3A : memref<!tpu.dma_semaphore, #tpu.memory_space<semaphore_mem>>) src(%arg11 : memref<128x64xf32, #tpu.memory_space<vmem>>) dst(%dma_wait3A_554 : memref<128x64xf32, #tpu.memory_space<vmem_shared>>)
      tpu.yield
    }) : () -> ()
    %add3A_288 = arith.constant 384 : i32
    %add3A_289 = arith.addi %mul3A_281, %add3A_288 : i32
    "tpu.region"() ({
      %run_scoped3A = tpu.sem_alloc : memref<!tpu.dma_semaphore, #tpu.memory_space<semaphore_mem>>
      %dma_start3A_547 = arith.constant 0 : i32
      %dma_start3A_548 = tpu.memref_slice %arg19[%add3A_289, %dma_start3A_547] : memref<10240x64xf32, #tpu.memory_space<vmem_shared>> -> memref<128x64xf32, #tpu.memory_space<vmem_shared>>
      %dma_start3A_549 = arith.constant 0 : i32
      %dma_start3A_550 = tpu.memref_slice %arg19[%add3A_289, %dma_start3A_549] : memref<10240x64xf32, #tpu.memory_space<vmem_shared>> -> memref<128x64xf32, #tpu.memory_space<vmem_shared>>
      tpu.enqueue_dma source(%arg11 : memref<128x64xf32, #tpu.memory_space<vmem>>) target(%dma_start3A_550 : memref<128x64xf32, #tpu.memory_space<vmem_shared>>) target_semaphore(%run_scoped3A : memref<!tpu.dma_semaphore, #tpu.memory_space<semaphore_mem>>)
      %dma_wait3A_551 = arith.constant 0 : i32
      %dma_wait3A_552 = tpu.memref_slice %arg19[%add3A_289, %dma_wait3A_551] : memref<10240x64xf32, #tpu.memory_space<vmem_shared>> -> memref<128x64xf32, #tpu.memory_space<vmem_shared>>
      %dma_wait3A_553 = arith.constant 0 : i32
      %dma_wait3A_554 = tpu.memref_slice %arg19[%add3A_289, %dma_wait3A_553] : memref<10240x64xf32, #tpu.memory_space<vmem_shared>> -> memref<128x64xf32, #tpu.memory_space<vmem_shared>>
      tpu.wait_dma2 semaphore(%run_scoped3A : memref<!tpu.dma_semaphore, #tpu.memory_space<semaphore_mem>>) src(%arg11 : memref<128x64xf32, #tpu.memory_space<vmem>>) dst(%dma_wait3A_554 : memref<128x64xf32, #tpu.memory_space<vmem_shared>>)
      tpu.yield
    }) : () -> ()
    %add3A_290 = arith.constant 512 : i32
    %add3A_291 = arith.addi %mul3A_281, %add3A_290 : i32
    "tpu.region"() ({
      %run_scoped3A = tpu.sem_alloc : memref<!tpu.dma_semaphore, #tpu.memory_space<semaphore_mem>>
      %dma_start3A_547 = arith.constant 0 : i32
      %dma_start3A_548 = tpu.memref_slice %arg19[%add3A_291, %dma_start3A_547] : memref<10240x64xf32, #tpu.memory_space<vmem_shared>> -> memref<128x64xf32, #tpu.memory_space<vmem_shared>>
      %dma_start3A_549 = arith.constant 0 : i32
      %dma_start3A_550 = tpu.memref_slice %arg19[%add3A_291, %dma_start3A_549] : memref<10240x64xf32, #tpu.memory_space<vmem_shared>> -> memref<128x64xf32, #tpu.memory_space<vmem_shared>>
      tpu.enqueue_dma source(%arg11 : memref<128x64xf32, #tpu.memory_space<vmem>>) target(%dma_start3A_550 : memref<128x64xf32, #tpu.memory_space<vmem_shared>>) target_semaphore(%run_scoped3A : memref<!tpu.dma_semaphore, #tpu.memory_space<semaphore_mem>>)
      %dma_wait3A_551 = arith.constant 0 : i32
      %dma_wait3A_552 = tpu.memref_slice %arg19[%add3A_291, %dma_wait3A_551] : memref<10240x64xf32, #tpu.memory_space<vmem_shared>> -> memref<128x64xf32, #tpu.memory_space<vmem_shared>>
      %dma_wait3A_553 = arith.constant 0 : i32
      %dma_wait3A_554 = tpu.memref_slice %arg19[%add3A_291, %dma_wait3A_553] : memref<10240x64xf32, #tpu.memory_space<vmem_shared>> -> memref<128x64xf32, #tpu.memory_space<vmem_shared>>
      tpu.wait_dma2 semaphore(%run_scoped3A : memref<!tpu.dma_semaphore, #tpu.memory_space<semaphore_mem>>) src(%arg11 : memref<128x64xf32, #tpu.memory_space<vmem>>) dst(%dma_wait3A_554 : memref<128x64xf32, #tpu.memory_space<vmem_shared>>)
      tpu.yield
    }) : () -> ()
    %mul3A_292 = arith.constant 5 : i32
    %mul3A_293 = arith.muli %arg1, %mul3A_292 : i32
    "tpu.region"() ({
      %run_scoped3A = tpu.sem_alloc : memref<!tpu.dma_semaphore, #tpu.memory_space<semaphore_mem>>
      %dma_start3A_547 = arith.constant 0 : i32
      %dma_start3A_548 = tpu.memref_slice %arg20[%mul3A_293, %dma_start3A_547] : memref<80x128xf32, #tpu.memory_space<vmem_shared>> -> memref<5x128xf32, #tpu.memory_space<vmem_shared>>
      %dma_start3A_549 = arith.constant 0 : i32
      %dma_start3A_550 = tpu.memref_slice %arg20[%mul3A_293, %dma_start3A_549] : memref<80x128xf32, #tpu.memory_space<vmem_shared>> -> memref<5x128xf32, #tpu.memory_space<vmem_shared>>
      tpu.enqueue_dma source(%arg9 : memref<5x128xf32, #tpu.memory_space<vmem>>) target(%dma_start3A_550 : memref<5x128xf32, #tpu.memory_space<vmem_shared>>) target_semaphore(%run_scoped3A : memref<!tpu.dma_semaphore, #tpu.memory_space<semaphore_mem>>)
      %dma_wait3A_551 = arith.constant 0 : i32
      %dma_wait3A_552 = tpu.memref_slice %arg20[%mul3A_293, %dma_wait3A_551] : memref<80x128xf32, #tpu.memory_space<vmem_shared>> -> memref<5x128xf32, #tpu.memory_space<vmem_shared>>
      %dma_wait3A_553 = arith.constant 0 : i32
      %dma_wait3A_554 = tpu.memref_slice %arg20[%mul3A_293, %dma_wait3A_553] : memref<80x128xf32, #tpu.memory_space<vmem_shared>> -> memref<5x128xf32, #tpu.memory_space<vmem_shared>>
      tpu.wait_dma2 semaphore(%run_scoped3A : memref<!tpu.dma_semaphore, #tpu.memory_space<semaphore_mem>>) src(%arg9 : memref<5x128xf32, #tpu.memory_space<vmem>>) dst(%dma_wait3A_554 : memref<5x128xf32, #tpu.memory_space<vmem_shared>>)
      tpu.yield
    }) : () -> ()
    %barrier3A = arith.constant 0 : index
    tpu.barrier barrier_id(%barrier3A)
    %rem3A = arith.constant 0 : i32
    %rem3A_294 = arith.constant 2 : i32
    %rem3A_295 = arith.remsi %rem3A, %rem3A_294 : i32
    %mul3A_296 = arith.constant 16 : i32
    %mul3A_297 = arith.muli %rem3A_295, %mul3A_296 : i32
    %mul3A_298 = arith.constant 10 : i32
    %mul3A_299 = arith.muli %arg1, %mul3A_298 : i32
    %add3A_300 = arith.constant 0 : i32
    %add3A_301 = arith.addi %mul3A_299, %add3A_300 : i32
    %dma_start3A = arith.constant 0 : i32
    %dma_start3A_302 = tpu.memref_slice %arg6[%mul3A_297, %dma_start3A] : memref<32x128xi32, #tpu.memory_space<vmem>> -> memref<16x128xi32, #tpu.memory_space<vmem>>
    %dma_start3A_303 = arith.constant 0 : i32
    %dma_start3A_304 = arith.constant 0 : i32
    %dma_start3A_305 = tpu.memref_slice %arg2[%add3A_301, %dma_start3A_303, %dma_start3A_304] : memref<160x16x128xi32, #tpu.memory_space<hbm>> -> memref<1x16x128xi32, #tpu.memory_space<hbm>>
    %dma_start3A_306 = tpu.memref_squeeze %dma_start3A_305 : memref<1x16x128xi32, #tpu.memory_space<hbm>> -> memref<16x128xi32, #tpu.memory_space<hbm>>
    %dma_start3A_307 = arith.constant 0 : i32
    %dma_start3A_308 = tpu.memref_slice %arg6[%mul3A_297, %dma_start3A_307] : memref<32x128xi32, #tpu.memory_space<vmem>> -> memref<16x128xi32, #tpu.memory_space<vmem>>
    %dma_start3A_309 = arith.constant 0 : i32
    %dma_start3A_310 = arith.constant 0 : i32
    %dma_start3A_311 = tpu.memref_slice %arg2[%add3A_301, %dma_start3A_309, %dma_start3A_310] : memref<160x16x128xi32, #tpu.memory_space<hbm>> -> memref<1x16x128xi32, #tpu.memory_space<hbm>>
    %dma_start3A_312 = tpu.memref_squeeze %dma_start3A_311 : memref<1x16x128xi32, #tpu.memory_space<hbm>> -> memref<16x128xi32, #tpu.memory_space<hbm>>
    tpu.enqueue_dma source(%dma_start3A_312 : memref<16x128xi32, #tpu.memory_space<hbm>>) target(%dma_start3A_308 : memref<16x128xi32, #tpu.memory_space<vmem>>) target_semaphore(%arg37 : memref<!tpu.dma_semaphore, #tpu.memory_space<semaphore_mem>>)
    %dma_start3A_313 = arith.constant 0 : i32
    %dma_start3A_314 = tpu.memref_slice %arg7[%mul3A_297, %dma_start3A_313] : memref<32x128xi32, #tpu.memory_space<vmem>> -> memref<16x128xi32, #tpu.memory_space<vmem>>
    %dma_start3A_315 = arith.constant 0 : i32
    %dma_start3A_316 = arith.constant 0 : i32
    %dma_start3A_317 = tpu.memref_slice %arg3[%add3A_301, %dma_start3A_315, %dma_start3A_316] : memref<160x16x128xi32, #tpu.memory_space<hbm>> -> memref<1x16x128xi32, #tpu.memory_space<hbm>>
    %dma_start3A_318 = tpu.memref_squeeze %dma_start3A_317 : memref<1x16x128xi32, #tpu.memory_space<hbm>> -> memref<16x128xi32, #tpu.memory_space<hbm>>
    %dma_start3A_319 = arith.constant 0 : i32
    %dma_start3A_320 = tpu.memref_slice %arg7[%mul3A_297, %dma_start3A_319] : memref<32x128xi32, #tpu.memory_space<vmem>> -> memref<16x128xi32, #tpu.memory_space<vmem>>
    %dma_start3A_321 = arith.constant 0 : i32
    %dma_start3A_322 = arith.constant 0 : i32
    %dma_start3A_323 = tpu.memref_slice %arg3[%add3A_301, %dma_start3A_321, %dma_start3A_322] : memref<160x16x128xi32, #tpu.memory_space<hbm>> -> memref<1x16x128xi32, #tpu.memory_space<hbm>>
    %dma_start3A_324 = tpu.memref_squeeze %dma_start3A_323 : memref<1x16x128xi32, #tpu.memory_space<hbm>> -> memref<16x128xi32, #tpu.memory_space<hbm>>
    tpu.enqueue_dma source(%dma_start3A_324 : memref<16x128xi32, #tpu.memory_space<hbm>>) target(%dma_start3A_320 : memref<16x128xi32, #tpu.memory_space<vmem>>) target_semaphore(%arg37 : memref<!tpu.dma_semaphore, #tpu.memory_space<semaphore_mem>>)
    %rem3A_325 = arith.constant 0 : i32
    %rem3A_326 = arith.constant 2 : i32
    %rem3A_327 = arith.remsi %rem3A_325, %rem3A_326 : i32
    %mul3A_328 = arith.constant 16 : i32
    %mul3A_329 = arith.muli %rem3A_327, %mul3A_328 : i32
    %mul3A_330 = arith.constant 10 : i32
    %mul3A_331 = arith.muli %arg1, %mul3A_330 : i32
    %add3A_332 = arith.constant 0 : i32
    %add3A_333 = arith.addi %mul3A_331, %add3A_332 : i32
    %dma_wait3A = arith.constant 0 : i32
    %dma_wait3A_334 = tpu.memref_slice %arg6[%mul3A_329, %dma_wait3A] : memref<32x128xi32, #tpu.memory_space<vmem>> -> memref<16x128xi32, #tpu.memory_space<vmem>>
    %dma_wait3A_335 = arith.constant 0 : i32
    %dma_wait3A_336 = arith.constant 0 : i32
    %dma_wait3A_337 = tpu.memref_slice %arg2[%add3A_333, %dma_wait3A_335, %dma_wait3A_336] : memref<160x16x128xi32, #tpu.memory_space<hbm>> -> memref<1x16x128xi32, #tpu.memory_space<hbm>>
    %dma_wait3A_338 = tpu.memref_squeeze %dma_wait3A_337 : memref<1x16x128xi32, #tpu.memory_space<hbm>> -> memref<16x128xi32, #tpu.memory_space<hbm>>
    %dma_wait3A_339 = arith.constant 0 : i32
    %dma_wait3A_340 = tpu.memref_slice %arg6[%mul3A_329, %dma_wait3A_339] : memref<32x128xi32, #tpu.memory_space<vmem>> -> memref<16x128xi32, #tpu.memory_space<vmem>>
    %dma_wait3A_341 = arith.constant 0 : i32
    %dma_wait3A_342 = arith.constant 0 : i32
    %dma_wait3A_343 = tpu.memref_slice %arg2[%add3A_333, %dma_wait3A_341, %dma_wait3A_342] : memref<160x16x128xi32, #tpu.memory_space<hbm>> -> memref<1x16x128xi32, #tpu.memory_space<hbm>>
    %dma_wait3A_344 = tpu.memref_squeeze %dma_wait3A_343 : memref<1x16x128xi32, #tpu.memory_space<hbm>> -> memref<16x128xi32, #tpu.memory_space<hbm>>
    tpu.wait_dma2 semaphore(%arg37 : memref<!tpu.dma_semaphore, #tpu.memory_space<semaphore_mem>>) src(%dma_wait3A_344 : memref<16x128xi32, #tpu.memory_space<hbm>>) dst(%dma_wait3A_340 : memref<16x128xi32, #tpu.memory_space<vmem>>)
    %dma_wait3A_345 = arith.constant 0 : i32
    %dma_wait3A_346 = tpu.memref_slice %arg7[%mul3A_329, %dma_wait3A_345] : memref<32x128xi32, #tpu.memory_space<vmem>> -> memref<16x128xi32, #tpu.memory_space<vmem>>
    %dma_wait3A_347 = arith.constant 0 : i32
    %dma_wait3A_348 = arith.constant 0 : i32
    %dma_wait3A_349 = tpu.memref_slice %arg2[%add3A_333, %dma_wait3A_347, %dma_wait3A_348] : memref<160x16x128xi32, #tpu.memory_space<hbm>> -> memref<1x16x128xi32, #tpu.memory_space<hbm>>
    %dma_wait3A_350 = tpu.memref_squeeze %dma_wait3A_349 : memref<1x16x128xi32, #tpu.memory_space<hbm>> -> memref<16x128xi32, #tpu.memory_space<hbm>>
    %dma_wait3A_351 = arith.constant 0 : i32
    %dma_wait3A_352 = tpu.memref_slice %arg7[%mul3A_329, %dma_wait3A_351] : memref<32x128xi32, #tpu.memory_space<vmem>> -> memref<16x128xi32, #tpu.memory_space<vmem>>
    %dma_wait3A_353 = arith.constant 0 : i32
    %dma_wait3A_354 = arith.constant 0 : i32
    %dma_wait3A_355 = tpu.memref_slice %arg2[%add3A_333, %dma_wait3A_353, %dma_wait3A_354] : memref<160x16x128xi32, #tpu.memory_space<hbm>> -> memref<1x16x128xi32, #tpu.memory_space<hbm>>
    %dma_wait3A_356 = tpu.memref_squeeze %dma_wait3A_355 : memref<1x16x128xi32, #tpu.memory_space<hbm>> -> memref<16x128xi32, #tpu.memory_space<hbm>>
    tpu.wait_dma2 semaphore(%arg37 : memref<!tpu.dma_semaphore, #tpu.memory_space<semaphore_mem>>) src(%dma_wait3A_356 : memref<16x128xi32, #tpu.memory_space<hbm>>) dst(%dma_wait3A_352 : memref<16x128xi32, #tpu.memory_space<vmem>>)
    %rem3A_357 = arith.constant 0 : i32
    %rem3A_358 = arith.constant 2 : i32
    %rem3A_359 = arith.remsi %rem3A_357, %rem3A_358 : i32
    %mul3A_360 = arith.constant 16 : i32
    %mul3A_361 = arith.muli %rem3A_359, %mul3A_360 : i32
    %scan3A_362 = arith.constant 0 : i32
    %scan3A_363 = arith.constant 0 : i32
    %scan3A_364 = arith.constant 16 : i32
    %scan3A_365 = arith.addi %scan3A_363, %scan3A_364 : i32
    %scan3A_366 = arith.constant 1 : i32
    scf.for %scan3A_547 = %scan3A_363 to %scan3A_365 step %scan3A_366  : i32 {
      %add3A_548 = arith.addi %mul3A_361, %scan3A_547 : i32
      %get3A = arith.index_cast %add3A_548 : i32 to index
      %get3A_549 = arith.constant 0 : index
      %get3A_550 = tpu.vector_load %arg7[%get3A, %get3A_549] {strides = array<i32>} : memref<32x128xi32, #tpu.memory_space<vmem>>, vector<16xi32>,
      %add3A_551 = vector.broadcast %mul3A_0 : i32 to vector<16xi32>
      %add3A_552 = arith.addi %get3A_550, %add3A_551 : vector<16xi32>
      %add3A_553 = arith.addi %mul3A_361, %scan3A_547 : i32
      %swap3A_554 = arith.index_cast %add3A_553 : i32 to index
      %swap3A_555 = arith.constant 0 : index
      %swap3A_556 = tpu.vector_load %arg7[%swap3A_554, %swap3A_555] {strides = array<i32>} : memref<32x128xi32, #tpu.memory_space<vmem>>, vector<16xi32>,
      tpu.vector_store %arg7[%swap3A_554, %swap3A_555], %add3A_552 {strides = array<i32>} : memref<32x128xi32, #tpu.memory_space<vmem>>, vector<16xi32>,
      %add3A_557 = arith.addi %mul3A_361, %scan3A_547 : i32
      %get3A_558 = arith.index_cast %add3A_557 : i32 to index
      %get3A_559 = arith.constant 16 : index
      %get3A_560 = tpu.vector_load %arg7[%get3A_558, %get3A_559] {strides = array<i32>} : memref<32x128xi32, #tpu.memory_space<vmem>>, vector<16xi32>,
      %add3A_561 = vector.broadcast %mul3A_0 : i32 to vector<16xi32>
      %add3A_562 = arith.addi %get3A_560, %add3A_561 : vector<16xi32>
      %add3A_563 = arith.addi %mul3A_361, %scan3A_547 : i32
      %swap3A_564 = arith.index_cast %add3A_563 : i32 to index
      %swap3A_565 = arith.constant 16 : index
      %swap3A_566 = tpu.vector_load %arg7[%swap3A_564, %swap3A_565] {strides = array<i32>} : memref<32x128xi32, #tpu.memory_space<vmem>>, vector<16xi32>,
      tpu.vector_store %arg7[%swap3A_564, %swap3A_565], %add3A_562 {strides = array<i32>} : memref<32x128xi32, #tpu.memory_space<vmem>>, vector<16xi32>,
      %add3A_567 = arith.addi %mul3A_361, %scan3A_547 : i32
      %get3A_568 = arith.index_cast %add3A_567 : i32 to index
      %get3A_569 = arith.constant 32 : index
      %get3A_570 = tpu.vector_load %arg7[%get3A_568, %get3A_569] {strides = array<i32>} : memref<32x128xi32, #tpu.memory_space<vmem>>, vector<16xi32>,
      %add3A_571 = vector.broadcast %mul3A_0 : i32 to vector<16xi32>
      %add3A_572 = arith.addi %get3A_570, %add3A_571 : vector<16xi32>
      %add3A_573 = arith.addi %mul3A_361, %scan3A_547 : i32
      %swap3A_574 = arith.index_cast %add3A_573 : i32 to index
      %swap3A_575 = arith.constant 32 : index
      %swap3A_576 = tpu.vector_load %arg7[%swap3A_574, %swap3A_575] {strides = array<i32>} : memref<32x128xi32, #tpu.memory_space<vmem>>, vector<16xi32>,
      tpu.vector_store %arg7[%swap3A_574, %swap3A_575], %add3A_572 {strides = array<i32>} : memref<32x128xi32, #tpu.memory_space<vmem>>, vector<16xi32>,
      %add3A_577 = arith.addi %mul3A_361, %scan3A_547 : i32
      %get3A_578 = arith.index_cast %add3A_577 : i32 to index
      %get3A_579 = arith.constant 48 : index
      %get3A_580 = tpu.vector_load %arg7[%get3A_578, %get3A_579] {strides = array<i32>} : memref<32x128xi32, #tpu.memory_space<vmem>>, vector<16xi32>,
      %add3A_581 = vector.broadcast %mul3A_0 : i32 to vector<16xi32>
      %add3A_582 = arith.addi %get3A_580, %add3A_581 : vector<16xi32>
      %add3A_583 = arith.addi %mul3A_361, %scan3A_547 : i32
      %swap3A_584 = arith.index_cast %add3A_583 : i32 to index
      %swap3A_585 = arith.constant 48 : index
      %swap3A_586 = tpu.vector_load %arg7[%swap3A_584, %swap3A_585] {strides = array<i32>} : memref<32x128xi32, #tpu.memory_space<vmem>>, vector<16xi32>,
      tpu.vector_store %arg7[%swap3A_584, %swap3A_585], %add3A_582 {strides = array<i32>} : memref<32x128xi32, #tpu.memory_space<vmem>>, vector<16xi32>,
      %add3A_587 = arith.addi %mul3A_361, %scan3A_547 : i32
      %get3A_588 = arith.index_cast %add3A_587 : i32 to index
      %get3A_589 = arith.constant 64 : index
      %get3A_590 = tpu.vector_load %arg7[%get3A_588, %get3A_589] {strides = array<i32>} : memref<32x128xi32, #tpu.memory_space<vmem>>, vector<16xi32>,
      %add3A_591 = vector.broadcast %mul3A_0 : i32 to vector<16xi32>
      %add3A_592 = arith.addi %get3A_590, %add3A_591 : vector<16xi32>
      %add3A_593 = arith.addi %mul3A_361, %scan3A_547 : i32
      %swap3A_594 = arith.index_cast %add3A_593 : i32 to index
      %swap3A_595 = arith.constant 64 : index
      %swap3A_596 = tpu.vector_load %arg7[%swap3A_594, %swap3A_595] {strides = array<i32>} : memref<32x128xi32, #tpu.memory_space<vmem>>, vector<16xi32>,
      tpu.vector_store %arg7[%swap3A_594, %swap3A_595], %add3A_592 {strides = array<i32>} : memref<32x128xi32, #tpu.memory_space<vmem>>, vector<16xi32>,
      %add3A_597 = arith.addi %mul3A_361, %scan3A_547 : i32
      %get3A_598 = arith.index_cast %add3A_597 : i32 to index
      %get3A_599 = arith.constant 80 : index
      %get3A_600 = tpu.vector_load %arg7[%get3A_598, %get3A_599] {strides = array<i32>} : memref<32x128xi32, #tpu.memory_space<vmem>>, vector<16xi32>,
      %add3A_601 = vector.broadcast %mul3A_0 : i32 to vector<16xi32>
      %add3A_602 = arith.addi %get3A_600, %add3A_601 : vector<16xi32>
      %add3A_603 = arith.addi %mul3A_361, %scan3A_547 : i32
      %swap3A_604 = arith.index_cast %add3A_603 : i32 to index
      %swap3A_605 = arith.constant 80 : index
      %swap3A_606 = tpu.vector_load %arg7[%swap3A_604, %swap3A_605] {strides = array<i32>} : memref<32x128xi32, #tpu.memory_space<vmem>>, vector<16xi32>,
      tpu.vector_store %arg7[%swap3A_604, %swap3A_605], %add3A_602 {strides = array<i32>} : memref<32x128xi32, #tpu.memory_space<vmem>>, vector<16xi32>,
      %add3A_607 = arith.addi %mul3A_361, %scan3A_547 : i32
      %get3A_608 = arith.index_cast %add3A_607 : i32 to index
      %get3A_609 = arith.constant 96 : index
      %get3A_610 = tpu.vector_load %arg7[%get3A_608, %get3A_609] {strides = array<i32>} : memref<32x128xi32, #tpu.memory_space<vmem>>, vector<16xi32>,
      %add3A_611 = vector.broadcast %mul3A_0 : i32 to vector<16xi32>
      %add3A_612 = arith.addi %get3A_610, %add3A_611 : vector<16xi32>
      %add3A_613 = arith.addi %mul3A_361, %scan3A_547 : i32
      %swap3A_614 = arith.index_cast %add3A_613 : i32 to index
      %swap3A_615 = arith.constant 96 : index
      %swap3A_616 = tpu.vector_load %arg7[%swap3A_614, %swap3A_615] {strides = array<i32>} : memref<32x128xi32, #tpu.memory_space<vmem>>, vector<16xi32>,
      tpu.vector_store %arg7[%swap3A_614, %swap3A_615], %add3A_612 {strides = array<i32>} : memref<32x128xi32, #tpu.memory_space<vmem>>, vector<16xi32>,
      %add3A_617 = arith.addi %mul3A_361, %scan3A_547 : i32
      %get3A_618 = arith.index_cast %add3A_617 : i32 to index
      %get3A_619 = arith.constant 112 : index
      %get3A_620 = tpu.vector_load %arg7[%get3A_618, %get3A_619] {strides = array<i32>} : memref<32x128xi32, #tpu.memory_space<vmem>>, vector<16xi32>,
      %add3A_621 = vector.broadcast %mul3A_0 : i32 to vector<16xi32>
      %add3A_622 = arith.addi %get3A_620, %add3A_621 : vector<16xi32>
      %add3A_623 = arith.addi %mul3A_361, %scan3A_547 : i32
      %swap3A_624 = arith.index_cast %add3A_623 : i32 to index
      %swap3A_625 = arith.constant 112 : index
      %swap3A_626 = tpu.vector_load %arg7[%swap3A_624, %swap3A_625] {strides = array<i32>} : memref<32x128xi32, #tpu.memory_space<vmem>>, vector<16xi32>,
      tpu.vector_store %arg7[%swap3A_624, %swap3A_625], %add3A_622 {strides = array<i32>} : memref<32x128xi32, #tpu.memory_space<vmem>>, vector<16xi32>,
    }
    %scan3A_367 = arith.constant 16 : i32
    %div3A = arith.constant 0 : i32
    %div3A_368 = arith.constant 16 : i32
    %div3A_369 = arith.divsi %div3A, %div3A_368 : i32
    %rem3A_370 = arith.constant 2 : i32
    %rem3A_371 = arith.remsi %div3A_369, %rem3A_370 : i32
    %mul3A_372 = arith.constant 16 : i32
    %mul3A_373 = arith.muli %rem3A_371, %mul3A_372 : i32
    %rem3A_374 = arith.constant 0 : i32
    %rem3A_375 = arith.constant 16 : i32
    %rem3A_376 = arith.remsi %rem3A_374, %rem3A_375 : i32
    %add3A_377 = arith.addi %mul3A_373, %rem3A_376 : i32
    %dma_start3A_378 = arith.constant 0 : i32
    %dma_start3A_379 = tpu.memref_slice %arg7[%add3A_377, %dma_start3A_378] : memref<32x128xi32, #tpu.memory_space<vmem>> -> memref<1x128xi32, #tpu.memory_space<vmem>>
    %dma_start3A_380 = tpu.memref_squeeze %dma_start3A_379 : memref<1x128xi32, #tpu.memory_space<vmem>> -> memref<128xi32, #tpu.memory_space<vmem>>
    %dma_start3A_381 = arith.constant 0 : i32
    %dma_start3A_382 = arith.constant 0 : i32
    %dma_start3A_383 = tpu.memref_slice %arg4[%dma_start3A_381, %dma_start3A_382] : memref<20480x64xf32, #tpu.memory_space<hbm>> -> memref<20480x64xf32, #tpu.memory_space<hbm>>
    tpu.enqueue_indirect_dma source(%dma_start3A_383 : memref<20480x64xf32, #tpu.memory_space<hbm>>) target(%arg11 : memref<128x64xf32, #tpu.memory_space<vmem>>) offsets(%dma_start3A_380 : memref<128xi32, #tpu.memory_space<vmem>>) semaphore(%arg21 : memref<!tpu.dma_semaphore, #tpu.memory_space<semaphore_mem>>)
    %div3A_384 = arith.constant 1 : i32
    %div3A_385 = arith.constant 16 : i32
    %div3A_386 = arith.divsi %div3A_384, %div3A_385 : i32
    %rem3A_387 = arith.constant 2 : i32
    %rem3A_388 = arith.remsi %div3A_386, %rem3A_387 : i32
    %mul3A_389 = arith.constant 16 : i32
    %mul3A_390 = arith.muli %rem3A_388, %mul3A_389 : i32
    %rem3A_391 = arith.constant 1 : i32
    %rem3A_392 = arith.constant 16 : i32
    %rem3A_393 = arith.remsi %rem3A_391, %rem3A_392 : i32
    %add3A_394 = arith.addi %mul3A_390, %rem3A_393 : i32
    %dma_start3A_395 = arith.constant 0 : i32
    %dma_start3A_396 = tpu.memref_slice %arg7[%add3A_394, %dma_start3A_395] : memref<32x128xi32, #tpu.memory_space<vmem>> -> memref<1x128xi32, #tpu.memory_space<vmem>>
    %dma_start3A_397 = tpu.memref_squeeze %dma_start3A_396 : memref<1x128xi32, #tpu.memory_space<vmem>> -> memref<128xi32, #tpu.memory_space<vmem>>
    %dma_start3A_398 = arith.constant 0 : i32
    %dma_start3A_399 = arith.constant 0 : i32
    %dma_start3A_400 = tpu.memref_slice %arg4[%dma_start3A_398, %dma_start3A_399] : memref<20480x64xf32, #tpu.memory_space<hbm>> -> memref<20480x64xf32, #tpu.memory_space<hbm>>
    tpu.enqueue_indirect_dma source(%dma_start3A_400 : memref<20480x64xf32, #tpu.memory_space<hbm>>) target(%arg12 : memref<128x64xf32, #tpu.memory_space<vmem>>) offsets(%dma_start3A_397 : memref<128xi32, #tpu.memory_space<vmem>>) semaphore(%arg22 : memref<!tpu.dma_semaphore, #tpu.memory_space<semaphore_mem>>)
    %div3A_401 = arith.constant 2 : i32
    %div3A_402 = arith.constant 16 : i32
    %div3A_403 = arith.divsi %div3A_401, %div3A_402 : i32
    %rem3A_404 = arith.constant 2 : i32
    %rem3A_405 = arith.remsi %div3A_403, %rem3A_404 : i32
    %mul3A_406 = arith.constant 16 : i32
    %mul3A_407 = arith.muli %rem3A_405, %mul3A_406 : i32
    %rem3A_408 = arith.constant 2 : i32
    %rem3A_409 = arith.constant 16 : i32
    %rem3A_410 = arith.remsi %rem3A_408, %rem3A_409 : i32
    %add3A_411 = arith.addi %mul3A_407, %rem3A_410 : i32
    %dma_start3A_412 = arith.constant 0 : i32
    %dma_start3A_413 = tpu.memref_slice %arg7[%add3A_411, %dma_start3A_412] : memref<32x128xi32, #tpu.memory_space<vmem>> -> memref<1x128xi32, #tpu.memory_space<vmem>>
    %dma_start3A_414 = tpu.memref_squeeze %dma_start3A_413 : memref<1x128xi32, #tpu.memory_space<vmem>> -> memref<128xi32, #tpu.memory_space<vmem>>
    %dma_start3A_415 = arith.constant 0 : i32
    %dma_start3A_416 = arith.constant 0 : i32
    %dma_start3A_417 = tpu.memref_slice %arg4[%dma_start3A_415, %dma_start3A_416] : memref<20480x64xf32, #tpu.memory_space<hbm>> -> memref<20480x64xf32, #tpu.memory_space<hbm>>
    tpu.enqueue_indirect_dma source(%dma_start3A_417 : memref<20480x64xf32, #tpu.memory_space<hbm>>) target(%arg13 : memref<128x64xf32, #tpu.memory_space<vmem>>) offsets(%dma_start3A_414 : memref<128xi32, #tpu.memory_space<vmem>>) semaphore(%arg23 : memref<!tpu.dma_semaphore, #tpu.memory_space<semaphore_mem>>)
    %div3A_418 = arith.constant 3 : i32
    %div3A_419 = arith.constant 16 : i32
    %div3A_420 = arith.divsi %div3A_418, %div3A_419 : i32
    %rem3A_421 = arith.constant 2 : i32
    %rem3A_422 = arith.remsi %div3A_420, %rem3A_421 : i32
    %mul3A_423 = arith.constant 16 : i32
    %mul3A_424 = arith.muli %rem3A_422, %mul3A_423 : i32
    %rem3A_425 = arith.constant 3 : i32
    %rem3A_426 = arith.constant 16 : i32
    %rem3A_427 = arith.remsi %rem3A_425, %rem3A_426 : i32
    %add3A_428 = arith.addi %mul3A_424, %rem3A_427 : i32
    %dma_start3A_429 = arith.constant 0 : i32
    %dma_start3A_430 = tpu.memref_slice %arg7[%add3A_428, %dma_start3A_429] : memref<32x128xi32, #tpu.memory_space<vmem>> -> memref<1x128xi32, #tpu.memory_space<vmem>>
    %dma_start3A_431 = tpu.memref_squeeze %dma_start3A_430 : memref<1x128xi32, #tpu.memory_space<vmem>> -> memref<128xi32, #tpu.memory_space<vmem>>
    %dma_start3A_432 = arith.constant 0 : i32
    %dma_start3A_433 = arith.constant 0 : i32
    %dma_start3A_434 = tpu.memref_slice %arg4[%dma_start3A_432, %dma_start3A_433] : memref<20480x64xf32, #tpu.memory_space<hbm>> -> memref<20480x64xf32, #tpu.memory_space<hbm>>
    tpu.enqueue_indirect_dma source(%dma_start3A_434 : memref<20480x64xf32, #tpu.memory_space<hbm>>) target(%arg14 : memref<128x64xf32, #tpu.memory_space<vmem>>) offsets(%dma_start3A_431 : memref<128xi32, #tpu.memory_space<vmem>>) semaphore(%arg24 : memref<!tpu.dma_semaphore, #tpu.memory_space<semaphore_mem>>)
    %scan3A_435 = arith.constant 0 : i32
    %scan3A_436 = arith.constant 0 : i32
    %scan3A_437 = arith.constant 20 : i32
    %scan3A_438 = arith.addi %scan3A_436, %scan3A_437 : i32
    %scan3A_439 = arith.constant 1 : i32
    scf.for %scan3A_547 = %scan3A_436 to %scan3A_438 step %scan3A_439  : i32 {
      %mul3A_548 = arith.constant 8 : i32
      %mul3A_549 = arith.muli %scan3A_547, %mul3A_548 : i32
      %add3A_550 = arith.constant 0 : i32
      %add3A_551 = arith.addi %mul3A_549, %add3A_550 : i32
      %div3A_552 = arith.constant 16 : i32
      %div3A_553 = arith.divsi %add3A_551, %div3A_552 : i32
      %rem3A_554 = arith.constant 2 : i32
      %rem3A_555 = arith.remsi %div3A_553, %rem3A_554 : i32
      %mul3A_556 = arith.constant 16 : i32
      %mul3A_557 = arith.muli %rem3A_555, %mul3A_556 : i32
      %rem3A_558 = arith.constant 16 : i32
      %rem3A_559 = arith.remsi %add3A_551, %rem3A_558 : i32
      %add3A_560 = arith.addi %mul3A_557, %rem3A_559 : i32
      %get3A = arith.index_cast %add3A_560 : i32 to index
      %get3A_561 = arith.constant 0 : index
      %get3A_562 = tpu.vector_load %arg6[%get3A, %get3A_561] {strides = array<i32>} : memref<32x128xi32, #tpu.memory_space<vmem>>, vector<16xi32>,
      %shift_right_logical3A = arith.constant 7 : i32
      %shift_right_logical3A_563 = vector.broadcast %shift_right_logical3A : i32 to vector<16xi32>
      %shift_right_logical3A_564 = arith.shrui %get3A_562, %shift_right_logical3A_563 : vector<16xi32>
      %and3A = arith.constant 127 : i32
      %and3A_565 = vector.broadcast %and3A : i32 to vector<16xi32>
      %and3A_566 = arith.andi %get3A_562, %and3A_565 : vector<16xi32>
      tpu.vector_store_idx %arg8[%shift_right_logical3A_564, %and3A_566], %broadcast_in_dim3A_1 {add = true} : memref<80x128xf32, #tpu.memory_space<vmem>>[vector<16xi32>, vector<16xi32>], vector<16xf32>,
      %get3A_567 = arith.index_cast %add3A_560 : i32 to index
      %get3A_568 = arith.constant 16 : index
      %get3A_569 = tpu.vector_load %arg6[%get3A_567, %get3A_568] {strides = array<i32>} : memref<32x128xi32, #tpu.memory_space<vmem>>, vector<16xi32>,
      %shift_right_logical3A_570 = arith.constant 7 : i32
      %shift_right_logical3A_571 = vector.broadcast %shift_right_logical3A_570 : i32 to vector<16xi32>
      %shift_right_logical3A_572 = arith.shrui %get3A_569, %shift_right_logical3A_571 : vector<16xi32>
      %and3A_573 = arith.constant 127 : i32
      %and3A_574 = vector.broadcast %and3A_573 : i32 to vector<16xi32>
      %and3A_575 = arith.andi %get3A_569, %and3A_574 : vector<16xi32>
      tpu.vector_store_idx %arg8[%shift_right_logical3A_572, %and3A_575], %broadcast_in_dim3A_1 {add = true} : memref<80x128xf32, #tpu.memory_space<vmem>>[vector<16xi32>, vector<16xi32>], vector<16xf32>,
      %get3A_576 = arith.index_cast %add3A_560 : i32 to index
      %get3A_577 = arith.constant 32 : index
      %get3A_578 = tpu.vector_load %arg6[%get3A_576, %get3A_577] {strides = array<i32>} : memref<32x128xi32, #tpu.memory_space<vmem>>, vector<16xi32>,
      %shift_right_logical3A_579 = arith.constant 7 : i32
      %shift_right_logical3A_580 = vector.broadcast %shift_right_logical3A_579 : i32 to vector<16xi32>
      %shift_right_logical3A_581 = arith.shrui %get3A_578, %shift_right_logical3A_580 : vector<16xi32>
      %and3A_582 = arith.constant 127 : i32
      %and3A_583 = vector.broadcast %and3A_582 : i32 to vector<16xi32>
      %and3A_584 = arith.andi %get3A_578, %and3A_583 : vector<16xi32>
      tpu.vector_store_idx %arg8[%shift_right_logical3A_581, %and3A_584], %broadcast_in_dim3A_1 {add = true} : memref<80x128xf32, #tpu.memory_space<vmem>>[vector<16xi32>, vector<16xi32>], vector<16xf32>,
      %get3A_585 = arith.index_cast %add3A_560 : i32 to index
      %get3A_586 = arith.constant 48 : index
      %get3A_587 = tpu.vector_load %arg6[%get3A_585, %get3A_586] {strides = array<i32>} : memref<32x128xi32, #tpu.memory_space<vmem>>, vector<16xi32>,
      %shift_right_logical3A_588 = arith.constant 7 : i32
      %shift_right_logical3A_589 = vector.broadcast %shift_right_logical3A_588 : i32 to vector<16xi32>
      %shift_right_logical3A_590 = arith.shrui %get3A_587, %shift_right_logical3A_589 : vector<16xi32>
      %and3A_591 = arith.constant 127 : i32
      %and3A_592 = vector.broadcast %and3A_591 : i32 to vector<16xi32>
      %and3A_593 = arith.andi %get3A_587, %and3A_592 : vector<16xi32>
      tpu.vector_store_idx %arg8[%shift_right_logical3A_590, %and3A_593], %broadcast_in_dim3A_1 {add = true} : memref<80x128xf32, #tpu.memory_space<vmem>>[vector<16xi32>, vector<16xi32>], vector<16xf32>,
      %get3A_594 = arith.index_cast %add3A_560 : i32 to index
      %get3A_595 = arith.constant 64 : index
      %get3A_596 = tpu.vector_load %arg6[%get3A_594, %get3A_595] {strides = array<i32>} : memref<32x128xi32, #tpu.memory_space<vmem>>, vector<16xi32>,
      %shift_right_logical3A_597 = arith.constant 7 : i32
      %shift_right_logical3A_598 = vector.broadcast %shift_right_logical3A_597 : i32 to vector<16xi32>
      %shift_right_logical3A_599 = arith.shrui %get3A_596, %shift_right_logical3A_598 : vector<16xi32>
      %and3A_600 = arith.constant 127 : i32
      %and3A_601 = vector.broadcast %and3A_600 : i32 to vector<16xi32>
      %and3A_602 = arith.andi %get3A_596, %and3A_601 : vector<16xi32>
      tpu.vector_store_idx %arg8[%shift_right_logical3A_599, %and3A_602], %broadcast_in_dim3A_1 {add = true} : memref<80x128xf32, #tpu.memory_space<vmem>>[vector<16xi32>, vector<16xi32>], vector<16xf32>,
      %get3A_603 = arith.index_cast %add3A_560 : i32 to index
      %get3A_604 = arith.constant 80 : index
      %get3A_605 = tpu.vector_load %arg6[%get3A_603, %get3A_604] {strides = array<i32>} : memref<32x128xi32, #tpu.memory_space<vmem>>, vector<16xi32>,
      %shift_right_logical3A_606 = arith.constant 7 : i32
      %shift_right_logical3A_607 = vector.broadcast %shift_right_logical3A_606 : i32 to vector<16xi32>
      %shift_right_logical3A_608 = arith.shrui %get3A_605, %shift_right_logical3A_607 : vector<16xi32>
      %and3A_609 = arith.constant 127 : i32
      %and3A_610 = vector.broadcast %and3A_609 : i32 to vector<16xi32>
      %and3A_611 = arith.andi %get3A_605, %and3A_610 : vector<16xi32>
      tpu.vector_store_idx %arg8[%shift_right_logical3A_608, %and3A_611], %broadcast_in_dim3A_1 {add = true} : memref<80x128xf32, #tpu.memory_space<vmem>>[vector<16xi32>, vector<16xi32>], vector<16xf32>,
      %get3A_612 = arith.index_cast %add3A_560 : i32 to index
      %get3A_613 = arith.constant 96 : index
      %get3A_614 = tpu.vector_load %arg6[%get3A_612, %get3A_613] {strides = array<i32>} : memref<32x128xi32, #tpu.memory_space<vmem>>, vector<16xi32>,
      %shift_right_logical3A_615 = arith.constant 7 : i32
      %shift_right_logical3A_616 = vector.broadcast %shift_right_logical3A_615 : i32 to vector<16xi32>
      %shift_right_logical3A_617 = arith.shrui %get3A_614, %shift_right_logical3A_616 : vector<16xi32>
      %and3A_618 = arith.constant 127 : i32
      %and3A_619 = vector.broadcast %and3A_618 : i32 to vector<16xi32>
      %and3A_620 = arith.andi %get3A_614, %and3A_619 : vector<16xi32>
      tpu.vector_store_idx %arg8[%shift_right_logical3A_617, %and3A_620], %broadcast_in_dim3A_1 {add = true} : memref<80x128xf32, #tpu.memory_space<vmem>>[vector<16xi32>, vector<16xi32>], vector<16xf32>,
      %get3A_621 = arith.index_cast %add3A_560 : i32 to index
      %get3A_622 = arith.constant 112 : index
      %get3A_623 = tpu.vector_load %arg6[%get3A_621, %get3A_622] {strides = array<i32>} : memref<32x128xi32, #tpu.memory_space<vmem>>, vector<16xi32>,
      %shift_right_logical3A_624 = arith.constant 7 : i32
      %shift_right_logical3A_625 = vector.broadcast %shift_right_logical3A_624 : i32 to vector<16xi32>
      %shift_right_logical3A_626 = arith.shrui %get3A_623, %shift_right_logical3A_625 : vector<16xi32>
      %and3A_627 = arith.constant 127 : i32
      %and3A_628 = vector.broadcast %and3A_627 : i32 to vector<16xi32>
      %and3A_629 = arith.andi %get3A_623, %and3A_628 : vector<16xi32>
      tpu.vector_store_idx %arg8[%shift_right_logical3A_626, %and3A_629], %broadcast_in_dim3A_1 {add = true} : memref<80x128xf32, #tpu.memory_space<vmem>>[vector<16xi32>, vector<16xi32>], vector<16xf32>,
      %dma_wait3A_630 = arith.constant 0 : i32
      %dma_wait3A_631 = arith.constant 0 : i32
      %dma_wait3A_632 = tpu.memref_slice %arg4[%dma_wait3A_630, %dma_wait3A_631] : memref<20480x64xf32, #tpu.memory_space<hbm>> -> memref<128x64xf32, #tpu.memory_space<hbm>>
      %dma_wait3A_633 = arith.constant 0 : i32
      %dma_wait3A_634 = arith.constant 0 : i32
      %dma_wait3A_635 = tpu.memref_slice %arg4[%dma_wait3A_633, %dma_wait3A_634] : memref<20480x64xf32, #tpu.memory_space<hbm>> -> memref<128x64xf32, #tpu.memory_space<hbm>>
      tpu.wait_dma2 semaphore(%arg21 : memref<!tpu.dma_semaphore, #tpu.memory_space<semaphore_mem>>) src(%dma_wait3A_635 : memref<128x64xf32, #tpu.memory_space<hbm>>) dst(%arg11 : memref<128x64xf32, #tpu.memory_space<vmem>>)
      %dma_start3A_636 = arith.constant 0 : i32
      %dma_start3A_637 = tpu.memref_slice %arg6[%add3A_560, %dma_start3A_636] : memref<32x128xi32, #tpu.memory_space<vmem>> -> memref<1x128xi32, #tpu.memory_space<vmem>>
      %dma_start3A_638 = tpu.memref_squeeze %dma_start3A_637 : memref<1x128xi32, #tpu.memory_space<vmem>> -> memref<128xi32, #tpu.memory_space<vmem>>
      %dma_start3A_639 = arith.constant 0 : i32
      %dma_start3A_640 = arith.constant 0 : i32
      %dma_start3A_641 = tpu.memref_slice %arg19[%dma_start3A_639, %dma_start3A_640] : memref<10240x64xf32, #tpu.memory_space<vmem_shared>> -> memref<10240x64xf32, #tpu.memory_space<vmem_shared>>
      tpu.enqueue_indirect_dma source(%arg11 : memref<128x64xf32, #tpu.memory_space<vmem>>) target(%dma_start3A_641 : memref<10240x64xf32, #tpu.memory_space<vmem_shared>>) offsets(%dma_start3A_638 : memref<128xi32, #tpu.memory_space<vmem>>) semaphore(%arg29 : memref<!tpu.dma_semaphore, #tpu.memory_space<semaphore_mem>>) {add = true}
      %lt3A = arith.constant 19 : i32
      %lt3A_642 = arith.cmpi slt, %scan3A_547, %lt3A : i32
      %or3A = arith.constant true
      %or3A_643 = arith.ori %lt3A_642, %or3A : i1
      %convert_element_type3A = arith.extui %or3A_643 : i1 to i32
      %cond3A = arith.constant 0 : i32
      %cond3A_644 = arith.cmpi ne, %convert_element_type3A, %cond3A : i32
      scf.if %cond3A_644 {
        %gt3A = arith.constant 0 : i32
        %gt3A_1392 = arith.cmpi sgt, %scan3A_547, %gt3A : i32
        %convert_element_type3A_1393 = arith.extui %gt3A_1392 : i1 to i32
        %cond3A_1394 = arith.constant 0 : i32
        %cond3A_1395 = arith.cmpi ne, %convert_element_type3A_1393, %cond3A_1394 : i32
        scf.if %cond3A_1395 {
          %dma_wait3A_1413 = arith.constant 0 : i32
          %dma_wait3A_1414 = arith.constant 0 : i32
          %dma_wait3A_1415 = tpu.memref_slice %arg4[%dma_wait3A_1413, %dma_wait3A_1414] : memref<20480x64xf32, #tpu.memory_space<hbm>> -> memref<128x64xf32, #tpu.memory_space<hbm>>
          %dma_wait3A_1416 = arith.constant 0 : i32
          %dma_wait3A_1417 = arith.constant 0 : i32
          %dma_wait3A_1418 = tpu.memref_slice %arg4[%dma_wait3A_1416, %dma_wait3A_1417] : memref<20480x64xf32, #tpu.memory_space<hbm>> -> memref<128x64xf32, #tpu.memory_space<hbm>>
          tpu.wait_dma2 semaphore(%arg33 : memref<!tpu.dma_semaphore, #tpu.memory_space<semaphore_mem>>) src(%dma_wait3A_1418 : memref<128x64xf32, #tpu.memory_space<hbm>>) dst(%arg15 : memref<128x64xf32, #tpu.memory_space<vmem>>)
        } else {
        }
        %add3A_1396 = arith.constant 4 : i32
        %add3A_1397 = arith.addi %add3A_551, %add3A_1396 : i32
        %div3A_1398 = arith.constant 16 : i32
        %div3A_1399 = arith.divsi %add3A_1397, %div3A_1398 : i32
        %rem3A_1400 = arith.constant 2 : i32
        %rem3A_1401 = arith.remsi %div3A_1399, %rem3A_1400 : i32
        %mul3A_1402 = arith.constant 16 : i32
        %mul3A_1403 = arith.muli %rem3A_1401, %mul3A_1402 : i32
        %rem3A_1404 = arith.constant 16 : i32
        %rem3A_1405 = arith.remsi %add3A_1397, %rem3A_1404 : i32
        %add3A_1406 = arith.addi %mul3A_1403, %rem3A_1405 : i32
        %dma_start3A_1407 = arith.constant 0 : i32
        %dma_start3A_1408 = tpu.memref_slice %arg7[%add3A_1406, %dma_start3A_1407] : memref<32x128xi32, #tpu.memory_space<vmem>> -> memref<1x128xi32, #tpu.memory_space<vmem>>
        %dma_start3A_1409 = tpu.memref_squeeze %dma_start3A_1408 : memref<1x128xi32, #tpu.memory_space<vmem>> -> memref<128xi32, #tpu.memory_space<vmem>>
        %dma_start3A_1410 = arith.constant 0 : i32
        %dma_start3A_1411 = arith.constant 0 : i32
        %dma_start3A_1412 = tpu.memref_slice %arg4[%dma_start3A_1410, %dma_start3A_1411] : memref<20480x64xf32, #tpu.memory_space<hbm>> -> memref<20480x64xf32, #tpu.memory_space<hbm>>
        tpu.enqueue_indirect_dma source(%dma_start3A_1412 : memref<20480x64xf32, #tpu.memory_space<hbm>>) target(%arg15 : memref<128x64xf32, #tpu.memory_space<vmem>>) offsets(%dma_start3A_1409 : memref<128xi32, #tpu.memory_space<vmem>>) semaphore(%arg25 : memref<!tpu.dma_semaphore, #tpu.memory_space<semaphore_mem>>)
      } else {
      }
      %mul3A_645 = arith.constant 8 : i32
      %mul3A_646 = arith.muli %scan3A_547, %mul3A_645 : i32
      %add3A_647 = arith.constant 1 : i32
      %add3A_648 = arith.addi %mul3A_646, %add3A_647 : i32
      %div3A_649 = arith.constant 16 : i32
      %div3A_650 = arith.divsi %add3A_648, %div3A_649 : i32
      %rem3A_651 = arith.constant 2 : i32
      %rem3A_652 = arith.remsi %div3A_650, %rem3A_651 : i32
      %mul3A_653 = arith.constant 16 : i32
      %mul3A_654 = arith.muli %rem3A_652, %mul3A_653 : i32
      %rem3A_655 = arith.constant 16 : i32
      %rem3A_656 = arith.remsi %add3A_648, %rem3A_655 : i32
      %add3A_657 = arith.addi %mul3A_654, %rem3A_656 : i32
      %get3A_658 = arith.index_cast %add3A_657 : i32 to index
      %get3A_659 = arith.constant 0 : index
      %get3A_660 = tpu.vector_load %arg6[%get3A_658, %get3A_659] {strides = array<i32>} : memref<32x128xi32, #tpu.memory_space<vmem>>, vector<16xi32>,
      %shift_right_logical3A_661 = arith.constant 7 : i32
      %shift_right_logical3A_662 = vector.broadcast %shift_right_logical3A_661 : i32 to vector<16xi32>
      %shift_right_logical3A_663 = arith.shrui %get3A_660, %shift_right_logical3A_662 : vector<16xi32>
      %and3A_664 = arith.constant 127 : i32
      %and3A_665 = vector.broadcast %and3A_664 : i32 to vector<16xi32>
      %and3A_666 = arith.andi %get3A_660, %and3A_665 : vector<16xi32>
      tpu.vector_store_idx %arg8[%shift_right_logical3A_663, %and3A_666], %broadcast_in_dim3A_1 {add = true} : memref<80x128xf32, #tpu.memory_space<vmem>>[vector<16xi32>, vector<16xi32>], vector<16xf32>,
      %get3A_667 = arith.index_cast %add3A_657 : i32 to index
      %get3A_668 = arith.constant 16 : index
      %get3A_669 = tpu.vector_load %arg6[%get3A_667, %get3A_668] {strides = array<i32>} : memref<32x128xi32, #tpu.memory_space<vmem>>, vector<16xi32>,
      %shift_right_logical3A_670 = arith.constant 7 : i32
      %shift_right_logical3A_671 = vector.broadcast %shift_right_logical3A_670 : i32 to vector<16xi32>
      %shift_right_logical3A_672 = arith.shrui %get3A_669, %shift_right_logical3A_671 : vector<16xi32>
      %and3A_673 = arith.constant 127 : i32
      %and3A_674 = vector.broadcast %and3A_673 : i32 to vector<16xi32>
      %and3A_675 = arith.andi %get3A_669, %and3A_674 : vector<16xi32>
      tpu.vector_store_idx %arg8[%shift_right_logical3A_672, %and3A_675], %broadcast_in_dim3A_1 {add = true} : memref<80x128xf32, #tpu.memory_space<vmem>>[vector<16xi32>, vector<16xi32>], vector<16xf32>,
      %get3A_676 = arith.index_cast %add3A_657 : i32 to index
      %get3A_677 = arith.constant 32 : index
      %get3A_678 = tpu.vector_load %arg6[%get3A_676, %get3A_677] {strides = array<i32>} : memref<32x128xi32, #tpu.memory_space<vmem>>, vector<16xi32>,
      %shift_right_logical3A_679 = arith.constant 7 : i32
      %shift_right_logical3A_680 = vector.broadcast %shift_right_logical3A_679 : i32 to vector<16xi32>
      %shift_right_logical3A_681 = arith.shrui %get3A_678, %shift_right_logical3A_680 : vector<16xi32>
      %and3A_682 = arith.constant 127 : i32
      %and3A_683 = vector.broadcast %and3A_682 : i32 to vector<16xi32>
      %and3A_684 = arith.andi %get3A_678, %and3A_683 : vector<16xi32>
      tpu.vector_store_idx %arg8[%shift_right_logical3A_681, %and3A_684], %broadcast_in_dim3A_1 {add = true} : memref<80x128xf32, #tpu.memory_space<vmem>>[vector<16xi32>, vector<16xi32>], vector<16xf32>,
      %get3A_685 = arith.index_cast %add3A_657 : i32 to index
      %get3A_686 = arith.constant 48 : index
      %get3A_687 = tpu.vector_load %arg6[%get3A_685, %get3A_686] {strides = array<i32>} : memref<32x128xi32, #tpu.memory_space<vmem>>, vector<16xi32>,
      %shift_right_logical3A_688 = arith.constant 7 : i32
      %shift_right_logical3A_689 = vector.broadcast %shift_right_logical3A_688 : i32 to vector<16xi32>
      %shift_right_logical3A_690 = arith.shrui %get3A_687, %shift_right_logical3A_689 : vector<16xi32>
      %and3A_691 = arith.constant 127 : i32
      %and3A_692 = vector.broadcast %and3A_691 : i32 to vector<16xi32>
      %and3A_693 = arith.andi %get3A_687, %and3A_692 : vector<16xi32>
      tpu.vector_store_idx %arg8[%shift_right_logical3A_690, %and3A_693], %broadcast_in_dim3A_1 {add = true} : memref<80x128xf32, #tpu.memory_space<vmem>>[vector<16xi32>, vector<16xi32>], vector<16xf32>,
      %get3A_694 = arith.index_cast %add3A_657 : i32 to index
      %get3A_695 = arith.constant 64 : index
      %get3A_696 = tpu.vector_load %arg6[%get3A_694, %get3A_695] {strides = array<i32>} : memref<32x128xi32, #tpu.memory_space<vmem>>, vector<16xi32>,
      %shift_right_logical3A_697 = arith.constant 7 : i32
      %shift_right_logical3A_698 = vector.broadcast %shift_right_logical3A_697 : i32 to vector<16xi32>
      %shift_right_logical3A_699 = arith.shrui %get3A_696, %shift_right_logical3A_698 : vector<16xi32>
      %and3A_700 = arith.constant 127 : i32
      %and3A_701 = vector.broadcast %and3A_700 : i32 to vector<16xi32>
      %and3A_702 = arith.andi %get3A_696, %and3A_701 : vector<16xi32>
      tpu.vector_store_idx %arg8[%shift_right_logical3A_699, %and3A_702], %broadcast_in_dim3A_1 {add = true} : memref<80x128xf32, #tpu.memory_space<vmem>>[vector<16xi32>, vector<16xi32>], vector<16xf32>,
      %get3A_703 = arith.index_cast %add3A_657 : i32 to index
      %get3A_704 = arith.constant 80 : index
      %get3A_705 = tpu.vector_load %arg6[%get3A_703, %get3A_704] {strides = array<i32>} : memref<32x128xi32, #tpu.memory_space<vmem>>, vector<16xi32>,
      %shift_right_logical3A_706 = arith.constant 7 : i32
      %shift_right_logical3A_707 = vector.broadcast %shift_right_logical3A_706 : i32 to vector<16xi32>
      %shift_right_logical3A_708 = arith.shrui %get3A_705, %shift_right_logical3A_707 : vector<16xi32>
      %and3A_709 = arith.constant 127 : i32
      %and3A_710 = vector.broadcast %and3A_709 : i32 to vector<16xi32>
      %and3A_711 = arith.andi %get3A_705, %and3A_710 : vector<16xi32>
      tpu.vector_store_idx %arg8[%shift_right_logical3A_708, %and3A_711], %broadcast_in_dim3A_1 {add = true} : memref<80x128xf32, #tpu.memory_space<vmem>>[vector<16xi32>, vector<16xi32>], vector<16xf32>,
      %get3A_712 = arith.index_cast %add3A_657 : i32 to index
      %get3A_713 = arith.constant 96 : index
      %get3A_714 = tpu.vector_load %arg6[%get3A_712, %get3A_713] {strides = array<i32>} : memref<32x128xi32, #tpu.memory_space<vmem>>, vector<16xi32>,
      %shift_right_logical3A_715 = arith.constant 7 : i32
      %shift_right_logical3A_716 = vector.broadcast %shift_right_logical3A_715 : i32 to vector<16xi32>
      %shift_right_logical3A_717 = arith.shrui %get3A_714, %shift_right_logical3A_716 : vector<16xi32>
      %and3A_718 = arith.constant 127 : i32
      %and3A_719 = vector.broadcast %and3A_718 : i32 to vector<16xi32>
      %and3A_720 = arith.andi %get3A_714, %and3A_719 : vector<16xi32>
      tpu.vector_store_idx %arg8[%shift_right_logical3A_717, %and3A_720], %broadcast_in_dim3A_1 {add = true} : memref<80x128xf32, #tpu.memory_space<vmem>>[vector<16xi32>, vector<16xi32>], vector<16xf32>,
      %get3A_721 = arith.index_cast %add3A_657 : i32 to index
      %get3A_722 = arith.constant 112 : index
      %get3A_723 = tpu.vector_load %arg6[%get3A_721, %get3A_722] {strides = array<i32>} : memref<32x128xi32, #tpu.memory_space<vmem>>, vector<16xi32>,
      %shift_right_logical3A_724 = arith.constant 7 : i32
      %shift_right_logical3A_725 = vector.broadcast %shift_right_logical3A_724 : i32 to vector<16xi32>
      %shift_right_logical3A_726 = arith.shrui %get3A_723, %shift_right_logical3A_725 : vector<16xi32>
      %and3A_727 = arith.constant 127 : i32
      %and3A_728 = vector.broadcast %and3A_727 : i32 to vector<16xi32>
      %and3A_729 = arith.andi %get3A_723, %and3A_728 : vector<16xi32>
      tpu.vector_store_idx %arg8[%shift_right_logical3A_726, %and3A_729], %broadcast_in_dim3A_1 {add = true} : memref<80x128xf32, #tpu.memory_space<vmem>>[vector<16xi32>, vector<16xi32>], vector<16xf32>,
      %dma_wait3A_730 = arith.constant 0 : i32
      %dma_wait3A_731 = arith.constant 0 : i32
      %dma_wait3A_732 = tpu.memref_slice %arg4[%dma_wait3A_730, %dma_wait3A_731] : memref<20480x64xf32, #tpu.memory_space<hbm>> -> memref<128x64xf32, #tpu.memory_space<hbm>>
      %dma_wait3A_733 = arith.constant 0 : i32
      %dma_wait3A_734 = arith.constant 0 : i32
      %dma_wait3A_735 = tpu.memref_slice %arg4[%dma_wait3A_733, %dma_wait3A_734] : memref<20480x64xf32, #tpu.memory_space<hbm>> -> memref<128x64xf32, #tpu.memory_space<hbm>>
      tpu.wait_dma2 semaphore(%arg22 : memref<!tpu.dma_semaphore, #tpu.memory_space<semaphore_mem>>) src(%dma_wait3A_735 : memref<128x64xf32, #tpu.memory_space<hbm>>) dst(%arg12 : memref<128x64xf32, #tpu.memory_space<vmem>>)
      %dma_start3A_736 = arith.constant 0 : i32
      %dma_start3A_737 = tpu.memref_slice %arg6[%add3A_657, %dma_start3A_736] : memref<32x128xi32, #tpu.memory_space<vmem>> -> memref<1x128xi32, #tpu.memory_space<vmem>>
      %dma_start3A_738 = tpu.memref_squeeze %dma_start3A_737 : memref<1x128xi32, #tpu.memory_space<vmem>> -> memref<128xi32, #tpu.memory_space<vmem>>
      %dma_start3A_739 = arith.constant 0 : i32
      %dma_start3A_740 = arith.constant 0 : i32
      %dma_start3A_741 = tpu.memref_slice %arg19[%dma_start3A_739, %dma_start3A_740] : memref<10240x64xf32, #tpu.memory_space<vmem_shared>> -> memref<10240x64xf32, #tpu.memory_space<vmem_shared>>
      tpu.enqueue_indirect_dma source(%arg12 : memref<128x64xf32, #tpu.memory_space<vmem>>) target(%dma_start3A_741 : memref<10240x64xf32, #tpu.memory_space<vmem_shared>>) offsets(%dma_start3A_738 : memref<128xi32, #tpu.memory_space<vmem>>) semaphore(%arg30 : memref<!tpu.dma_semaphore, #tpu.memory_space<semaphore_mem>>) {add = true}
      %lt3A_742 = arith.constant 19 : i32
      %lt3A_743 = arith.cmpi slt, %scan3A_547, %lt3A_742 : i32
      %or3A_744 = arith.constant true
      %or3A_745 = arith.ori %lt3A_743, %or3A_744 : i1
      %convert_element_type3A_746 = arith.extui %or3A_745 : i1 to i32
      %cond3A_747 = arith.constant 0 : i32
      %cond3A_748 = arith.cmpi ne, %convert_element_type3A_746, %cond3A_747 : i32
      scf.if %cond3A_748 {
        %gt3A = arith.constant 0 : i32
        %gt3A_1392 = arith.cmpi sgt, %scan3A_547, %gt3A : i32
        %convert_element_type3A_1393 = arith.extui %gt3A_1392 : i1 to i32
        %cond3A_1394 = arith.constant 0 : i32
        %cond3A_1395 = arith.cmpi ne, %convert_element_type3A_1393, %cond3A_1394 : i32
        scf.if %cond3A_1395 {
          %dma_wait3A_1413 = arith.constant 0 : i32
          %dma_wait3A_1414 = arith.constant 0 : i32
          %dma_wait3A_1415 = tpu.memref_slice %arg4[%dma_wait3A_1413, %dma_wait3A_1414] : memref<20480x64xf32, #tpu.memory_space<hbm>> -> memref<128x64xf32, #tpu.memory_space<hbm>>
          %dma_wait3A_1416 = arith.constant 0 : i32
          %dma_wait3A_1417 = arith.constant 0 : i32
          %dma_wait3A_1418 = tpu.memref_slice %arg4[%dma_wait3A_1416, %dma_wait3A_1417] : memref<20480x64xf32, #tpu.memory_space<hbm>> -> memref<128x64xf32, #tpu.memory_space<hbm>>
          tpu.wait_dma2 semaphore(%arg34 : memref<!tpu.dma_semaphore, #tpu.memory_space<semaphore_mem>>) src(%dma_wait3A_1418 : memref<128x64xf32, #tpu.memory_space<hbm>>) dst(%arg16 : memref<128x64xf32, #tpu.memory_space<vmem>>)
        } else {
        }
        %add3A_1396 = arith.constant 4 : i32
        %add3A_1397 = arith.addi %add3A_648, %add3A_1396 : i32
        %div3A_1398 = arith.constant 16 : i32
        %div3A_1399 = arith.divsi %add3A_1397, %div3A_1398 : i32
        %rem3A_1400 = arith.constant 2 : i32
        %rem3A_1401 = arith.remsi %div3A_1399, %rem3A_1400 : i32
        %mul3A_1402 = arith.constant 16 : i32
        %mul3A_1403 = arith.muli %rem3A_1401, %mul3A_1402 : i32
        %rem3A_1404 = arith.constant 16 : i32
        %rem3A_1405 = arith.remsi %add3A_1397, %rem3A_1404 : i32
        %add3A_1406 = arith.addi %mul3A_1403, %rem3A_1405 : i32
        %dma_start3A_1407 = arith.constant 0 : i32
        %dma_start3A_1408 = tpu.memref_slice %arg7[%add3A_1406, %dma_start3A_1407] : memref<32x128xi32, #tpu.memory_space<vmem>> -> memref<1x128xi32, #tpu.memory_space<vmem>>
        %dma_start3A_1409 = tpu.memref_squeeze %dma_start3A_1408 : memref<1x128xi32, #tpu.memory_space<vmem>> -> memref<128xi32, #tpu.memory_space<vmem>>
        %dma_start3A_1410 = arith.constant 0 : i32
        %dma_start3A_1411 = arith.constant 0 : i32
        %dma_start3A_1412 = tpu.memref_slice %arg4[%dma_start3A_1410, %dma_start3A_1411] : memref<20480x64xf32, #tpu.memory_space<hbm>> -> memref<20480x64xf32, #tpu.memory_space<hbm>>
        tpu.enqueue_indirect_dma source(%dma_start3A_1412 : memref<20480x64xf32, #tpu.memory_space<hbm>>) target(%arg16 : memref<128x64xf32, #tpu.memory_space<vmem>>) offsets(%dma_start3A_1409 : memref<128xi32, #tpu.memory_space<vmem>>) semaphore(%arg26 : memref<!tpu.dma_semaphore, #tpu.memory_space<semaphore_mem>>)
      } else {
      }
      %mul3A_749 = arith.constant 8 : i32
      %mul3A_750 = arith.muli %scan3A_547, %mul3A_749 : i32
      %add3A_751 = arith.constant 2 : i32
      %add3A_752 = arith.addi %mul3A_750, %add3A_751 : i32
      %div3A_753 = arith.constant 16 : i32
      %div3A_754 = arith.divsi %add3A_752, %div3A_753 : i32
      %rem3A_755 = arith.constant 2 : i32
      %rem3A_756 = arith.remsi %div3A_754, %rem3A_755 : i32
      %mul3A_757 = arith.constant 16 : i32
      %mul3A_758 = arith.muli %rem3A_756, %mul3A_757 : i32
      %rem3A_759 = arith.constant 16 : i32
      %rem3A_760 = arith.remsi %add3A_752, %rem3A_759 : i32
      %add3A_761 = arith.addi %mul3A_758, %rem3A_760 : i32
      %get3A_762 = arith.index_cast %add3A_761 : i32 to index
      %get3A_763 = arith.constant 0 : index
      %get3A_764 = tpu.vector_load %arg6[%get3A_762, %get3A_763] {strides = array<i32>} : memref<32x128xi32, #tpu.memory_space<vmem>>, vector<16xi32>,
      %shift_right_logical3A_765 = arith.constant 7 : i32
      %shift_right_logical3A_766 = vector.broadcast %shift_right_logical3A_765 : i32 to vector<16xi32>
      %shift_right_logical3A_767 = arith.shrui %get3A_764, %shift_right_logical3A_766 : vector<16xi32>
      %and3A_768 = arith.constant 127 : i32
      %and3A_769 = vector.broadcast %and3A_768 : i32 to vector<16xi32>
      %and3A_770 = arith.andi %get3A_764, %and3A_769 : vector<16xi32>
      tpu.vector_store_idx %arg8[%shift_right_logical3A_767, %and3A_770], %broadcast_in_dim3A_1 {add = true} : memref<80x128xf32, #tpu.memory_space<vmem>>[vector<16xi32>, vector<16xi32>], vector<16xf32>,
      %get3A_771 = arith.index_cast %add3A_761 : i32 to index
      %get3A_772 = arith.constant 16 : index
      %get3A_773 = tpu.vector_load %arg6[%get3A_771, %get3A_772] {strides = array<i32>} : memref<32x128xi32, #tpu.memory_space<vmem>>, vector<16xi32>,
      %shift_right_logical3A_774 = arith.constant 7 : i32
      %shift_right_logical3A_775 = vector.broadcast %shift_right_logical3A_774 : i32 to vector<16xi32>
      %shift_right_logical3A_776 = arith.shrui %get3A_773, %shift_right_logical3A_775 : vector<16xi32>
      %and3A_777 = arith.constant 127 : i32
      %and3A_778 = vector.broadcast %and3A_777 : i32 to vector<16xi32>
      %and3A_779 = arith.andi %get3A_773, %and3A_778 : vector<16xi32>
      tpu.vector_store_idx %arg8[%shift_right_logical3A_776, %and3A_779], %broadcast_in_dim3A_1 {add = true} : memref<80x128xf32, #tpu.memory_space<vmem>>[vector<16xi32>, vector<16xi32>], vector<16xf32>,
      %get3A_780 = arith.index_cast %add3A_761 : i32 to index
      %get3A_781 = arith.constant 32 : index
      %get3A_782 = tpu.vector_load %arg6[%get3A_780, %get3A_781] {strides = array<i32>} : memref<32x128xi32, #tpu.memory_space<vmem>>, vector<16xi32>,
      %shift_right_logical3A_783 = arith.constant 7 : i32
      %shift_right_logical3A_784 = vector.broadcast %shift_right_logical3A_783 : i32 to vector<16xi32>
      %shift_right_logical3A_785 = arith.shrui %get3A_782, %shift_right_logical3A_784 : vector<16xi32>
      %and3A_786 = arith.constant 127 : i32
      %and3A_787 = vector.broadcast %and3A_786 : i32 to vector<16xi32>
      %and3A_788 = arith.andi %get3A_782, %and3A_787 : vector<16xi32>
      tpu.vector_store_idx %arg8[%shift_right_logical3A_785, %and3A_788], %broadcast_in_dim3A_1 {add = true} : memref<80x128xf32, #tpu.memory_space<vmem>>[vector<16xi32>, vector<16xi32>], vector<16xf32>,
      %get3A_789 = arith.index_cast %add3A_761 : i32 to index
      %get3A_790 = arith.constant 48 : index
      %get3A_791 = tpu.vector_load %arg6[%get3A_789, %get3A_790] {strides = array<i32>} : memref<32x128xi32, #tpu.memory_space<vmem>>, vector<16xi32>,
      %shift_right_logical3A_792 = arith.constant 7 : i32
      %shift_right_logical3A_793 = vector.broadcast %shift_right_logical3A_792 : i32 to vector<16xi32>
      %shift_right_logical3A_794 = arith.shrui %get3A_791, %shift_right_logical3A_793 : vector<16xi32>
      %and3A_795 = arith.constant 127 : i32
      %and3A_796 = vector.broadcast %and3A_795 : i32 to vector<16xi32>
      %and3A_797 = arith.andi %get3A_791, %and3A_796 : vector<16xi32>
      tpu.vector_store_idx %arg8[%shift_right_logical3A_794, %and3A_797], %broadcast_in_dim3A_1 {add = true} : memref<80x128xf32, #tpu.memory_space<vmem>>[vector<16xi32>, vector<16xi32>], vector<16xf32>,
      %get3A_798 = arith.index_cast %add3A_761 : i32 to index
      %get3A_799 = arith.constant 64 : index
      %get3A_800 = tpu.vector_load %arg6[%get3A_798, %get3A_799] {strides = array<i32>} : memref<32x128xi32, #tpu.memory_space<vmem>>, vector<16xi32>,
      %shift_right_logical3A_801 = arith.constant 7 : i32
      %shift_right_logical3A_802 = vector.broadcast %shift_right_logical3A_801 : i32 to vector<16xi32>
      %shift_right_logical3A_803 = arith.shrui %get3A_800, %shift_right_logical3A_802 : vector<16xi32>
      %and3A_804 = arith.constant 127 : i32
      %and3A_805 = vector.broadcast %and3A_804 : i32 to vector<16xi32>
      %and3A_806 = arith.andi %get3A_800, %and3A_805 : vector<16xi32>
      tpu.vector_store_idx %arg8[%shift_right_logical3A_803, %and3A_806], %broadcast_in_dim3A_1 {add = true} : memref<80x128xf32, #tpu.memory_space<vmem>>[vector<16xi32>, vector<16xi32>], vector<16xf32>,
      %get3A_807 = arith.index_cast %add3A_761 : i32 to index
      %get3A_808 = arith.constant 80 : index
      %get3A_809 = tpu.vector_load %arg6[%get3A_807, %get3A_808] {strides = array<i32>} : memref<32x128xi32, #tpu.memory_space<vmem>>, vector<16xi32>,
      %shift_right_logical3A_810 = arith.constant 7 : i32
      %shift_right_logical3A_811 = vector.broadcast %shift_right_logical3A_810 : i32 to vector<16xi32>
      %shift_right_logical3A_812 = arith.shrui %get3A_809, %shift_right_logical3A_811 : vector<16xi32>
      %and3A_813 = arith.constant 127 : i32
      %and3A_814 = vector.broadcast %and3A_813 : i32 to vector<16xi32>
      %and3A_815 = arith.andi %get3A_809, %and3A_814 : vector<16xi32>
      tpu.vector_store_idx %arg8[%shift_right_logical3A_812, %and3A_815], %broadcast_in_dim3A_1 {add = true} : memref<80x128xf32, #tpu.memory_space<vmem>>[vector<16xi32>, vector<16xi32>], vector<16xf32>,
      %get3A_816 = arith.index_cast %add3A_761 : i32 to index
      %get3A_817 = arith.constant 96 : index
      %get3A_818 = tpu.vector_load %arg6[%get3A_816, %get3A_817] {strides = array<i32>} : memref<32x128xi32, #tpu.memory_space<vmem>>, vector<16xi32>,
      %shift_right_logical3A_819 = arith.constant 7 : i32
      %shift_right_logical3A_820 = vector.broadcast %shift_right_logical3A_819 : i32 to vector<16xi32>
      %shift_right_logical3A_821 = arith.shrui %get3A_818, %shift_right_logical3A_820 : vector<16xi32>
      %and3A_822 = arith.constant 127 : i32
      %and3A_823 = vector.broadcast %and3A_822 : i32 to vector<16xi32>
      %and3A_824 = arith.andi %get3A_818, %and3A_823 : vector<16xi32>
      tpu.vector_store_idx %arg8[%shift_right_logical3A_821, %and3A_824], %broadcast_in_dim3A_1 {add = true} : memref<80x128xf32, #tpu.memory_space<vmem>>[vector<16xi32>, vector<16xi32>], vector<16xf32>,
      %get3A_825 = arith.index_cast %add3A_761 : i32 to index
      %get3A_826 = arith.constant 112 : index
      %get3A_827 = tpu.vector_load %arg6[%get3A_825, %get3A_826] {strides = array<i32>} : memref<32x128xi32, #tpu.memory_space<vmem>>, vector<16xi32>,
      %shift_right_logical3A_828 = arith.constant 7 : i32
      %shift_right_logical3A_829 = vector.broadcast %shift_right_logical3A_828 : i32 to vector<16xi32>
      %shift_right_logical3A_830 = arith.shrui %get3A_827, %shift_right_logical3A_829 : vector<16xi32>
      %and3A_831 = arith.constant 127 : i32
      %and3A_832 = vector.broadcast %and3A_831 : i32 to vector<16xi32>
      %and3A_833 = arith.andi %get3A_827, %and3A_832 : vector<16xi32>
      tpu.vector_store_idx %arg8[%shift_right_logical3A_830, %and3A_833], %broadcast_in_dim3A_1 {add = true} : memref<80x128xf32, #tpu.memory_space<vmem>>[vector<16xi32>, vector<16xi32>], vector<16xf32>,
      %dma_wait3A_834 = arith.constant 0 : i32
      %dma_wait3A_835 = arith.constant 0 : i32
      %dma_wait3A_836 = tpu.memref_slice %arg4[%dma_wait3A_834, %dma_wait3A_835] : memref<20480x64xf32, #tpu.memory_space<hbm>> -> memref<128x64xf32, #tpu.memory_space<hbm>>
      %dma_wait3A_837 = arith.constant 0 : i32
      %dma_wait3A_838 = arith.constant 0 : i32
      %dma_wait3A_839 = tpu.memref_slice %arg4[%dma_wait3A_837, %dma_wait3A_838] : memref<20480x64xf32, #tpu.memory_space<hbm>> -> memref<128x64xf32, #tpu.memory_space<hbm>>
      tpu.wait_dma2 semaphore(%arg23 : memref<!tpu.dma_semaphore, #tpu.memory_space<semaphore_mem>>) src(%dma_wait3A_839 : memref<128x64xf32, #tpu.memory_space<hbm>>) dst(%arg13 : memref<128x64xf32, #tpu.memory_space<vmem>>)
      %dma_start3A_840 = arith.constant 0 : i32
      %dma_start3A_841 = tpu.memref_slice %arg6[%add3A_761, %dma_start3A_840] : memref<32x128xi32, #tpu.memory_space<vmem>> -> memref<1x128xi32, #tpu.memory_space<vmem>>
      %dma_start3A_842 = tpu.memref_squeeze %dma_start3A_841 : memref<1x128xi32, #tpu.memory_space<vmem>> -> memref<128xi32, #tpu.memory_space<vmem>>
      %dma_start3A_843 = arith.constant 0 : i32
      %dma_start3A_844 = arith.constant 0 : i32
      %dma_start3A_845 = tpu.memref_slice %arg19[%dma_start3A_843, %dma_start3A_844] : memref<10240x64xf32, #tpu.memory_space<vmem_shared>> -> memref<10240x64xf32, #tpu.memory_space<vmem_shared>>
      tpu.enqueue_indirect_dma source(%arg13 : memref<128x64xf32, #tpu.memory_space<vmem>>) target(%dma_start3A_845 : memref<10240x64xf32, #tpu.memory_space<vmem_shared>>) offsets(%dma_start3A_842 : memref<128xi32, #tpu.memory_space<vmem>>) semaphore(%arg31 : memref<!tpu.dma_semaphore, #tpu.memory_space<semaphore_mem>>) {add = true}
      %lt3A_846 = arith.constant 19 : i32
      %lt3A_847 = arith.cmpi slt, %scan3A_547, %lt3A_846 : i32
      %or3A_848 = arith.constant true
      %or3A_849 = arith.ori %lt3A_847, %or3A_848 : i1
      %convert_element_type3A_850 = arith.extui %or3A_849 : i1 to i32
      %cond3A_851 = arith.constant 0 : i32
      %cond3A_852 = arith.cmpi ne, %convert_element_type3A_850, %cond3A_851 : i32
      scf.if %cond3A_852 {
        %gt3A = arith.constant 0 : i32
        %gt3A_1392 = arith.cmpi sgt, %scan3A_547, %gt3A : i32
        %convert_element_type3A_1393 = arith.extui %gt3A_1392 : i1 to i32
        %cond3A_1394 = arith.constant 0 : i32
        %cond3A_1395 = arith.cmpi ne, %convert_element_type3A_1393, %cond3A_1394 : i32
        scf.if %cond3A_1395 {
          %dma_wait3A_1413 = arith.constant 0 : i32
          %dma_wait3A_1414 = arith.constant 0 : i32
          %dma_wait3A_1415 = tpu.memref_slice %arg4[%dma_wait3A_1413, %dma_wait3A_1414] : memref<20480x64xf32, #tpu.memory_space<hbm>> -> memref<128x64xf32, #tpu.memory_space<hbm>>
          %dma_wait3A_1416 = arith.constant 0 : i32
          %dma_wait3A_1417 = arith.constant 0 : i32
          %dma_wait3A_1418 = tpu.memref_slice %arg4[%dma_wait3A_1416, %dma_wait3A_1417] : memref<20480x64xf32, #tpu.memory_space<hbm>> -> memref<128x64xf32, #tpu.memory_space<hbm>>
          tpu.wait_dma2 semaphore(%arg35 : memref<!tpu.dma_semaphore, #tpu.memory_space<semaphore_mem>>) src(%dma_wait3A_1418 : memref<128x64xf32, #tpu.memory_space<hbm>>) dst(%arg17 : memref<128x64xf32, #tpu.memory_space<vmem>>)
        } else {
        }
        %add3A_1396 = arith.constant 4 : i32
        %add3A_1397 = arith.addi %add3A_752, %add3A_1396 : i32
        %div3A_1398 = arith.constant 16 : i32
        %div3A_1399 = arith.divsi %add3A_1397, %div3A_1398 : i32
        %rem3A_1400 = arith.constant 2 : i32
        %rem3A_1401 = arith.remsi %div3A_1399, %rem3A_1400 : i32
        %mul3A_1402 = arith.constant 16 : i32
        %mul3A_1403 = arith.muli %rem3A_1401, %mul3A_1402 : i32
        %rem3A_1404 = arith.constant 16 : i32
        %rem3A_1405 = arith.remsi %add3A_1397, %rem3A_1404 : i32
        %add3A_1406 = arith.addi %mul3A_1403, %rem3A_1405 : i32
        %dma_start3A_1407 = arith.constant 0 : i32
        %dma_start3A_1408 = tpu.memref_slice %arg7[%add3A_1406, %dma_start3A_1407] : memref<32x128xi32, #tpu.memory_space<vmem>> -> memref<1x128xi32, #tpu.memory_space<vmem>>
        %dma_start3A_1409 = tpu.memref_squeeze %dma_start3A_1408 : memref<1x128xi32, #tpu.memory_space<vmem>> -> memref<128xi32, #tpu.memory_space<vmem>>
        %dma_start3A_1410 = arith.constant 0 : i32
        %dma_start3A_1411 = arith.constant 0 : i32
        %dma_start3A_1412 = tpu.memref_slice %arg4[%dma_start3A_1410, %dma_start3A_1411] : memref<20480x64xf32, #tpu.memory_space<hbm>> -> memref<20480x64xf32, #tpu.memory_space<hbm>>
        tpu.enqueue_indirect_dma source(%dma_start3A_1412 : memref<20480x64xf32, #tpu.memory_space<hbm>>) target(%arg17 : memref<128x64xf32, #tpu.memory_space<vmem>>) offsets(%dma_start3A_1409 : memref<128xi32, #tpu.memory_space<vmem>>) semaphore(%arg27 : memref<!tpu.dma_semaphore, #tpu.memory_space<semaphore_mem>>)
      } else {
      }
      %mul3A_853 = arith.constant 8 : i32
      %mul3A_854 = arith.muli %scan3A_547, %mul3A_853 : i32
      %add3A_855 = arith.constant 3 : i32
      %add3A_856 = arith.addi %mul3A_854, %add3A_855 : i32
      %div3A_857 = arith.constant 16 : i32
      %div3A_858 = arith.divsi %add3A_856, %div3A_857 : i32
      %rem3A_859 = arith.constant 2 : i32
      %rem3A_860 = arith.remsi %div3A_858, %rem3A_859 : i32
      %mul3A_861 = arith.constant 16 : i32
      %mul3A_862 = arith.muli %rem3A_860, %mul3A_861 : i32
      %rem3A_863 = arith.constant 16 : i32
      %rem3A_864 = arith.remsi %add3A_856, %rem3A_863 : i32
      %add3A_865 = arith.addi %mul3A_862, %rem3A_864 : i32
      %get3A_866 = arith.index_cast %add3A_865 : i32 to index
      %get3A_867 = arith.constant 0 : index
      %get3A_868 = tpu.vector_load %arg6[%get3A_866, %get3A_867] {strides = array<i32>} : memref<32x128xi32, #tpu.memory_space<vmem>>, vector<16xi32>,
      %shift_right_logical3A_869 = arith.constant 7 : i32
      %shift_right_logical3A_870 = vector.broadcast %shift_right_logical3A_869 : i32 to vector<16xi32>
      %shift_right_logical3A_871 = arith.shrui %get3A_868, %shift_right_logical3A_870 : vector<16xi32>
      %and3A_872 = arith.constant 127 : i32
      %and3A_873 = vector.broadcast %and3A_872 : i32 to vector<16xi32>
      %and3A_874 = arith.andi %get3A_868, %and3A_873 : vector<16xi32>
      tpu.vector_store_idx %arg8[%shift_right_logical3A_871, %and3A_874], %broadcast_in_dim3A_1 {add = true} : memref<80x128xf32, #tpu.memory_space<vmem>>[vector<16xi32>, vector<16xi32>], vector<16xf32>,
      %get3A_875 = arith.index_cast %add3A_865 : i32 to index
      %get3A_876 = arith.constant 16 : index
      %get3A_877 = tpu.vector_load %arg6[%get3A_875, %get3A_876] {strides = array<i32>} : memref<32x128xi32, #tpu.memory_space<vmem>>, vector<16xi32>,
      %shift_right_logical3A_878 = arith.constant 7 : i32
      %shift_right_logical3A_879 = vector.broadcast %shift_right_logical3A_878 : i32 to vector<16xi32>
      %shift_right_logical3A_880 = arith.shrui %get3A_877, %shift_right_logical3A_879 : vector<16xi32>
      %and3A_881 = arith.constant 127 : i32
      %and3A_882 = vector.broadcast %and3A_881 : i32 to vector<16xi32>
      %and3A_883 = arith.andi %get3A_877, %and3A_882 : vector<16xi32>
      tpu.vector_store_idx %arg8[%shift_right_logical3A_880, %and3A_883], %broadcast_in_dim3A_1 {add = true} : memref<80x128xf32, #tpu.memory_space<vmem>>[vector<16xi32>, vector<16xi32>], vector<16xf32>,
      %get3A_884 = arith.index_cast %add3A_865 : i32 to index
      %get3A_885 = arith.constant 32 : index
      %get3A_886 = tpu.vector_load %arg6[%get3A_884, %get3A_885] {strides = array<i32>} : memref<32x128xi32, #tpu.memory_space<vmem>>, vector<16xi32>,
      %shift_right_logical3A_887 = arith.constant 7 : i32
      %shift_right_logical3A_888 = vector.broadcast %shift_right_logical3A_887 : i32 to vector<16xi32>
      %shift_right_logical3A_889 = arith.shrui %get3A_886, %shift_right_logical3A_888 : vector<16xi32>
      %and3A_890 = arith.constant 127 : i32
      %and3A_891 = vector.broadcast %and3A_890 : i32 to vector<16xi32>
      %and3A_892 = arith.andi %get3A_886, %and3A_891 : vector<16xi32>
      tpu.vector_store_idx %arg8[%shift_right_logical3A_889, %and3A_892], %broadcast_in_dim3A_1 {add = true} : memref<80x128xf32, #tpu.memory_space<vmem>>[vector<16xi32>, vector<16xi32>], vector<16xf32>,
      %get3A_893 = arith.index_cast %add3A_865 : i32 to index
      %get3A_894 = arith.constant 48 : index
      %get3A_895 = tpu.vector_load %arg6[%get3A_893, %get3A_894] {strides = array<i32>} : memref<32x128xi32, #tpu.memory_space<vmem>>, vector<16xi32>,
      %shift_right_logical3A_896 = arith.constant 7 : i32
      %shift_right_logical3A_897 = vector.broadcast %shift_right_logical3A_896 : i32 to vector<16xi32>
      %shift_right_logical3A_898 = arith.shrui %get3A_895, %shift_right_logical3A_897 : vector<16xi32>
      %and3A_899 = arith.constant 127 : i32
      %and3A_900 = vector.broadcast %and3A_899 : i32 to vector<16xi32>
      %and3A_901 = arith.andi %get3A_895, %and3A_900 : vector<16xi32>
      tpu.vector_store_idx %arg8[%shift_right_logical3A_898, %and3A_901], %broadcast_in_dim3A_1 {add = true} : memref<80x128xf32, #tpu.memory_space<vmem>>[vector<16xi32>, vector<16xi32>], vector<16xf32>,
      %get3A_902 = arith.index_cast %add3A_865 : i32 to index
      %get3A_903 = arith.constant 64 : index
      %get3A_904 = tpu.vector_load %arg6[%get3A_902, %get3A_903] {strides = array<i32>} : memref<32x128xi32, #tpu.memory_space<vmem>>, vector<16xi32>,
      %shift_right_logical3A_905 = arith.constant 7 : i32
      %shift_right_logical3A_906 = vector.broadcast %shift_right_logical3A_905 : i32 to vector<16xi32>
      %shift_right_logical3A_907 = arith.shrui %get3A_904, %shift_right_logical3A_906 : vector<16xi32>
      %and3A_908 = arith.constant 127 : i32
      %and3A_909 = vector.broadcast %and3A_908 : i32 to vector<16xi32>
      %and3A_910 = arith.andi %get3A_904, %and3A_909 : vector<16xi32>
      tpu.vector_store_idx %arg8[%shift_right_logical3A_907, %and3A_910], %broadcast_in_dim3A_1 {add = true} : memref<80x128xf32, #tpu.memory_space<vmem>>[vector<16xi32>, vector<16xi32>], vector<16xf32>,
      %get3A_911 = arith.index_cast %add3A_865 : i32 to index
      %get3A_912 = arith.constant 80 : index
      %get3A_913 = tpu.vector_load %arg6[%get3A_911, %get3A_912] {strides = array<i32>} : memref<32x128xi32, #tpu.memory_space<vmem>>, vector<16xi32>,
      %shift_right_logical3A_914 = arith.constant 7 : i32
      %shift_right_logical3A_915 = vector.broadcast %shift_right_logical3A_914 : i32 to vector<16xi32>
      %shift_right_logical3A_916 = arith.shrui %get3A_913, %shift_right_logical3A_915 : vector<16xi32>
      %and3A_917 = arith.constant 127 : i32
      %and3A_918 = vector.broadcast %and3A_917 : i32 to vector<16xi32>
      %and3A_919 = arith.andi %get3A_913, %and3A_918 : vector<16xi32>
      tpu.vector_store_idx %arg8[%shift_right_logical3A_916, %and3A_919], %broadcast_in_dim3A_1 {add = true} : memref<80x128xf32, #tpu.memory_space<vmem>>[vector<16xi32>, vector<16xi32>], vector<16xf32>,
      %get3A_920 = arith.index_cast %add3A_865 : i32 to index
      %get3A_921 = arith.constant 96 : index
      %get3A_922 = tpu.vector_load %arg6[%get3A_920, %get3A_921] {strides = array<i32>} : memref<32x128xi32, #tpu.memory_space<vmem>>, vector<16xi32>,
      %shift_right_logical3A_923 = arith.constant 7 : i32
      %shift_right_logical3A_924 = vector.broadcast %shift_right_logical3A_923 : i32 to vector<16xi32>
      %shift_right_logical3A_925 = arith.shrui %get3A_922, %shift_right_logical3A_924 : vector<16xi32>
      %and3A_926 = arith.constant 127 : i32
      %and3A_927 = vector.broadcast %and3A_926 : i32 to vector<16xi32>
      %and3A_928 = arith.andi %get3A_922, %and3A_927 : vector<16xi32>
      tpu.vector_store_idx %arg8[%shift_right_logical3A_925, %and3A_928], %broadcast_in_dim3A_1 {add = true} : memref<80x128xf32, #tpu.memory_space<vmem>>[vector<16xi32>, vector<16xi32>], vector<16xf32>,
      %get3A_929 = arith.index_cast %add3A_865 : i32 to index
      %get3A_930 = arith.constant 112 : index
      %get3A_931 = tpu.vector_load %arg6[%get3A_929, %get3A_930] {strides = array<i32>} : memref<32x128xi32, #tpu.memory_space<vmem>>, vector<16xi32>,
      %shift_right_logical3A_932 = arith.constant 7 : i32
      %shift_right_logical3A_933 = vector.broadcast %shift_right_logical3A_932 : i32 to vector<16xi32>
      %shift_right_logical3A_934 = arith.shrui %get3A_931, %shift_right_logical3A_933 : vector<16xi32>
      %and3A_935 = arith.constant 127 : i32
      %and3A_936 = vector.broadcast %and3A_935 : i32 to vector<16xi32>
      %and3A_937 = arith.andi %get3A_931, %and3A_936 : vector<16xi32>
      tpu.vector_store_idx %arg8[%shift_right_logical3A_934, %and3A_937], %broadcast_in_dim3A_1 {add = true} : memref<80x128xf32, #tpu.memory_space<vmem>>[vector<16xi32>, vector<16xi32>], vector<16xf32>,
      %dma_wait3A_938 = arith.constant 0 : i32
      %dma_wait3A_939 = arith.constant 0 : i32
      %dma_wait3A_940 = tpu.memref_slice %arg4[%dma_wait3A_938, %dma_wait3A_939] : memref<20480x64xf32, #tpu.memory_space<hbm>> -> memref<128x64xf32, #tpu.memory_space<hbm>>
      %dma_wait3A_941 = arith.constant 0 : i32
      %dma_wait3A_942 = arith.constant 0 : i32
      %dma_wait3A_943 = tpu.memref_slice %arg4[%dma_wait3A_941, %dma_wait3A_942] : memref<20480x64xf32, #tpu.memory_space<hbm>> -> memref<128x64xf32, #tpu.memory_space<hbm>>
      tpu.wait_dma2 semaphore(%arg24 : memref<!tpu.dma_semaphore, #tpu.memory_space<semaphore_mem>>) src(%dma_wait3A_943 : memref<128x64xf32, #tpu.memory_space<hbm>>) dst(%arg14 : memref<128x64xf32, #tpu.memory_space<vmem>>)
      %dma_start3A_944 = arith.constant 0 : i32
      %dma_start3A_945 = tpu.memref_slice %arg6[%add3A_865, %dma_start3A_944] : memref<32x128xi32, #tpu.memory_space<vmem>> -> memref<1x128xi32, #tpu.memory_space<vmem>>
      %dma_start3A_946 = tpu.memref_squeeze %dma_start3A_945 : memref<1x128xi32, #tpu.memory_space<vmem>> -> memref<128xi32, #tpu.memory_space<vmem>>
      %dma_start3A_947 = arith.constant 0 : i32
      %dma_start3A_948 = arith.constant 0 : i32
      %dma_start3A_949 = tpu.memref_slice %arg19[%dma_start3A_947, %dma_start3A_948] : memref<10240x64xf32, #tpu.memory_space<vmem_shared>> -> memref<10240x64xf32, #tpu.memory_space<vmem_shared>>
      tpu.enqueue_indirect_dma source(%arg14 : memref<128x64xf32, #tpu.memory_space<vmem>>) target(%dma_start3A_949 : memref<10240x64xf32, #tpu.memory_space<vmem_shared>>) offsets(%dma_start3A_946 : memref<128xi32, #tpu.memory_space<vmem>>) semaphore(%arg32 : memref<!tpu.dma_semaphore, #tpu.memory_space<semaphore_mem>>) {add = true}
      %lt3A_950 = arith.constant 19 : i32
      %lt3A_951 = arith.cmpi slt, %scan3A_547, %lt3A_950 : i32
      %or3A_952 = arith.constant true
      %or3A_953 = arith.ori %lt3A_951, %or3A_952 : i1
      %convert_element_type3A_954 = arith.extui %or3A_953 : i1 to i32
      %cond3A_955 = arith.constant 0 : i32
      %cond3A_956 = arith.cmpi ne, %convert_element_type3A_954, %cond3A_955 : i32
      scf.if %cond3A_956 {
        %gt3A = arith.constant 0 : i32
        %gt3A_1392 = arith.cmpi sgt, %scan3A_547, %gt3A : i32
        %convert_element_type3A_1393 = arith.extui %gt3A_1392 : i1 to i32
        %cond3A_1394 = arith.constant 0 : i32
        %cond3A_1395 = arith.cmpi ne, %convert_element_type3A_1393, %cond3A_1394 : i32
        scf.if %cond3A_1395 {
          %dma_wait3A_1413 = arith.constant 0 : i32
          %dma_wait3A_1414 = arith.constant 0 : i32
          %dma_wait3A_1415 = tpu.memref_slice %arg4[%dma_wait3A_1413, %dma_wait3A_1414] : memref<20480x64xf32, #tpu.memory_space<hbm>> -> memref<128x64xf32, #tpu.memory_space<hbm>>
          %dma_wait3A_1416 = arith.constant 0 : i32
          %dma_wait3A_1417 = arith.constant 0 : i32
          %dma_wait3A_1418 = tpu.memref_slice %arg4[%dma_wait3A_1416, %dma_wait3A_1417] : memref<20480x64xf32, #tpu.memory_space<hbm>> -> memref<128x64xf32, #tpu.memory_space<hbm>>
          tpu.wait_dma2 semaphore(%arg36 : memref<!tpu.dma_semaphore, #tpu.memory_space<semaphore_mem>>) src(%dma_wait3A_1418 : memref<128x64xf32, #tpu.memory_space<hbm>>) dst(%arg18 : memref<128x64xf32, #tpu.memory_space<vmem>>)
        } else {
        }
        %add3A_1396 = arith.constant 4 : i32
        %add3A_1397 = arith.addi %add3A_856, %add3A_1396 : i32
        %div3A_1398 = arith.constant 16 : i32
        %div3A_1399 = arith.divsi %add3A_1397, %div3A_1398 : i32
        %rem3A_1400 = arith.constant 2 : i32
        %rem3A_1401 = arith.remsi %div3A_1399, %rem3A_1400 : i32
        %mul3A_1402 = arith.constant 16 : i32
        %mul3A_1403 = arith.muli %rem3A_1401, %mul3A_1402 : i32
        %rem3A_1404 = arith.constant 16 : i32
        %rem3A_1405 = arith.remsi %add3A_1397, %rem3A_1404 : i32
        %add3A_1406 = arith.addi %mul3A_1403, %rem3A_1405 : i32
        %dma_start3A_1407 = arith.constant 0 : i32
        %dma_start3A_1408 = tpu.memref_slice %arg7[%add3A_1406, %dma_start3A_1407] : memref<32x128xi32, #tpu.memory_space<vmem>> -> memref<1x128xi32, #tpu.memory_space<vmem>>
        %dma_start3A_1409 = tpu.memref_squeeze %dma_start3A_1408 : memref<1x128xi32, #tpu.memory_space<vmem>> -> memref<128xi32, #tpu.memory_space<vmem>>
        %dma_start3A_1410 = arith.constant 0 : i32
        %dma_start3A_1411 = arith.constant 0 : i32
        %dma_start3A_1412 = tpu.memref_slice %arg4[%dma_start3A_1410, %dma_start3A_1411] : memref<20480x64xf32, #tpu.memory_space<hbm>> -> memref<20480x64xf32, #tpu.memory_space<hbm>>
        tpu.enqueue_indirect_dma source(%dma_start3A_1412 : memref<20480x64xf32, #tpu.memory_space<hbm>>) target(%arg18 : memref<128x64xf32, #tpu.memory_space<vmem>>) offsets(%dma_start3A_1409 : memref<128xi32, #tpu.memory_space<vmem>>) semaphore(%arg28 : memref<!tpu.dma_semaphore, #tpu.memory_space<semaphore_mem>>)
      } else {
      }
      %mul3A_957 = arith.constant 8 : i32
      %mul3A_958 = arith.muli %scan3A_547, %mul3A_957 : i32
      %add3A_959 = arith.constant 4 : i32
      %add3A_960 = arith.addi %mul3A_958, %add3A_959 : i32
      %div3A_961 = arith.constant 16 : i32
      %div3A_962 = arith.divsi %add3A_960, %div3A_961 : i32
      %rem3A_963 = arith.constant 2 : i32
      %rem3A_964 = arith.remsi %div3A_962, %rem3A_963 : i32
      %mul3A_965 = arith.constant 16 : i32
      %mul3A_966 = arith.muli %rem3A_964, %mul3A_965 : i32
      %rem3A_967 = arith.constant 16 : i32
      %rem3A_968 = arith.remsi %add3A_960, %rem3A_967 : i32
      %add3A_969 = arith.addi %mul3A_966, %rem3A_968 : i32
      %rem3A_970 = arith.constant 2 : i32
      %rem3A_971 = arith.remsi %scan3A_547, %rem3A_970 : i32
      %eq3A = arith.constant 0 : i32
      %eq3A_972 = arith.cmpi eq, %rem3A_971, %eq3A : i32
      %lt3A_973 = arith.constant 18 : i32
      %lt3A_974 = arith.cmpi slt, %scan3A_547, %lt3A_973 : i32
      %and3A_975 = arith.andi %eq3A_972, %lt3A_974 : i1
      %convert_element_type3A_976 = arith.extui %and3A_975 : i1 to i32
      %cond3A_977 = arith.constant 0 : i32
      %cond3A_978 = arith.cmpi ne, %convert_element_type3A_976, %cond3A_977 : i32
      scf.if %cond3A_978 {
        %div3A_1392 = arith.constant 16 : i32
        %div3A_1393 = arith.divsi %add3A_960, %div3A_1392 : i32
        %add3A_1394 = arith.constant 1 : i32
        %add3A_1395 = arith.addi %div3A_1393, %add3A_1394 : i32
        %rem3A_1396 = arith.constant 2 : i32
        %rem3A_1397 = arith.remsi %add3A_1395, %rem3A_1396 : i32
        %mul3A_1398 = arith.constant 16 : i32
        %mul3A_1399 = arith.muli %rem3A_1397, %mul3A_1398 : i32
        %mul3A_1400 = arith.constant 10 : i32
        %mul3A_1401 = arith.muli %arg1, %mul3A_1400 : i32
        %add3A_1402 = arith.addi %mul3A_1401, %add3A_1395 : i32
        %dma_start3A_1403 = arith.constant 0 : i32
        %dma_start3A_1404 = tpu.memref_slice %arg6[%mul3A_1399, %dma_start3A_1403] : memref<32x128xi32, #tpu.memory_space<vmem>> -> memref<16x128xi32, #tpu.memory_space<vmem>>
        %dma_start3A_1405 = arith.constant 0 : i32
        %dma_start3A_1406 = arith.constant 0 : i32
        %dma_start3A_1407 = tpu.memref_slice %arg2[%add3A_1402, %dma_start3A_1405, %dma_start3A_1406] : memref<160x16x128xi32, #tpu.memory_space<hbm>> -> memref<1x16x128xi32, #tpu.memory_space<hbm>>
        %dma_start3A_1408 = tpu.memref_squeeze %dma_start3A_1407 : memref<1x16x128xi32, #tpu.memory_space<hbm>> -> memref<16x128xi32, #tpu.memory_space<hbm>>
        %dma_start3A_1409 = arith.constant 0 : i32
        %dma_start3A_1410 = tpu.memref_slice %arg6[%mul3A_1399, %dma_start3A_1409] : memref<32x128xi32, #tpu.memory_space<vmem>> -> memref<16x128xi32, #tpu.memory_space<vmem>>
        %dma_start3A_1411 = arith.constant 0 : i32
        %dma_start3A_1412 = arith.constant 0 : i32
        %dma_start3A_1413 = tpu.memref_slice %arg2[%add3A_1402, %dma_start3A_1411, %dma_start3A_1412] : memref<160x16x128xi32, #tpu.memory_space<hbm>> -> memref<1x16x128xi32, #tpu.memory_space<hbm>>
        %dma_start3A_1414 = tpu.memref_squeeze %dma_start3A_1413 : memref<1x16x128xi32, #tpu.memory_space<hbm>> -> memref<16x128xi32, #tpu.memory_space<hbm>>
        tpu.enqueue_dma source(%dma_start3A_1414 : memref<16x128xi32, #tpu.memory_space<hbm>>) target(%dma_start3A_1410 : memref<16x128xi32, #tpu.memory_space<vmem>>) target_semaphore(%arg37 : memref<!tpu.dma_semaphore, #tpu.memory_space<semaphore_mem>>)
        %dma_start3A_1415 = arith.constant 0 : i32
        %dma_start3A_1416 = tpu.memref_slice %arg7[%mul3A_1399, %dma_start3A_1415] : memref<32x128xi32, #tpu.memory_space<vmem>> -> memref<16x128xi32, #tpu.memory_space<vmem>>
        %dma_start3A_1417 = arith.constant 0 : i32
        %dma_start3A_1418 = arith.constant 0 : i32
        %dma_start3A_1419 = tpu.memref_slice %arg3[%add3A_1402, %dma_start3A_1417, %dma_start3A_1418] : memref<160x16x128xi32, #tpu.memory_space<hbm>> -> memref<1x16x128xi32, #tpu.memory_space<hbm>>
        %dma_start3A_1420 = tpu.memref_squeeze %dma_start3A_1419 : memref<1x16x128xi32, #tpu.memory_space<hbm>> -> memref<16x128xi32, #tpu.memory_space<hbm>>
        %dma_start3A_1421 = arith.constant 0 : i32
        %dma_start3A_1422 = tpu.memref_slice %arg7[%mul3A_1399, %dma_start3A_1421] : memref<32x128xi32, #tpu.memory_space<vmem>> -> memref<16x128xi32, #tpu.memory_space<vmem>>
        %dma_start3A_1423 = arith.constant 0 : i32
        %dma_start3A_1424 = arith.constant 0 : i32
        %dma_start3A_1425 = tpu.memref_slice %arg3[%add3A_1402, %dma_start3A_1423, %dma_start3A_1424] : memref<160x16x128xi32, #tpu.memory_space<hbm>> -> memref<1x16x128xi32, #tpu.memory_space<hbm>>
        %dma_start3A_1426 = tpu.memref_squeeze %dma_start3A_1425 : memref<1x16x128xi32, #tpu.memory_space<hbm>> -> memref<16x128xi32, #tpu.memory_space<hbm>>
        tpu.enqueue_dma source(%dma_start3A_1426 : memref<16x128xi32, #tpu.memory_space<hbm>>) target(%dma_start3A_1422 : memref<16x128xi32, #tpu.memory_space<vmem>>) target_semaphore(%arg37 : memref<!tpu.dma_semaphore, #tpu.memory_space<semaphore_mem>>)
      } else {
      }
      %rem3A_979 = arith.constant 2 : i32
      %rem3A_980 = arith.remsi %scan3A_547, %rem3A_979 : i32
      %eq3A_981 = arith.constant 1 : i32
      %eq3A_982 = arith.cmpi eq, %rem3A_980, %eq3A_981 : i32
      %lt3A_983 = arith.constant 19 : i32
      %lt3A_984 = arith.cmpi slt, %scan3A_547, %lt3A_983 : i32
      %and3A_985 = arith.andi %eq3A_982, %lt3A_984 : i1
      %convert_element_type3A_986 = arith.extui %and3A_985 : i1 to i32
      %cond3A_987 = arith.constant 0 : i32
      %cond3A_988 = arith.cmpi ne, %convert_element_type3A_986, %cond3A_987 : i32
      scf.if %cond3A_988 {
        %div3A_1392 = arith.constant 16 : i32
        %div3A_1393 = arith.divsi %add3A_960, %div3A_1392 : i32
        %add3A_1394 = arith.constant 1 : i32
        %add3A_1395 = arith.addi %div3A_1393, %add3A_1394 : i32
        %rem3A_1396 = arith.constant 2 : i32
        %rem3A_1397 = arith.remsi %add3A_1395, %rem3A_1396 : i32
        %mul3A_1398 = arith.constant 16 : i32
        %mul3A_1399 = arith.muli %rem3A_1397, %mul3A_1398 : i32
        %mul3A_1400 = arith.constant 10 : i32
        %mul3A_1401 = arith.muli %arg1, %mul3A_1400 : i32
        %add3A_1402 = arith.addi %mul3A_1401, %add3A_1395 : i32
        %dma_wait3A_1403 = arith.constant 0 : i32
        %dma_wait3A_1404 = tpu.memref_slice %arg6[%mul3A_1399, %dma_wait3A_1403] : memref<32x128xi32, #tpu.memory_space<vmem>> -> memref<16x128xi32, #tpu.memory_space<vmem>>
        %dma_wait3A_1405 = arith.constant 0 : i32
        %dma_wait3A_1406 = arith.constant 0 : i32
        %dma_wait3A_1407 = tpu.memref_slice %arg2[%add3A_1402, %dma_wait3A_1405, %dma_wait3A_1406] : memref<160x16x128xi32, #tpu.memory_space<hbm>> -> memref<1x16x128xi32, #tpu.memory_space<hbm>>
        %dma_wait3A_1408 = tpu.memref_squeeze %dma_wait3A_1407 : memref<1x16x128xi32, #tpu.memory_space<hbm>> -> memref<16x128xi32, #tpu.memory_space<hbm>>
        %dma_wait3A_1409 = arith.constant 0 : i32
        %dma_wait3A_1410 = tpu.memref_slice %arg6[%mul3A_1399, %dma_wait3A_1409] : memref<32x128xi32, #tpu.memory_space<vmem>> -> memref<16x128xi32, #tpu.memory_space<vmem>>
        %dma_wait3A_1411 = arith.constant 0 : i32
        %dma_wait3A_1412 = arith.constant 0 : i32
        %dma_wait3A_1413 = tpu.memref_slice %arg2[%add3A_1402, %dma_wait3A_1411, %dma_wait3A_1412] : memref<160x16x128xi32, #tpu.memory_space<hbm>> -> memref<1x16x128xi32, #tpu.memory_space<hbm>>
        %dma_wait3A_1414 = tpu.memref_squeeze %dma_wait3A_1413 : memref<1x16x128xi32, #tpu.memory_space<hbm>> -> memref<16x128xi32, #tpu.memory_space<hbm>>
        tpu.wait_dma2 semaphore(%arg37 : memref<!tpu.dma_semaphore, #tpu.memory_space<semaphore_mem>>) src(%dma_wait3A_1414 : memref<16x128xi32, #tpu.memory_space<hbm>>) dst(%dma_wait3A_1410 : memref<16x128xi32, #tpu.memory_space<vmem>>)
        %dma_wait3A_1415 = arith.constant 0 : i32
        %dma_wait3A_1416 = tpu.memref_slice %arg7[%mul3A_1399, %dma_wait3A_1415] : memref<32x128xi32, #tpu.memory_space<vmem>> -> memref<16x128xi32, #tpu.memory_space<vmem>>
        %dma_wait3A_1417 = arith.constant 0 : i32
        %dma_wait3A_1418 = arith.constant 0 : i32
        %dma_wait3A_1419 = tpu.memref_slice %arg2[%add3A_1402, %dma_wait3A_1417, %dma_wait3A_1418] : memref<160x16x128xi32, #tpu.memory_space<hbm>> -> memref<1x16x128xi32, #tpu.memory_space<hbm>>
        %dma_wait3A_1420 = tpu.memref_squeeze %dma_wait3A_1419 : memref<1x16x128xi32, #tpu.memory_space<hbm>> -> memref<16x128xi32, #tpu.memory_space<hbm>>
        %dma_wait3A_1421 = arith.constant 0 : i32
        %dma_wait3A_1422 = tpu.memref_slice %arg7[%mul3A_1399, %dma_wait3A_1421] : memref<32x128xi32, #tpu.memory_space<vmem>> -> memref<16x128xi32, #tpu.memory_space<vmem>>
        %dma_wait3A_1423 = arith.constant 0 : i32
        %dma_wait3A_1424 = arith.constant 0 : i32
        %dma_wait3A_1425 = tpu.memref_slice %arg2[%add3A_1402, %dma_wait3A_1423, %dma_wait3A_1424] : memref<160x16x128xi32, #tpu.memory_space<hbm>> -> memref<1x16x128xi32, #tpu.memory_space<hbm>>
        %dma_wait3A_1426 = tpu.memref_squeeze %dma_wait3A_1425 : memref<1x16x128xi32, #tpu.memory_space<hbm>> -> memref<16x128xi32, #tpu.memory_space<hbm>>
        tpu.wait_dma2 semaphore(%arg37 : memref<!tpu.dma_semaphore, #tpu.memory_space<semaphore_mem>>) src(%dma_wait3A_1426 : memref<16x128xi32, #tpu.memory_space<hbm>>) dst(%dma_wait3A_1422 : memref<16x128xi32, #tpu.memory_space<vmem>>)
        %rem3A_1427 = arith.constant 2 : i32
        %rem3A_1428 = arith.remsi %add3A_1395, %rem3A_1427 : i32
        %mul3A_1429 = arith.constant 16 : i32
        %mul3A_1430 = arith.muli %rem3A_1428, %mul3A_1429 : i32
        %scan3A_1431 = arith.constant 0 : i32
        %scan3A_1432 = arith.constant 0 : i32
        %scan3A_1433 = arith.constant 16 : i32
        %scan3A_1434 = arith.addi %scan3A_1432, %scan3A_1433 : i32
        %scan3A_1435 = arith.constant 1 : i32
        scf.for %scan3A_1437 = %scan3A_1432 to %scan3A_1434 step %scan3A_1435  : i32 {
          %add3A_1438 = arith.addi %mul3A_1430, %scan3A_1437 : i32
          %get3A_1439 = arith.index_cast %add3A_1438 : i32 to index
          %get3A_1440 = arith.constant 0 : index
          %get3A_1441 = tpu.vector_load %arg7[%get3A_1439, %get3A_1440] {strides = array<i32>} : memref<32x128xi32, #tpu.memory_space<vmem>>, vector<16xi32>,
          %add3A_1442 = vector.broadcast %mul3A_0 : i32 to vector<16xi32>
          %add3A_1443 = arith.addi %get3A_1441, %add3A_1442 : vector<16xi32>
          %add3A_1444 = arith.addi %mul3A_1430, %scan3A_1437 : i32
          %swap3A_1445 = arith.index_cast %add3A_1444 : i32 to index
          %swap3A_1446 = arith.constant 0 : index
          %swap3A_1447 = tpu.vector_load %arg7[%swap3A_1445, %swap3A_1446] {strides = array<i32>} : memref<32x128xi32, #tpu.memory_space<vmem>>, vector<16xi32>,
          tpu.vector_store %arg7[%swap3A_1445, %swap3A_1446], %add3A_1443 {strides = array<i32>} : memref<32x128xi32, #tpu.memory_space<vmem>>, vector<16xi32>,
          %add3A_1448 = arith.addi %mul3A_1430, %scan3A_1437 : i32
          %get3A_1449 = arith.index_cast %add3A_1448 : i32 to index
          %get3A_1450 = arith.constant 16 : index
          %get3A_1451 = tpu.vector_load %arg7[%get3A_1449, %get3A_1450] {strides = array<i32>} : memref<32x128xi32, #tpu.memory_space<vmem>>, vector<16xi32>,
          %add3A_1452 = vector.broadcast %mul3A_0 : i32 to vector<16xi32>
          %add3A_1453 = arith.addi %get3A_1451, %add3A_1452 : vector<16xi32>
          %add3A_1454 = arith.addi %mul3A_1430, %scan3A_1437 : i32
          %swap3A_1455 = arith.index_cast %add3A_1454 : i32 to index
          %swap3A_1456 = arith.constant 16 : index
          %swap3A_1457 = tpu.vector_load %arg7[%swap3A_1455, %swap3A_1456] {strides = array<i32>} : memref<32x128xi32, #tpu.memory_space<vmem>>, vector<16xi32>,
          tpu.vector_store %arg7[%swap3A_1455, %swap3A_1456], %add3A_1453 {strides = array<i32>} : memref<32x128xi32, #tpu.memory_space<vmem>>, vector<16xi32>,
          %add3A_1458 = arith.addi %mul3A_1430, %scan3A_1437 : i32
          %get3A_1459 = arith.index_cast %add3A_1458 : i32 to index
          %get3A_1460 = arith.constant 32 : index
          %get3A_1461 = tpu.vector_load %arg7[%get3A_1459, %get3A_1460] {strides = array<i32>} : memref<32x128xi32, #tpu.memory_space<vmem>>, vector<16xi32>,
          %add3A_1462 = vector.broadcast %mul3A_0 : i32 to vector<16xi32>
          %add3A_1463 = arith.addi %get3A_1461, %add3A_1462 : vector<16xi32>
          %add3A_1464 = arith.addi %mul3A_1430, %scan3A_1437 : i32
          %swap3A_1465 = arith.index_cast %add3A_1464 : i32 to index
          %swap3A_1466 = arith.constant 32 : index
          %swap3A_1467 = tpu.vector_load %arg7[%swap3A_1465, %swap3A_1466] {strides = array<i32>} : memref<32x128xi32, #tpu.memory_space<vmem>>, vector<16xi32>,
          tpu.vector_store %arg7[%swap3A_1465, %swap3A_1466], %add3A_1463 {strides = array<i32>} : memref<32x128xi32, #tpu.memory_space<vmem>>, vector<16xi32>,
          %add3A_1468 = arith.addi %mul3A_1430, %scan3A_1437 : i32
          %get3A_1469 = arith.index_cast %add3A_1468 : i32 to index
          %get3A_1470 = arith.constant 48 : index
          %get3A_1471 = tpu.vector_load %arg7[%get3A_1469, %get3A_1470] {strides = array<i32>} : memref<32x128xi32, #tpu.memory_space<vmem>>, vector<16xi32>,
          %add3A_1472 = vector.broadcast %mul3A_0 : i32 to vector<16xi32>
          %add3A_1473 = arith.addi %get3A_1471, %add3A_1472 : vector<16xi32>
          %add3A_1474 = arith.addi %mul3A_1430, %scan3A_1437 : i32
          %swap3A_1475 = arith.index_cast %add3A_1474 : i32 to index
          %swap3A_1476 = arith.constant 48 : index
          %swap3A_1477 = tpu.vector_load %arg7[%swap3A_1475, %swap3A_1476] {strides = array<i32>} : memref<32x128xi32, #tpu.memory_space<vmem>>, vector<16xi32>,
          tpu.vector_store %arg7[%swap3A_1475, %swap3A_1476], %add3A_1473 {strides = array<i32>} : memref<32x128xi32, #tpu.memory_space<vmem>>, vector<16xi32>,
          %add3A_1478 = arith.addi %mul3A_1430, %scan3A_1437 : i32
          %get3A_1479 = arith.index_cast %add3A_1478 : i32 to index
          %get3A_1480 = arith.constant 64 : index
          %get3A_1481 = tpu.vector_load %arg7[%get3A_1479, %get3A_1480] {strides = array<i32>} : memref<32x128xi32, #tpu.memory_space<vmem>>, vector<16xi32>,
          %add3A_1482 = vector.broadcast %mul3A_0 : i32 to vector<16xi32>
          %add3A_1483 = arith.addi %get3A_1481, %add3A_1482 : vector<16xi32>
          %add3A_1484 = arith.addi %mul3A_1430, %scan3A_1437 : i32
          %swap3A_1485 = arith.index_cast %add3A_1484 : i32 to index
          %swap3A_1486 = arith.constant 64 : index
          %swap3A_1487 = tpu.vector_load %arg7[%swap3A_1485, %swap3A_1486] {strides = array<i32>} : memref<32x128xi32, #tpu.memory_space<vmem>>, vector<16xi32>,
          tpu.vector_store %arg7[%swap3A_1485, %swap3A_1486], %add3A_1483 {strides = array<i32>} : memref<32x128xi32, #tpu.memory_space<vmem>>, vector<16xi32>,
          %add3A_1488 = arith.addi %mul3A_1430, %scan3A_1437 : i32
          %get3A_1489 = arith.index_cast %add3A_1488 : i32 to index
          %get3A_1490 = arith.constant 80 : index
          %get3A_1491 = tpu.vector_load %arg7[%get3A_1489, %get3A_1490] {strides = array<i32>} : memref<32x128xi32, #tpu.memory_space<vmem>>, vector<16xi32>,
          %add3A_1492 = vector.broadcast %mul3A_0 : i32 to vector<16xi32>
          %add3A_1493 = arith.addi %get3A_1491, %add3A_1492 : vector<16xi32>
          %add3A_1494 = arith.addi %mul3A_1430, %scan3A_1437 : i32
          %swap3A_1495 = arith.index_cast %add3A_1494 : i32 to index
          %swap3A_1496 = arith.constant 80 : index
          %swap3A_1497 = tpu.vector_load %arg7[%swap3A_1495, %swap3A_1496] {strides = array<i32>} : memref<32x128xi32, #tpu.memory_space<vmem>>, vector<16xi32>,
          tpu.vector_store %arg7[%swap3A_1495, %swap3A_1496], %add3A_1493 {strides = array<i32>} : memref<32x128xi32, #tpu.memory_space<vmem>>, vector<16xi32>,
          %add3A_1498 = arith.addi %mul3A_1430, %scan3A_1437 : i32
          %get3A_1499 = arith.index_cast %add3A_1498 : i32 to index
          %get3A_1500 = arith.constant 96 : index
          %get3A_1501 = tpu.vector_load %arg7[%get3A_1499, %get3A_1500] {strides = array<i32>} : memref<32x128xi32, #tpu.memory_space<vmem>>, vector<16xi32>,
          %add3A_1502 = vector.broadcast %mul3A_0 : i32 to vector<16xi32>
          %add3A_1503 = arith.addi %get3A_1501, %add3A_1502 : vector<16xi32>
          %add3A_1504 = arith.addi %mul3A_1430, %scan3A_1437 : i32
          %swap3A_1505 = arith.index_cast %add3A_1504 : i32 to index
          %swap3A_1506 = arith.constant 96 : index
          %swap3A_1507 = tpu.vector_load %arg7[%swap3A_1505, %swap3A_1506] {strides = array<i32>} : memref<32x128xi32, #tpu.memory_space<vmem>>, vector<16xi32>,
          tpu.vector_store %arg7[%swap3A_1505, %swap3A_1506], %add3A_1503 {strides = array<i32>} : memref<32x128xi32, #tpu.memory_space<vmem>>, vector<16xi32>,
          %add3A_1508 = arith.addi %mul3A_1430, %scan3A_1437 : i32
          %get3A_1509 = arith.index_cast %add3A_1508 : i32 to index
          %get3A_1510 = arith.constant 112 : index
          %get3A_1511 = tpu.vector_load %arg7[%get3A_1509, %get3A_1510] {strides = array<i32>} : memref<32x128xi32, #tpu.memory_space<vmem>>, vector<16xi32>,
          %add3A_1512 = vector.broadcast %mul3A_0 : i32 to vector<16xi32>
          %add3A_1513 = arith.addi %get3A_1511, %add3A_1512 : vector<16xi32>
          %add3A_1514 = arith.addi %mul3A_1430, %scan3A_1437 : i32
          %swap3A_1515 = arith.index_cast %add3A_1514 : i32 to index
          %swap3A_1516 = arith.constant 112 : index
          %swap3A_1517 = tpu.vector_load %arg7[%swap3A_1515, %swap3A_1516] {strides = array<i32>} : memref<32x128xi32, #tpu.memory_space<vmem>>, vector<16xi32>,
          tpu.vector_store %arg7[%swap3A_1515, %swap3A_1516], %add3A_1513 {strides = array<i32>} : memref<32x128xi32, #tpu.memory_space<vmem>>, vector<16xi32>,
        }
        %scan3A_1436 = arith.constant 16 : i32
      } else {
      }
      %get3A_989 = arith.index_cast %add3A_969 : i32 to index
      %get3A_990 = arith.constant 0 : index
      %get3A_991 = tpu.vector_load %arg6[%get3A_989, %get3A_990] {strides = array<i32>} : memref<32x128xi32, #tpu.memory_space<vmem>>, vector<16xi32>,
      %shift_right_logical3A_992 = arith.constant 7 : i32
      %shift_right_logical3A_993 = vector.broadcast %shift_right_logical3A_992 : i32 to vector<16xi32>
      %shift_right_logical3A_994 = arith.shrui %get3A_991, %shift_right_logical3A_993 : vector<16xi32>
      %and3A_995 = arith.constant 127 : i32
      %and3A_996 = vector.broadcast %and3A_995 : i32 to vector<16xi32>
      %and3A_997 = arith.andi %get3A_991, %and3A_996 : vector<16xi32>
      tpu.vector_store_idx %arg8[%shift_right_logical3A_994, %and3A_997], %broadcast_in_dim3A_1 {add = true} : memref<80x128xf32, #tpu.memory_space<vmem>>[vector<16xi32>, vector<16xi32>], vector<16xf32>,
      %get3A_998 = arith.index_cast %add3A_969 : i32 to index
      %get3A_999 = arith.constant 16 : index
      %get3A_1000 = tpu.vector_load %arg6[%get3A_998, %get3A_999] {strides = array<i32>} : memref<32x128xi32, #tpu.memory_space<vmem>>, vector<16xi32>,
      %shift_right_logical3A_1001 = arith.constant 7 : i32
      %shift_right_logical3A_1002 = vector.broadcast %shift_right_logical3A_1001 : i32 to vector<16xi32>
      %shift_right_logical3A_1003 = arith.shrui %get3A_1000, %shift_right_logical3A_1002 : vector<16xi32>
      %and3A_1004 = arith.constant 127 : i32
      %and3A_1005 = vector.broadcast %and3A_1004 : i32 to vector<16xi32>
      %and3A_1006 = arith.andi %get3A_1000, %and3A_1005 : vector<16xi32>
      tpu.vector_store_idx %arg8[%shift_right_logical3A_1003, %and3A_1006], %broadcast_in_dim3A_1 {add = true} : memref<80x128xf32, #tpu.memory_space<vmem>>[vector<16xi32>, vector<16xi32>], vector<16xf32>,
      %get3A_1007 = arith.index_cast %add3A_969 : i32 to index
      %get3A_1008 = arith.constant 32 : index
      %get3A_1009 = tpu.vector_load %arg6[%get3A_1007, %get3A_1008] {strides = array<i32>} : memref<32x128xi32, #tpu.memory_space<vmem>>, vector<16xi32>,
      %shift_right_logical3A_1010 = arith.constant 7 : i32
      %shift_right_logical3A_1011 = vector.broadcast %shift_right_logical3A_1010 : i32 to vector<16xi32>
      %shift_right_logical3A_1012 = arith.shrui %get3A_1009, %shift_right_logical3A_1011 : vector<16xi32>
      %and3A_1013 = arith.constant 127 : i32
      %and3A_1014 = vector.broadcast %and3A_1013 : i32 to vector<16xi32>
      %and3A_1015 = arith.andi %get3A_1009, %and3A_1014 : vector<16xi32>
      tpu.vector_store_idx %arg8[%shift_right_logical3A_1012, %and3A_1015], %broadcast_in_dim3A_1 {add = true} : memref<80x128xf32, #tpu.memory_space<vmem>>[vector<16xi32>, vector<16xi32>], vector<16xf32>,
      %get3A_1016 = arith.index_cast %add3A_969 : i32 to index
      %get3A_1017 = arith.constant 48 : index
      %get3A_1018 = tpu.vector_load %arg6[%get3A_1016, %get3A_1017] {strides = array<i32>} : memref<32x128xi32, #tpu.memory_space<vmem>>, vector<16xi32>,
      %shift_right_logical3A_1019 = arith.constant 7 : i32
      %shift_right_logical3A_1020 = vector.broadcast %shift_right_logical3A_1019 : i32 to vector<16xi32>
      %shift_right_logical3A_1021 = arith.shrui %get3A_1018, %shift_right_logical3A_1020 : vector<16xi32>
      %and3A_1022 = arith.constant 127 : i32
      %and3A_1023 = vector.broadcast %and3A_1022 : i32 to vector<16xi32>
      %and3A_1024 = arith.andi %get3A_1018, %and3A_1023 : vector<16xi32>
      tpu.vector_store_idx %arg8[%shift_right_logical3A_1021, %and3A_1024], %broadcast_in_dim3A_1 {add = true} : memref<80x128xf32, #tpu.memory_space<vmem>>[vector<16xi32>, vector<16xi32>], vector<16xf32>,
      %get3A_1025 = arith.index_cast %add3A_969 : i32 to index
      %get3A_1026 = arith.constant 64 : index
      %get3A_1027 = tpu.vector_load %arg6[%get3A_1025, %get3A_1026] {strides = array<i32>} : memref<32x128xi32, #tpu.memory_space<vmem>>, vector<16xi32>,
      %shift_right_logical3A_1028 = arith.constant 7 : i32
      %shift_right_logical3A_1029 = vector.broadcast %shift_right_logical3A_1028 : i32 to vector<16xi32>
      %shift_right_logical3A_1030 = arith.shrui %get3A_1027, %shift_right_logical3A_1029 : vector<16xi32>
      %and3A_1031 = arith.constant 127 : i32
      %and3A_1032 = vector.broadcast %and3A_1031 : i32 to vector<16xi32>
      %and3A_1033 = arith.andi %get3A_1027, %and3A_1032 : vector<16xi32>
      tpu.vector_store_idx %arg8[%shift_right_logical3A_1030, %and3A_1033], %broadcast_in_dim3A_1 {add = true} : memref<80x128xf32, #tpu.memory_space<vmem>>[vector<16xi32>, vector<16xi32>], vector<16xf32>,
      %get3A_1034 = arith.index_cast %add3A_969 : i32 to index
      %get3A_1035 = arith.constant 80 : index
      %get3A_1036 = tpu.vector_load %arg6[%get3A_1034, %get3A_1035] {strides = array<i32>} : memref<32x128xi32, #tpu.memory_space<vmem>>, vector<16xi32>,
      %shift_right_logical3A_1037 = arith.constant 7 : i32
      %shift_right_logical3A_1038 = vector.broadcast %shift_right_logical3A_1037 : i32 to vector<16xi32>
      %shift_right_logical3A_1039 = arith.shrui %get3A_1036, %shift_right_logical3A_1038 : vector<16xi32>
      %and3A_1040 = arith.constant 127 : i32
      %and3A_1041 = vector.broadcast %and3A_1040 : i32 to vector<16xi32>
      %and3A_1042 = arith.andi %get3A_1036, %and3A_1041 : vector<16xi32>
      tpu.vector_store_idx %arg8[%shift_right_logical3A_1039, %and3A_1042], %broadcast_in_dim3A_1 {add = true} : memref<80x128xf32, #tpu.memory_space<vmem>>[vector<16xi32>, vector<16xi32>], vector<16xf32>,
      %get3A_1043 = arith.index_cast %add3A_969 : i32 to index
      %get3A_1044 = arith.constant 96 : index
      %get3A_1045 = tpu.vector_load %arg6[%get3A_1043, %get3A_1044] {strides = array<i32>} : memref<32x128xi32, #tpu.memory_space<vmem>>, vector<16xi32>,
      %shift_right_logical3A_1046 = arith.constant 7 : i32
      %shift_right_logical3A_1047 = vector.broadcast %shift_right_logical3A_1046 : i32 to vector<16xi32>
      %shift_right_logical3A_1048 = arith.shrui %get3A_1045, %shift_right_logical3A_1047 : vector<16xi32>
      %and3A_1049 = arith.constant 127 : i32
      %and3A_1050 = vector.broadcast %and3A_1049 : i32 to vector<16xi32>
      %and3A_1051 = arith.andi %get3A_1045, %and3A_1050 : vector<16xi32>
      tpu.vector_store_idx %arg8[%shift_right_logical3A_1048, %and3A_1051], %broadcast_in_dim3A_1 {add = true} : memref<80x128xf32, #tpu.memory_space<vmem>>[vector<16xi32>, vector<16xi32>], vector<16xf32>,
      %get3A_1052 = arith.index_cast %add3A_969 : i32 to index
      %get3A_1053 = arith.constant 112 : index
      %get3A_1054 = tpu.vector_load %arg6[%get3A_1052, %get3A_1053] {strides = array<i32>} : memref<32x128xi32, #tpu.memory_space<vmem>>, vector<16xi32>,
      %shift_right_logical3A_1055 = arith.constant 7 : i32
      %shift_right_logical3A_1056 = vector.broadcast %shift_right_logical3A_1055 : i32 to vector<16xi32>
      %shift_right_logical3A_1057 = arith.shrui %get3A_1054, %shift_right_logical3A_1056 : vector<16xi32>
      %and3A_1058 = arith.constant 127 : i32
      %and3A_1059 = vector.broadcast %and3A_1058 : i32 to vector<16xi32>
      %and3A_1060 = arith.andi %get3A_1054, %and3A_1059 : vector<16xi32>
      tpu.vector_store_idx %arg8[%shift_right_logical3A_1057, %and3A_1060], %broadcast_in_dim3A_1 {add = true} : memref<80x128xf32, #tpu.memory_space<vmem>>[vector<16xi32>, vector<16xi32>], vector<16xf32>,
      %dma_wait3A_1061 = arith.constant 0 : i32
      %dma_wait3A_1062 = arith.constant 0 : i32
      %dma_wait3A_1063 = tpu.memref_slice %arg4[%dma_wait3A_1061, %dma_wait3A_1062] : memref<20480x64xf32, #tpu.memory_space<hbm>> -> memref<128x64xf32, #tpu.memory_space<hbm>>
      %dma_wait3A_1064 = arith.constant 0 : i32
      %dma_wait3A_1065 = arith.constant 0 : i32
      %dma_wait3A_1066 = tpu.memref_slice %arg4[%dma_wait3A_1064, %dma_wait3A_1065] : memref<20480x64xf32, #tpu.memory_space<hbm>> -> memref<128x64xf32, #tpu.memory_space<hbm>>
      tpu.wait_dma2 semaphore(%arg25 : memref<!tpu.dma_semaphore, #tpu.memory_space<semaphore_mem>>) src(%dma_wait3A_1066 : memref<128x64xf32, #tpu.memory_space<hbm>>) dst(%arg15 : memref<128x64xf32, #tpu.memory_space<vmem>>)
      %dma_start3A_1067 = arith.constant 0 : i32
      %dma_start3A_1068 = tpu.memref_slice %arg6[%add3A_969, %dma_start3A_1067] : memref<32x128xi32, #tpu.memory_space<vmem>> -> memref<1x128xi32, #tpu.memory_space<vmem>>
      %dma_start3A_1069 = tpu.memref_squeeze %dma_start3A_1068 : memref<1x128xi32, #tpu.memory_space<vmem>> -> memref<128xi32, #tpu.memory_space<vmem>>
      %dma_start3A_1070 = arith.constant 0 : i32
      %dma_start3A_1071 = arith.constant 0 : i32
      %dma_start3A_1072 = tpu.memref_slice %arg19[%dma_start3A_1070, %dma_start3A_1071] : memref<10240x64xf32, #tpu.memory_space<vmem_shared>> -> memref<10240x64xf32, #tpu.memory_space<vmem_shared>>
      tpu.enqueue_indirect_dma source(%arg15 : memref<128x64xf32, #tpu.memory_space<vmem>>) target(%dma_start3A_1072 : memref<10240x64xf32, #tpu.memory_space<vmem_shared>>) offsets(%dma_start3A_1069 : memref<128xi32, #tpu.memory_space<vmem>>) semaphore(%arg33 : memref<!tpu.dma_semaphore, #tpu.memory_space<semaphore_mem>>) {add = true}
      %lt3A_1073 = arith.constant 19 : i32
      %lt3A_1074 = arith.cmpi slt, %scan3A_547, %lt3A_1073 : i32
      %or3A_1075 = arith.constant false
      %or3A_1076 = arith.ori %lt3A_1074, %or3A_1075 : i1
      %convert_element_type3A_1077 = arith.extui %or3A_1076 : i1 to i32
      %cond3A_1078 = arith.constant 0 : i32
      %cond3A_1079 = arith.cmpi ne, %convert_element_type3A_1077, %cond3A_1078 : i32
      scf.if %cond3A_1079 {
        %dma_wait3A_1392 = arith.constant 0 : i32
        %dma_wait3A_1393 = arith.constant 0 : i32
        %dma_wait3A_1394 = tpu.memref_slice %arg4[%dma_wait3A_1392, %dma_wait3A_1393] : memref<20480x64xf32, #tpu.memory_space<hbm>> -> memref<128x64xf32, #tpu.memory_space<hbm>>
        %dma_wait3A_1395 = arith.constant 0 : i32
        %dma_wait3A_1396 = arith.constant 0 : i32
        %dma_wait3A_1397 = tpu.memref_slice %arg4[%dma_wait3A_1395, %dma_wait3A_1396] : memref<20480x64xf32, #tpu.memory_space<hbm>> -> memref<128x64xf32, #tpu.memory_space<hbm>>
        tpu.wait_dma2 semaphore(%arg29 : memref<!tpu.dma_semaphore, #tpu.memory_space<semaphore_mem>>) src(%dma_wait3A_1397 : memref<128x64xf32, #tpu.memory_space<hbm>>) dst(%arg11 : memref<128x64xf32, #tpu.memory_space<vmem>>)
        %add3A_1398 = arith.constant 4 : i32
        %add3A_1399 = arith.addi %add3A_960, %add3A_1398 : i32
        %div3A_1400 = arith.constant 16 : i32
        %div3A_1401 = arith.divsi %add3A_1399, %div3A_1400 : i32
        %rem3A_1402 = arith.constant 2 : i32
        %rem3A_1403 = arith.remsi %div3A_1401, %rem3A_1402 : i32
        %mul3A_1404 = arith.constant 16 : i32
        %mul3A_1405 = arith.muli %rem3A_1403, %mul3A_1404 : i32
        %rem3A_1406 = arith.constant 16 : i32
        %rem3A_1407 = arith.remsi %add3A_1399, %rem3A_1406 : i32
        %add3A_1408 = arith.addi %mul3A_1405, %rem3A_1407 : i32
        %dma_start3A_1409 = arith.constant 0 : i32
        %dma_start3A_1410 = tpu.memref_slice %arg7[%add3A_1408, %dma_start3A_1409] : memref<32x128xi32, #tpu.memory_space<vmem>> -> memref<1x128xi32, #tpu.memory_space<vmem>>
        %dma_start3A_1411 = tpu.memref_squeeze %dma_start3A_1410 : memref<1x128xi32, #tpu.memory_space<vmem>> -> memref<128xi32, #tpu.memory_space<vmem>>
        %dma_start3A_1412 = arith.constant 0 : i32
        %dma_start3A_1413 = arith.constant 0 : i32
        %dma_start3A_1414 = tpu.memref_slice %arg4[%dma_start3A_1412, %dma_start3A_1413] : memref<20480x64xf32, #tpu.memory_space<hbm>> -> memref<20480x64xf32, #tpu.memory_space<hbm>>
        tpu.enqueue_indirect_dma source(%dma_start3A_1414 : memref<20480x64xf32, #tpu.memory_space<hbm>>) target(%arg11 : memref<128x64xf32, #tpu.memory_space<vmem>>) offsets(%dma_start3A_1411 : memref<128xi32, #tpu.memory_space<vmem>>) semaphore(%arg21 : memref<!tpu.dma_semaphore, #tpu.memory_space<semaphore_mem>>)
      } else {
      }
      %mul3A_1080 = arith.constant 8 : i32
      %mul3A_1081 = arith.muli %scan3A_547, %mul3A_1080 : i32
      %add3A_1082 = arith.constant 5 : i32
      %add3A_1083 = arith.addi %mul3A_1081, %add3A_1082 : i32
      %div3A_1084 = arith.constant 16 : i32
      %div3A_1085 = arith.divsi %add3A_1083, %div3A_1084 : i32
      %rem3A_1086 = arith.constant 2 : i32
      %rem3A_1087 = arith.remsi %div3A_1085, %rem3A_1086 : i32
      %mul3A_1088 = arith.constant 16 : i32
      %mul3A_1089 = arith.muli %rem3A_1087, %mul3A_1088 : i32
      %rem3A_1090 = arith.constant 16 : i32
      %rem3A_1091 = arith.remsi %add3A_1083, %rem3A_1090 : i32
      %add3A_1092 = arith.addi %mul3A_1089, %rem3A_1091 : i32
      %get3A_1093 = arith.index_cast %add3A_1092 : i32 to index
      %get3A_1094 = arith.constant 0 : index
      %get3A_1095 = tpu.vector_load %arg6[%get3A_1093, %get3A_1094] {strides = array<i32>} : memref<32x128xi32, #tpu.memory_space<vmem>>, vector<16xi32>,
      %shift_right_logical3A_1096 = arith.constant 7 : i32
      %shift_right_logical3A_1097 = vector.broadcast %shift_right_logical3A_1096 : i32 to vector<16xi32>
      %shift_right_logical3A_1098 = arith.shrui %get3A_1095, %shift_right_logical3A_1097 : vector<16xi32>
      %and3A_1099 = arith.constant 127 : i32
      %and3A_1100 = vector.broadcast %and3A_1099 : i32 to vector<16xi32>
      %and3A_1101 = arith.andi %get3A_1095, %and3A_1100 : vector<16xi32>
      tpu.vector_store_idx %arg8[%shift_right_logical3A_1098, %and3A_1101], %broadcast_in_dim3A_1 {add = true} : memref<80x128xf32, #tpu.memory_space<vmem>>[vector<16xi32>, vector<16xi32>], vector<16xf32>,
      %get3A_1102 = arith.index_cast %add3A_1092 : i32 to index
      %get3A_1103 = arith.constant 16 : index
      %get3A_1104 = tpu.vector_load %arg6[%get3A_1102, %get3A_1103] {strides = array<i32>} : memref<32x128xi32, #tpu.memory_space<vmem>>, vector<16xi32>,
      %shift_right_logical3A_1105 = arith.constant 7 : i32
      %shift_right_logical3A_1106 = vector.broadcast %shift_right_logical3A_1105 : i32 to vector<16xi32>
      %shift_right_logical3A_1107 = arith.shrui %get3A_1104, %shift_right_logical3A_1106 : vector<16xi32>
      %and3A_1108 = arith.constant 127 : i32
      %and3A_1109 = vector.broadcast %and3A_1108 : i32 to vector<16xi32>
      %and3A_1110 = arith.andi %get3A_1104, %and3A_1109 : vector<16xi32>
      tpu.vector_store_idx %arg8[%shift_right_logical3A_1107, %and3A_1110], %broadcast_in_dim3A_1 {add = true} : memref<80x128xf32, #tpu.memory_space<vmem>>[vector<16xi32>, vector<16xi32>], vector<16xf32>,
      %get3A_1111 = arith.index_cast %add3A_1092 : i32 to index
      %get3A_1112 = arith.constant 32 : index
      %get3A_1113 = tpu.vector_load %arg6[%get3A_1111, %get3A_1112] {strides = array<i32>} : memref<32x128xi32, #tpu.memory_space<vmem>>, vector<16xi32>,
      %shift_right_logical3A_1114 = arith.constant 7 : i32
      %shift_right_logical3A_1115 = vector.broadcast %shift_right_logical3A_1114 : i32 to vector<16xi32>
      %shift_right_logical3A_1116 = arith.shrui %get3A_1113, %shift_right_logical3A_1115 : vector<16xi32>
      %and3A_1117 = arith.constant 127 : i32
      %and3A_1118 = vector.broadcast %and3A_1117 : i32 to vector<16xi32>
      %and3A_1119 = arith.andi %get3A_1113, %and3A_1118 : vector<16xi32>
      tpu.vector_store_idx %arg8[%shift_right_logical3A_1116, %and3A_1119], %broadcast_in_dim3A_1 {add = true} : memref<80x128xf32, #tpu.memory_space<vmem>>[vector<16xi32>, vector<16xi32>], vector<16xf32>,
      %get3A_1120 = arith.index_cast %add3A_1092 : i32 to index
      %get3A_1121 = arith.constant 48 : index
      %get3A_1122 = tpu.vector_load %arg6[%get3A_1120, %get3A_1121] {strides = array<i32>} : memref<32x128xi32, #tpu.memory_space<vmem>>, vector<16xi32>,
      %shift_right_logical3A_1123 = arith.constant 7 : i32
      %shift_right_logical3A_1124 = vector.broadcast %shift_right_logical3A_1123 : i32 to vector<16xi32>
      %shift_right_logical3A_1125 = arith.shrui %get3A_1122, %shift_right_logical3A_1124 : vector<16xi32>
      %and3A_1126 = arith.constant 127 : i32
      %and3A_1127 = vector.broadcast %and3A_1126 : i32 to vector<16xi32>
      %and3A_1128 = arith.andi %get3A_1122, %and3A_1127 : vector<16xi32>
      tpu.vector_store_idx %arg8[%shift_right_logical3A_1125, %and3A_1128], %broadcast_in_dim3A_1 {add = true} : memref<80x128xf32, #tpu.memory_space<vmem>>[vector<16xi32>, vector<16xi32>], vector<16xf32>,
      %get3A_1129 = arith.index_cast %add3A_1092 : i32 to index
      %get3A_1130 = arith.constant 64 : index
      %get3A_1131 = tpu.vector_load %arg6[%get3A_1129, %get3A_1130] {strides = array<i32>} : memref<32x128xi32, #tpu.memory_space<vmem>>, vector<16xi32>,
      %shift_right_logical3A_1132 = arith.constant 7 : i32
      %shift_right_logical3A_1133 = vector.broadcast %shift_right_logical3A_1132 : i32 to vector<16xi32>
      %shift_right_logical3A_1134 = arith.shrui %get3A_1131, %shift_right_logical3A_1133 : vector<16xi32>
      %and3A_1135 = arith.constant 127 : i32
      %and3A_1136 = vector.broadcast %and3A_1135 : i32 to vector<16xi32>
      %and3A_1137 = arith.andi %get3A_1131, %and3A_1136 : vector<16xi32>
      tpu.vector_store_idx %arg8[%shift_right_logical3A_1134, %and3A_1137], %broadcast_in_dim3A_1 {add = true} : memref<80x128xf32, #tpu.memory_space<vmem>>[vector<16xi32>, vector<16xi32>], vector<16xf32>,
      %get3A_1138 = arith.index_cast %add3A_1092 : i32 to index
      %get3A_1139 = arith.constant 80 : index
      %get3A_1140 = tpu.vector_load %arg6[%get3A_1138, %get3A_1139] {strides = array<i32>} : memref<32x128xi32, #tpu.memory_space<vmem>>, vector<16xi32>,
      %shift_right_logical3A_1141 = arith.constant 7 : i32
      %shift_right_logical3A_1142 = vector.broadcast %shift_right_logical3A_1141 : i32 to vector<16xi32>
      %shift_right_logical3A_1143 = arith.shrui %get3A_1140, %shift_right_logical3A_1142 : vector<16xi32>
      %and3A_1144 = arith.constant 127 : i32
      %and3A_1145 = vector.broadcast %and3A_1144 : i32 to vector<16xi32>
      %and3A_1146 = arith.andi %get3A_1140, %and3A_1145 : vector<16xi32>
      tpu.vector_store_idx %arg8[%shift_right_logical3A_1143, %and3A_1146], %broadcast_in_dim3A_1 {add = true} : memref<80x128xf32, #tpu.memory_space<vmem>>[vector<16xi32>, vector<16xi32>], vector<16xf32>,
      %get3A_1147 = arith.index_cast %add3A_1092 : i32 to index
      %get3A_1148 = arith.constant 96 : index
      %get3A_1149 = tpu.vector_load %arg6[%get3A_1147, %get3A_1148] {strides = array<i32>} : memref<32x128xi32, #tpu.memory_space<vmem>>, vector<16xi32>,
      %shift_right_logical3A_1150 = arith.constant 7 : i32
      %shift_right_logical3A_1151 = vector.broadcast %shift_right_logical3A_1150 : i32 to vector<16xi32>
      %shift_right_logical3A_1152 = arith.shrui %get3A_1149, %shift_right_logical3A_1151 : vector<16xi32>
      %and3A_1153 = arith.constant 127 : i32
      %and3A_1154 = vector.broadcast %and3A_1153 : i32 to vector<16xi32>
      %and3A_1155 = arith.andi %get3A_1149, %and3A_1154 : vector<16xi32>
      tpu.vector_store_idx %arg8[%shift_right_logical3A_1152, %and3A_1155], %broadcast_in_dim3A_1 {add = true} : memref<80x128xf32, #tpu.memory_space<vmem>>[vector<16xi32>, vector<16xi32>], vector<16xf32>,
      %get3A_1156 = arith.index_cast %add3A_1092 : i32 to index
      %get3A_1157 = arith.constant 112 : index
      %get3A_1158 = tpu.vector_load %arg6[%get3A_1156, %get3A_1157] {strides = array<i32>} : memref<32x128xi32, #tpu.memory_space<vmem>>, vector<16xi32>,
      %shift_right_logical3A_1159 = arith.constant 7 : i32
      %shift_right_logical3A_1160 = vector.broadcast %shift_right_logical3A_1159 : i32 to vector<16xi32>
      %shift_right_logical3A_1161 = arith.shrui %get3A_1158, %shift_right_logical3A_1160 : vector<16xi32>
      %and3A_1162 = arith.constant 127 : i32
      %and3A_1163 = vector.broadcast %and3A_1162 : i32 to vector<16xi32>
      %and3A_1164 = arith.andi %get3A_1158, %and3A_1163 : vector<16xi32>
      tpu.vector_store_idx %arg8[%shift_right_logical3A_1161, %and3A_1164], %broadcast_in_dim3A_1 {add = true} : memref<80x128xf32, #tpu.memory_space<vmem>>[vector<16xi32>, vector<16xi32>], vector<16xf32>,
      %dma_wait3A_1165 = arith.constant 0 : i32
      %dma_wait3A_1166 = arith.constant 0 : i32
      %dma_wait3A_1167 = tpu.memref_slice %arg4[%dma_wait3A_1165, %dma_wait3A_1166] : memref<20480x64xf32, #tpu.memory_space<hbm>> -> memref<128x64xf32, #tpu.memory_space<hbm>>
      %dma_wait3A_1168 = arith.constant 0 : i32
      %dma_wait3A_1169 = arith.constant 0 : i32
      %dma_wait3A_1170 = tpu.memref_slice %arg4[%dma_wait3A_1168, %dma_wait3A_1169] : memref<20480x64xf32, #tpu.memory_space<hbm>> -> memref<128x64xf32, #tpu.memory_space<hbm>>
      tpu.wait_dma2 semaphore(%arg26 : memref<!tpu.dma_semaphore, #tpu.memory_space<semaphore_mem>>) src(%dma_wait3A_1170 : memref<128x64xf32, #tpu.memory_space<hbm>>) dst(%arg16 : memref<128x64xf32, #tpu.memory_space<vmem>>)
      %dma_start3A_1171 = arith.constant 0 : i32
      %dma_start3A_1172 = tpu.memref_slice %arg6[%add3A_1092, %dma_start3A_1171] : memref<32x128xi32, #tpu.memory_space<vmem>> -> memref<1x128xi32, #tpu.memory_space<vmem>>
      %dma_start3A_1173 = tpu.memref_squeeze %dma_start3A_1172 : memref<1x128xi32, #tpu.memory_space<vmem>> -> memref<128xi32, #tpu.memory_space<vmem>>
      %dma_start3A_1174 = arith.constant 0 : i32
      %dma_start3A_1175 = arith.constant 0 : i32
      %dma_start3A_1176 = tpu.memref_slice %arg19[%dma_start3A_1174, %dma_start3A_1175] : memref<10240x64xf32, #tpu.memory_space<vmem_shared>> -> memref<10240x64xf32, #tpu.memory_space<vmem_shared>>
      tpu.enqueue_indirect_dma source(%arg16 : memref<128x64xf32, #tpu.memory_space<vmem>>) target(%dma_start3A_1176 : memref<10240x64xf32, #tpu.memory_space<vmem_shared>>) offsets(%dma_start3A_1173 : memref<128xi32, #tpu.memory_space<vmem>>) semaphore(%arg34 : memref<!tpu.dma_semaphore, #tpu.memory_space<semaphore_mem>>) {add = true}
      %lt3A_1177 = arith.constant 19 : i32
      %lt3A_1178 = arith.cmpi slt, %scan3A_547, %lt3A_1177 : i32
      %or3A_1179 = arith.constant false
      %or3A_1180 = arith.ori %lt3A_1178, %or3A_1179 : i1
      %convert_element_type3A_1181 = arith.extui %or3A_1180 : i1 to i32
      %cond3A_1182 = arith.constant 0 : i32
      %cond3A_1183 = arith.cmpi ne, %convert_element_type3A_1181, %cond3A_1182 : i32
      scf.if %cond3A_1183 {
        %dma_wait3A_1392 = arith.constant 0 : i32
        %dma_wait3A_1393 = arith.constant 0 : i32
        %dma_wait3A_1394 = tpu.memref_slice %arg4[%dma_wait3A_1392, %dma_wait3A_1393] : memref<20480x64xf32, #tpu.memory_space<hbm>> -> memref<128x64xf32, #tpu.memory_space<hbm>>
        %dma_wait3A_1395 = arith.constant 0 : i32
        %dma_wait3A_1396 = arith.constant 0 : i32
        %dma_wait3A_1397 = tpu.memref_slice %arg4[%dma_wait3A_1395, %dma_wait3A_1396] : memref<20480x64xf32, #tpu.memory_space<hbm>> -> memref<128x64xf32, #tpu.memory_space<hbm>>
        tpu.wait_dma2 semaphore(%arg30 : memref<!tpu.dma_semaphore, #tpu.memory_space<semaphore_mem>>) src(%dma_wait3A_1397 : memref<128x64xf32, #tpu.memory_space<hbm>>) dst(%arg12 : memref<128x64xf32, #tpu.memory_space<vmem>>)
        %add3A_1398 = arith.constant 4 : i32
        %add3A_1399 = arith.addi %add3A_1083, %add3A_1398 : i32
        %div3A_1400 = arith.constant 16 : i32
        %div3A_1401 = arith.divsi %add3A_1399, %div3A_1400 : i32
        %rem3A_1402 = arith.constant 2 : i32
        %rem3A_1403 = arith.remsi %div3A_1401, %rem3A_1402 : i32
        %mul3A_1404 = arith.constant 16 : i32
        %mul3A_1405 = arith.muli %rem3A_1403, %mul3A_1404 : i32
        %rem3A_1406 = arith.constant 16 : i32
        %rem3A_1407 = arith.remsi %add3A_1399, %rem3A_1406 : i32
        %add3A_1408 = arith.addi %mul3A_1405, %rem3A_1407 : i32
        %dma_start3A_1409 = arith.constant 0 : i32
        %dma_start3A_1410 = tpu.memref_slice %arg7[%add3A_1408, %dma_start3A_1409] : memref<32x128xi32, #tpu.memory_space<vmem>> -> memref<1x128xi32, #tpu.memory_space<vmem>>
        %dma_start3A_1411 = tpu.memref_squeeze %dma_start3A_1410 : memref<1x128xi32, #tpu.memory_space<vmem>> -> memref<128xi32, #tpu.memory_space<vmem>>
        %dma_start3A_1412 = arith.constant 0 : i32
        %dma_start3A_1413 = arith.constant 0 : i32
        %dma_start3A_1414 = tpu.memref_slice %arg4[%dma_start3A_1412, %dma_start3A_1413] : memref<20480x64xf32, #tpu.memory_space<hbm>> -> memref<20480x64xf32, #tpu.memory_space<hbm>>
        tpu.enqueue_indirect_dma source(%dma_start3A_1414 : memref<20480x64xf32, #tpu.memory_space<hbm>>) target(%arg12 : memref<128x64xf32, #tpu.memory_space<vmem>>) offsets(%dma_start3A_1411 : memref<128xi32, #tpu.memory_space<vmem>>) semaphore(%arg22 : memref<!tpu.dma_semaphore, #tpu.memory_space<semaphore_mem>>)
      } else {
      }
      %mul3A_1184 = arith.constant 8 : i32
      %mul3A_1185 = arith.muli %scan3A_547, %mul3A_1184 : i32
      %add3A_1186 = arith.constant 6 : i32
      %add3A_1187 = arith.addi %mul3A_1185, %add3A_1186 : i32
      %div3A_1188 = arith.constant 16 : i32
      %div3A_1189 = arith.divsi %add3A_1187, %div3A_1188 : i32
      %rem3A_1190 = arith.constant 2 : i32
      %rem3A_1191 = arith.remsi %div3A_1189, %rem3A_1190 : i32
      %mul3A_1192 = arith.constant 16 : i32
      %mul3A_1193 = arith.muli %rem3A_1191, %mul3A_1192 : i32
      %rem3A_1194 = arith.constant 16 : i32
      %rem3A_1195 = arith.remsi %add3A_1187, %rem3A_1194 : i32
      %add3A_1196 = arith.addi %mul3A_1193, %rem3A_1195 : i32
      %get3A_1197 = arith.index_cast %add3A_1196 : i32 to index
      %get3A_1198 = arith.constant 0 : index
      %get3A_1199 = tpu.vector_load %arg6[%get3A_1197, %get3A_1198] {strides = array<i32>} : memref<32x128xi32, #tpu.memory_space<vmem>>, vector<16xi32>,
      %shift_right_logical3A_1200 = arith.constant 7 : i32
      %shift_right_logical3A_1201 = vector.broadcast %shift_right_logical3A_1200 : i32 to vector<16xi32>
      %shift_right_logical3A_1202 = arith.shrui %get3A_1199, %shift_right_logical3A_1201 : vector<16xi32>
      %and3A_1203 = arith.constant 127 : i32
      %and3A_1204 = vector.broadcast %and3A_1203 : i32 to vector<16xi32>
      %and3A_1205 = arith.andi %get3A_1199, %and3A_1204 : vector<16xi32>
      tpu.vector_store_idx %arg8[%shift_right_logical3A_1202, %and3A_1205], %broadcast_in_dim3A_1 {add = true} : memref<80x128xf32, #tpu.memory_space<vmem>>[vector<16xi32>, vector<16xi32>], vector<16xf32>,
      %get3A_1206 = arith.index_cast %add3A_1196 : i32 to index
      %get3A_1207 = arith.constant 16 : index
      %get3A_1208 = tpu.vector_load %arg6[%get3A_1206, %get3A_1207] {strides = array<i32>} : memref<32x128xi32, #tpu.memory_space<vmem>>, vector<16xi32>,
      %shift_right_logical3A_1209 = arith.constant 7 : i32
      %shift_right_logical3A_1210 = vector.broadcast %shift_right_logical3A_1209 : i32 to vector<16xi32>
      %shift_right_logical3A_1211 = arith.shrui %get3A_1208, %shift_right_logical3A_1210 : vector<16xi32>
      %and3A_1212 = arith.constant 127 : i32
      %and3A_1213 = vector.broadcast %and3A_1212 : i32 to vector<16xi32>
      %and3A_1214 = arith.andi %get3A_1208, %and3A_1213 : vector<16xi32>
      tpu.vector_store_idx %arg8[%shift_right_logical3A_1211, %and3A_1214], %broadcast_in_dim3A_1 {add = true} : memref<80x128xf32, #tpu.memory_space<vmem>>[vector<16xi32>, vector<16xi32>], vector<16xf32>,
      %get3A_1215 = arith.index_cast %add3A_1196 : i32 to index
      %get3A_1216 = arith.constant 32 : index
      %get3A_1217 = tpu.vector_load %arg6[%get3A_1215, %get3A_1216] {strides = array<i32>} : memref<32x128xi32, #tpu.memory_space<vmem>>, vector<16xi32>,
      %shift_right_logical3A_1218 = arith.constant 7 : i32
      %shift_right_logical3A_1219 = vector.broadcast %shift_right_logical3A_1218 : i32 to vector<16xi32>
      %shift_right_logical3A_1220 = arith.shrui %get3A_1217, %shift_right_logical3A_1219 : vector<16xi32>
      %and3A_1221 = arith.constant 127 : i32
      %and3A_1222 = vector.broadcast %and3A_1221 : i32 to vector<16xi32>
      %and3A_1223 = arith.andi %get3A_1217, %and3A_1222 : vector<16xi32>
      tpu.vector_store_idx %arg8[%shift_right_logical3A_1220, %and3A_1223], %broadcast_in_dim3A_1 {add = true} : memref<80x128xf32, #tpu.memory_space<vmem>>[vector<16xi32>, vector<16xi32>], vector<16xf32>,
      %get3A_1224 = arith.index_cast %add3A_1196 : i32 to index
      %get3A_1225 = arith.constant 48 : index
      %get3A_1226 = tpu.vector_load %arg6[%get3A_1224, %get3A_1225] {strides = array<i32>} : memref<32x128xi32, #tpu.memory_space<vmem>>, vector<16xi32>,
      %shift_right_logical3A_1227 = arith.constant 7 : i32
      %shift_right_logical3A_1228 = vector.broadcast %shift_right_logical3A_1227 : i32 to vector<16xi32>
      %shift_right_logical3A_1229 = arith.shrui %get3A_1226, %shift_right_logical3A_1228 : vector<16xi32>
      %and3A_1230 = arith.constant 127 : i32
      %and3A_1231 = vector.broadcast %and3A_1230 : i32 to vector<16xi32>
      %and3A_1232 = arith.andi %get3A_1226, %and3A_1231 : vector<16xi32>
      tpu.vector_store_idx %arg8[%shift_right_logical3A_1229, %and3A_1232], %broadcast_in_dim3A_1 {add = true} : memref<80x128xf32, #tpu.memory_space<vmem>>[vector<16xi32>, vector<16xi32>], vector<16xf32>,
      %get3A_1233 = arith.index_cast %add3A_1196 : i32 to index
      %get3A_1234 = arith.constant 64 : index
      %get3A_1235 = tpu.vector_load %arg6[%get3A_1233, %get3A_1234] {strides = array<i32>} : memref<32x128xi32, #tpu.memory_space<vmem>>, vector<16xi32>,
      %shift_right_logical3A_1236 = arith.constant 7 : i32
      %shift_right_logical3A_1237 = vector.broadcast %shift_right_logical3A_1236 : i32 to vector<16xi32>
      %shift_right_logical3A_1238 = arith.shrui %get3A_1235, %shift_right_logical3A_1237 : vector<16xi32>
      %and3A_1239 = arith.constant 127 : i32
      %and3A_1240 = vector.broadcast %and3A_1239 : i32 to vector<16xi32>
      %and3A_1241 = arith.andi %get3A_1235, %and3A_1240 : vector<16xi32>
      tpu.vector_store_idx %arg8[%shift_right_logical3A_1238, %and3A_1241], %broadcast_in_dim3A_1 {add = true} : memref<80x128xf32, #tpu.memory_space<vmem>>[vector<16xi32>, vector<16xi32>], vector<16xf32>,
      %get3A_1242 = arith.index_cast %add3A_1196 : i32 to index
      %get3A_1243 = arith.constant 80 : index
      %get3A_1244 = tpu.vector_load %arg6[%get3A_1242, %get3A_1243] {strides = array<i32>} : memref<32x128xi32, #tpu.memory_space<vmem>>, vector<16xi32>,
      %shift_right_logical3A_1245 = arith.constant 7 : i32
      %shift_right_logical3A_1246 = vector.broadcast %shift_right_logical3A_1245 : i32 to vector<16xi32>
      %shift_right_logical3A_1247 = arith.shrui %get3A_1244, %shift_right_logical3A_1246 : vector<16xi32>
      %and3A_1248 = arith.constant 127 : i32
      %and3A_1249 = vector.broadcast %and3A_1248 : i32 to vector<16xi32>
      %and3A_1250 = arith.andi %get3A_1244, %and3A_1249 : vector<16xi32>
      tpu.vector_store_idx %arg8[%shift_right_logical3A_1247, %and3A_1250], %broadcast_in_dim3A_1 {add = true} : memref<80x128xf32, #tpu.memory_space<vmem>>[vector<16xi32>, vector<16xi32>], vector<16xf32>,
      %get3A_1251 = arith.index_cast %add3A_1196 : i32 to index
      %get3A_1252 = arith.constant 96 : index
      %get3A_1253 = tpu.vector_load %arg6[%get3A_1251, %get3A_1252] {strides = array<i32>} : memref<32x128xi32, #tpu.memory_space<vmem>>, vector<16xi32>,
      %shift_right_logical3A_1254 = arith.constant 7 : i32
      %shift_right_logical3A_1255 = vector.broadcast %shift_right_logical3A_1254 : i32 to vector<16xi32>
      %shift_right_logical3A_1256 = arith.shrui %get3A_1253, %shift_right_logical3A_1255 : vector<16xi32>
      %and3A_1257 = arith.constant 127 : i32
      %and3A_1258 = vector.broadcast %and3A_1257 : i32 to vector<16xi32>
      %and3A_1259 = arith.andi %get3A_1253, %and3A_1258 : vector<16xi32>
      tpu.vector_store_idx %arg8[%shift_right_logical3A_1256, %and3A_1259], %broadcast_in_dim3A_1 {add = true} : memref<80x128xf32, #tpu.memory_space<vmem>>[vector<16xi32>, vector<16xi32>], vector<16xf32>,
      %get3A_1260 = arith.index_cast %add3A_1196 : i32 to index
      %get3A_1261 = arith.constant 112 : index
      %get3A_1262 = tpu.vector_load %arg6[%get3A_1260, %get3A_1261] {strides = array<i32>} : memref<32x128xi32, #tpu.memory_space<vmem>>, vector<16xi32>,
      %shift_right_logical3A_1263 = arith.constant 7 : i32
      %shift_right_logical3A_1264 = vector.broadcast %shift_right_logical3A_1263 : i32 to vector<16xi32>
      %shift_right_logical3A_1265 = arith.shrui %get3A_1262, %shift_right_logical3A_1264 : vector<16xi32>
      %and3A_1266 = arith.constant 127 : i32
      %and3A_1267 = vector.broadcast %and3A_1266 : i32 to vector<16xi32>
      %and3A_1268 = arith.andi %get3A_1262, %and3A_1267 : vector<16xi32>
      tpu.vector_store_idx %arg8[%shift_right_logical3A_1265, %and3A_1268], %broadcast_in_dim3A_1 {add = true} : memref<80x128xf32, #tpu.memory_space<vmem>>[vector<16xi32>, vector<16xi32>], vector<16xf32>,
      %dma_wait3A_1269 = arith.constant 0 : i32
      %dma_wait3A_1270 = arith.constant 0 : i32
      %dma_wait3A_1271 = tpu.memref_slice %arg4[%dma_wait3A_1269, %dma_wait3A_1270] : memref<20480x64xf32, #tpu.memory_space<hbm>> -> memref<128x64xf32, #tpu.memory_space<hbm>>
      %dma_wait3A_1272 = arith.constant 0 : i32
      %dma_wait3A_1273 = arith.constant 0 : i32
      %dma_wait3A_1274 = tpu.memref_slice %arg4[%dma_wait3A_1272, %dma_wait3A_1273] : memref<20480x64xf32, #tpu.memory_space<hbm>> -> memref<128x64xf32, #tpu.memory_space<hbm>>
      tpu.wait_dma2 semaphore(%arg27 : memref<!tpu.dma_semaphore, #tpu.memory_space<semaphore_mem>>) src(%dma_wait3A_1274 : memref<128x64xf32, #tpu.memory_space<hbm>>) dst(%arg17 : memref<128x64xf32, #tpu.memory_space<vmem>>)
      %dma_start3A_1275 = arith.constant 0 : i32
      %dma_start3A_1276 = tpu.memref_slice %arg6[%add3A_1196, %dma_start3A_1275] : memref<32x128xi32, #tpu.memory_space<vmem>> -> memref<1x128xi32, #tpu.memory_space<vmem>>
      %dma_start3A_1277 = tpu.memref_squeeze %dma_start3A_1276 : memref<1x128xi32, #tpu.memory_space<vmem>> -> memref<128xi32, #tpu.memory_space<vmem>>
      %dma_start3A_1278 = arith.constant 0 : i32
      %dma_start3A_1279 = arith.constant 0 : i32
      %dma_start3A_1280 = tpu.memref_slice %arg19[%dma_start3A_1278, %dma_start3A_1279] : memref<10240x64xf32, #tpu.memory_space<vmem_shared>> -> memref<10240x64xf32, #tpu.memory_space<vmem_shared>>
      tpu.enqueue_indirect_dma source(%arg17 : memref<128x64xf32, #tpu.memory_space<vmem>>) target(%dma_start3A_1280 : memref<10240x64xf32, #tpu.memory_space<vmem_shared>>) offsets(%dma_start3A_1277 : memref<128xi32, #tpu.memory_space<vmem>>) semaphore(%arg35 : memref<!tpu.dma_semaphore, #tpu.memory_space<semaphore_mem>>) {add = true}
      %lt3A_1281 = arith.constant 19 : i32
      %lt3A_1282 = arith.cmpi slt, %scan3A_547, %lt3A_1281 : i32
      %or3A_1283 = arith.constant false
      %or3A_1284 = arith.ori %lt3A_1282, %or3A_1283 : i1
      %convert_element_type3A_1285 = arith.extui %or3A_1284 : i1 to i32
      %cond3A_1286 = arith.constant 0 : i32
      %cond3A_1287 = arith.cmpi ne, %convert_element_type3A_1285, %cond3A_1286 : i32
      scf.if %cond3A_1287 {
        %dma_wait3A_1392 = arith.constant 0 : i32
        %dma_wait3A_1393 = arith.constant 0 : i32
        %dma_wait3A_1394 = tpu.memref_slice %arg4[%dma_wait3A_1392, %dma_wait3A_1393] : memref<20480x64xf32, #tpu.memory_space<hbm>> -> memref<128x64xf32, #tpu.memory_space<hbm>>
        %dma_wait3A_1395 = arith.constant 0 : i32
        %dma_wait3A_1396 = arith.constant 0 : i32
        %dma_wait3A_1397 = tpu.memref_slice %arg4[%dma_wait3A_1395, %dma_wait3A_1396] : memref<20480x64xf32, #tpu.memory_space<hbm>> -> memref<128x64xf32, #tpu.memory_space<hbm>>
        tpu.wait_dma2 semaphore(%arg31 : memref<!tpu.dma_semaphore, #tpu.memory_space<semaphore_mem>>) src(%dma_wait3A_1397 : memref<128x64xf32, #tpu.memory_space<hbm>>) dst(%arg13 : memref<128x64xf32, #tpu.memory_space<vmem>>)
        %add3A_1398 = arith.constant 4 : i32
        %add3A_1399 = arith.addi %add3A_1187, %add3A_1398 : i32
        %div3A_1400 = arith.constant 16 : i32
        %div3A_1401 = arith.divsi %add3A_1399, %div3A_1400 : i32
        %rem3A_1402 = arith.constant 2 : i32
        %rem3A_1403 = arith.remsi %div3A_1401, %rem3A_1402 : i32
        %mul3A_1404 = arith.constant 16 : i32
        %mul3A_1405 = arith.muli %rem3A_1403, %mul3A_1404 : i32
        %rem3A_1406 = arith.constant 16 : i32
        %rem3A_1407 = arith.remsi %add3A_1399, %rem3A_1406 : i32
        %add3A_1408 = arith.addi %mul3A_1405, %rem3A_1407 : i32
        %dma_start3A_1409 = arith.constant 0 : i32
        %dma_start3A_1410 = tpu.memref_slice %arg7[%add3A_1408, %dma_start3A_1409] : memref<32x128xi32, #tpu.memory_space<vmem>> -> memref<1x128xi32, #tpu.memory_space<vmem>>
        %dma_start3A_1411 = tpu.memref_squeeze %dma_start3A_1410 : memref<1x128xi32, #tpu.memory_space<vmem>> -> memref<128xi32, #tpu.memory_space<vmem>>
        %dma_start3A_1412 = arith.constant 0 : i32
        %dma_start3A_1413 = arith.constant 0 : i32
        %dma_start3A_1414 = tpu.memref_slice %arg4[%dma_start3A_1412, %dma_start3A_1413] : memref<20480x64xf32, #tpu.memory_space<hbm>> -> memref<20480x64xf32, #tpu.memory_space<hbm>>
        tpu.enqueue_indirect_dma source(%dma_start3A_1414 : memref<20480x64xf32, #tpu.memory_space<hbm>>) target(%arg13 : memref<128x64xf32, #tpu.memory_space<vmem>>) offsets(%dma_start3A_1411 : memref<128xi32, #tpu.memory_space<vmem>>) semaphore(%arg23 : memref<!tpu.dma_semaphore, #tpu.memory_space<semaphore_mem>>)
      } else {
      }
      %mul3A_1288 = arith.constant 8 : i32
      %mul3A_1289 = arith.muli %scan3A_547, %mul3A_1288 : i32
      %add3A_1290 = arith.constant 7 : i32
      %add3A_1291 = arith.addi %mul3A_1289, %add3A_1290 : i32
      %div3A_1292 = arith.constant 16 : i32
      %div3A_1293 = arith.divsi %add3A_1291, %div3A_1292 : i32
      %rem3A_1294 = arith.constant 2 : i32
      %rem3A_1295 = arith.remsi %div3A_1293, %rem3A_1294 : i32
      %mul3A_1296 = arith.constant 16 : i32
      %mul3A_1297 = arith.muli %rem3A_1295, %mul3A_1296 : i32
      %rem3A_1298 = arith.constant 16 : i32
      %rem3A_1299 = arith.remsi %add3A_1291, %rem3A_1298 : i32
      %add3A_1300 = arith.addi %mul3A_1297, %rem3A_1299 : i32
      %get3A_1301 = arith.index_cast %add3A_1300 : i32 to index
      %get3A_1302 = arith.constant 0 : index
      %get3A_1303 = tpu.vector_load %arg6[%get3A_1301, %get3A_1302] {strides = array<i32>} : memref<32x128xi32, #tpu.memory_space<vmem>>, vector<16xi32>,
      %shift_right_logical3A_1304 = arith.constant 7 : i32
      %shift_right_logical3A_1305 = vector.broadcast %shift_right_logical3A_1304 : i32 to vector<16xi32>
      %shift_right_logical3A_1306 = arith.shrui %get3A_1303, %shift_right_logical3A_1305 : vector<16xi32>
      %and3A_1307 = arith.constant 127 : i32
      %and3A_1308 = vector.broadcast %and3A_1307 : i32 to vector<16xi32>
      %and3A_1309 = arith.andi %get3A_1303, %and3A_1308 : vector<16xi32>
      tpu.vector_store_idx %arg8[%shift_right_logical3A_1306, %and3A_1309], %broadcast_in_dim3A_1 {add = true} : memref<80x128xf32, #tpu.memory_space<vmem>>[vector<16xi32>, vector<16xi32>], vector<16xf32>,
      %get3A_1310 = arith.index_cast %add3A_1300 : i32 to index
      %get3A_1311 = arith.constant 16 : index
      %get3A_1312 = tpu.vector_load %arg6[%get3A_1310, %get3A_1311] {strides = array<i32>} : memref<32x128xi32, #tpu.memory_space<vmem>>, vector<16xi32>,
      %shift_right_logical3A_1313 = arith.constant 7 : i32
      %shift_right_logical3A_1314 = vector.broadcast %shift_right_logical3A_1313 : i32 to vector<16xi32>
      %shift_right_logical3A_1315 = arith.shrui %get3A_1312, %shift_right_logical3A_1314 : vector<16xi32>
      %and3A_1316 = arith.constant 127 : i32
      %and3A_1317 = vector.broadcast %and3A_1316 : i32 to vector<16xi32>
      %and3A_1318 = arith.andi %get3A_1312, %and3A_1317 : vector<16xi32>
      tpu.vector_store_idx %arg8[%shift_right_logical3A_1315, %and3A_1318], %broadcast_in_dim3A_1 {add = true} : memref<80x128xf32, #tpu.memory_space<vmem>>[vector<16xi32>, vector<16xi32>], vector<16xf32>,
      %get3A_1319 = arith.index_cast %add3A_1300 : i32 to index
      %get3A_1320 = arith.constant 32 : index
      %get3A_1321 = tpu.vector_load %arg6[%get3A_1319, %get3A_1320] {strides = array<i32>} : memref<32x128xi32, #tpu.memory_space<vmem>>, vector<16xi32>,
      %shift_right_logical3A_1322 = arith.constant 7 : i32
      %shift_right_logical3A_1323 = vector.broadcast %shift_right_logical3A_1322 : i32 to vector<16xi32>
      %shift_right_logical3A_1324 = arith.shrui %get3A_1321, %shift_right_logical3A_1323 : vector<16xi32>
      %and3A_1325 = arith.constant 127 : i32
      %and3A_1326 = vector.broadcast %and3A_1325 : i32 to vector<16xi32>
      %and3A_1327 = arith.andi %get3A_1321, %and3A_1326 : vector<16xi32>
      tpu.vector_store_idx %arg8[%shift_right_logical3A_1324, %and3A_1327], %broadcast_in_dim3A_1 {add = true} : memref<80x128xf32, #tpu.memory_space<vmem>>[vector<16xi32>, vector<16xi32>], vector<16xf32>,
      %get3A_1328 = arith.index_cast %add3A_1300 : i32 to index
      %get3A_1329 = arith.constant 48 : index
      %get3A_1330 = tpu.vector_load %arg6[%get3A_1328, %get3A_1329] {strides = array<i32>} : memref<32x128xi32, #tpu.memory_space<vmem>>, vector<16xi32>,
      %shift_right_logical3A_1331 = arith.constant 7 : i32
      %shift_right_logical3A_1332 = vector.broadcast %shift_right_logical3A_1331 : i32 to vector<16xi32>
      %shift_right_logical3A_1333 = arith.shrui %get3A_1330, %shift_right_logical3A_1332 : vector<16xi32>
      %and3A_1334 = arith.constant 127 : i32
      %and3A_1335 = vector.broadcast %and3A_1334 : i32 to vector<16xi32>
      %and3A_1336 = arith.andi %get3A_1330, %and3A_1335 : vector<16xi32>
      tpu.vector_store_idx %arg8[%shift_right_logical3A_1333, %and3A_1336], %broadcast_in_dim3A_1 {add = true} : memref<80x128xf32, #tpu.memory_space<vmem>>[vector<16xi32>, vector<16xi32>], vector<16xf32>,
      %get3A_1337 = arith.index_cast %add3A_1300 : i32 to index
      %get3A_1338 = arith.constant 64 : index
      %get3A_1339 = tpu.vector_load %arg6[%get3A_1337, %get3A_1338] {strides = array<i32>} : memref<32x128xi32, #tpu.memory_space<vmem>>, vector<16xi32>,
      %shift_right_logical3A_1340 = arith.constant 7 : i32
      %shift_right_logical3A_1341 = vector.broadcast %shift_right_logical3A_1340 : i32 to vector<16xi32>
      %shift_right_logical3A_1342 = arith.shrui %get3A_1339, %shift_right_logical3A_1341 : vector<16xi32>
      %and3A_1343 = arith.constant 127 : i32
      %and3A_1344 = vector.broadcast %and3A_1343 : i32 to vector<16xi32>
      %and3A_1345 = arith.andi %get3A_1339, %and3A_1344 : vector<16xi32>
      tpu.vector_store_idx %arg8[%shift_right_logical3A_1342, %and3A_1345], %broadcast_in_dim3A_1 {add = true} : memref<80x128xf32, #tpu.memory_space<vmem>>[vector<16xi32>, vector<16xi32>], vector<16xf32>,
      %get3A_1346 = arith.index_cast %add3A_1300 : i32 to index
      %get3A_1347 = arith.constant 80 : index
      %get3A_1348 = tpu.vector_load %arg6[%get3A_1346, %get3A_1347] {strides = array<i32>} : memref<32x128xi32, #tpu.memory_space<vmem>>, vector<16xi32>,
      %shift_right_logical3A_1349 = arith.constant 7 : i32
      %shift_right_logical3A_1350 = vector.broadcast %shift_right_logical3A_1349 : i32 to vector<16xi32>
      %shift_right_logical3A_1351 = arith.shrui %get3A_1348, %shift_right_logical3A_1350 : vector<16xi32>
      %and3A_1352 = arith.constant 127 : i32
      %and3A_1353 = vector.broadcast %and3A_1352 : i32 to vector<16xi32>
      %and3A_1354 = arith.andi %get3A_1348, %and3A_1353 : vector<16xi32>
      tpu.vector_store_idx %arg8[%shift_right_logical3A_1351, %and3A_1354], %broadcast_in_dim3A_1 {add = true} : memref<80x128xf32, #tpu.memory_space<vmem>>[vector<16xi32>, vector<16xi32>], vector<16xf32>,
      %get3A_1355 = arith.index_cast %add3A_1300 : i32 to index
      %get3A_1356 = arith.constant 96 : index
      %get3A_1357 = tpu.vector_load %arg6[%get3A_1355, %get3A_1356] {strides = array<i32>} : memref<32x128xi32, #tpu.memory_space<vmem>>, vector<16xi32>,
      %shift_right_logical3A_1358 = arith.constant 7 : i32
      %shift_right_logical3A_1359 = vector.broadcast %shift_right_logical3A_1358 : i32 to vector<16xi32>
      %shift_right_logical3A_1360 = arith.shrui %get3A_1357, %shift_right_logical3A_1359 : vector<16xi32>
      %and3A_1361 = arith.constant 127 : i32
      %and3A_1362 = vector.broadcast %and3A_1361 : i32 to vector<16xi32>
      %and3A_1363 = arith.andi %get3A_1357, %and3A_1362 : vector<16xi32>
      tpu.vector_store_idx %arg8[%shift_right_logical3A_1360, %and3A_1363], %broadcast_in_dim3A_1 {add = true} : memref<80x128xf32, #tpu.memory_space<vmem>>[vector<16xi32>, vector<16xi32>], vector<16xf32>,
      %get3A_1364 = arith.index_cast %add3A_1300 : i32 to index
      %get3A_1365 = arith.constant 112 : index
      %get3A_1366 = tpu.vector_load %arg6[%get3A_1364, %get3A_1365] {strides = array<i32>} : memref<32x128xi32, #tpu.memory_space<vmem>>, vector<16xi32>,
      %shift_right_logical3A_1367 = arith.constant 7 : i32
      %shift_right_logical3A_1368 = vector.broadcast %shift_right_logical3A_1367 : i32 to vector<16xi32>
      %shift_right_logical3A_1369 = arith.shrui %get3A_1366, %shift_right_logical3A_1368 : vector<16xi32>
      %and3A_1370 = arith.constant 127 : i32
      %and3A_1371 = vector.broadcast %and3A_1370 : i32 to vector<16xi32>
      %and3A_1372 = arith.andi %get3A_1366, %and3A_1371 : vector<16xi32>
      tpu.vector_store_idx %arg8[%shift_right_logical3A_1369, %and3A_1372], %broadcast_in_dim3A_1 {add = true} : memref<80x128xf32, #tpu.memory_space<vmem>>[vector<16xi32>, vector<16xi32>], vector<16xf32>,
      %dma_wait3A_1373 = arith.constant 0 : i32
      %dma_wait3A_1374 = arith.constant 0 : i32
      %dma_wait3A_1375 = tpu.memref_slice %arg4[%dma_wait3A_1373, %dma_wait3A_1374] : memref<20480x64xf32, #tpu.memory_space<hbm>> -> memref<128x64xf32, #tpu.memory_space<hbm>>
      %dma_wait3A_1376 = arith.constant 0 : i32
      %dma_wait3A_1377 = arith.constant 0 : i32
      %dma_wait3A_1378 = tpu.memref_slice %arg4[%dma_wait3A_1376, %dma_wait3A_1377] : memref<20480x64xf32, #tpu.memory_space<hbm>> -> memref<128x64xf32, #tpu.memory_space<hbm>>
      tpu.wait_dma2 semaphore(%arg28 : memref<!tpu.dma_semaphore, #tpu.memory_space<semaphore_mem>>) src(%dma_wait3A_1378 : memref<128x64xf32, #tpu.memory_space<hbm>>) dst(%arg18 : memref<128x64xf32, #tpu.memory_space<vmem>>)
      %dma_start3A_1379 = arith.constant 0 : i32
      %dma_start3A_1380 = tpu.memref_slice %arg6[%add3A_1300, %dma_start3A_1379] : memref<32x128xi32, #tpu.memory_space<vmem>> -> memref<1x128xi32, #tpu.memory_space<vmem>>
      %dma_start3A_1381 = tpu.memref_squeeze %dma_start3A_1380 : memref<1x128xi32, #tpu.memory_space<vmem>> -> memref<128xi32, #tpu.memory_space<vmem>>
      %dma_start3A_1382 = arith.constant 0 : i32
      %dma_start3A_1383 = arith.constant 0 : i32
      %dma_start3A_1384 = tpu.memref_slice %arg19[%dma_start3A_1382, %dma_start3A_1383] : memref<10240x64xf32, #tpu.memory_space<vmem_shared>> -> memref<10240x64xf32, #tpu.memory_space<vmem_shared>>
      tpu.enqueue_indirect_dma source(%arg18 : memref<128x64xf32, #tpu.memory_space<vmem>>) target(%dma_start3A_1384 : memref<10240x64xf32, #tpu.memory_space<vmem_shared>>) offsets(%dma_start3A_1381 : memref<128xi32, #tpu.memory_space<vmem>>) semaphore(%arg36 : memref<!tpu.dma_semaphore, #tpu.memory_space<semaphore_mem>>) {add = true}
      %lt3A_1385 = arith.constant 19 : i32
      %lt3A_1386 = arith.cmpi slt, %scan3A_547, %lt3A_1385 : i32
      %or3A_1387 = arith.constant false
      %or3A_1388 = arith.ori %lt3A_1386, %or3A_1387 : i1
      %convert_element_type3A_1389 = arith.extui %or3A_1388 : i1 to i32
      %cond3A_1390 = arith.constant 0 : i32
      %cond3A_1391 = arith.cmpi ne, %convert_element_type3A_1389, %cond3A_1390 : i32
      scf.if %cond3A_1391 {
        %dma_wait3A_1392 = arith.constant 0 : i32
        %dma_wait3A_1393 = arith.constant 0 : i32
        %dma_wait3A_1394 = tpu.memref_slice %arg4[%dma_wait3A_1392, %dma_wait3A_1393] : memref<20480x64xf32, #tpu.memory_space<hbm>> -> memref<128x64xf32, #tpu.memory_space<hbm>>
        %dma_wait3A_1395 = arith.constant 0 : i32
        %dma_wait3A_1396 = arith.constant 0 : i32
        %dma_wait3A_1397 = tpu.memref_slice %arg4[%dma_wait3A_1395, %dma_wait3A_1396] : memref<20480x64xf32, #tpu.memory_space<hbm>> -> memref<128x64xf32, #tpu.memory_space<hbm>>
        tpu.wait_dma2 semaphore(%arg32 : memref<!tpu.dma_semaphore, #tpu.memory_space<semaphore_mem>>) src(%dma_wait3A_1397 : memref<128x64xf32, #tpu.memory_space<hbm>>) dst(%arg14 : memref<128x64xf32, #tpu.memory_space<vmem>>)
        %add3A_1398 = arith.constant 4 : i32
        %add3A_1399 = arith.addi %add3A_1291, %add3A_1398 : i32
        %div3A_1400 = arith.constant 16 : i32
        %div3A_1401 = arith.divsi %add3A_1399, %div3A_1400 : i32
        %rem3A_1402 = arith.constant 2 : i32
        %rem3A_1403 = arith.remsi %div3A_1401, %rem3A_1402 : i32
        %mul3A_1404 = arith.constant 16 : i32
        %mul3A_1405 = arith.muli %rem3A_1403, %mul3A_1404 : i32
        %rem3A_1406 = arith.constant 16 : i32
        %rem3A_1407 = arith.remsi %add3A_1399, %rem3A_1406 : i32
        %add3A_1408 = arith.addi %mul3A_1405, %rem3A_1407 : i32
        %dma_start3A_1409 = arith.constant 0 : i32
        %dma_start3A_1410 = tpu.memref_slice %arg7[%add3A_1408, %dma_start3A_1409] : memref<32x128xi32, #tpu.memory_space<vmem>> -> memref<1x128xi32, #tpu.memory_space<vmem>>
        %dma_start3A_1411 = tpu.memref_squeeze %dma_start3A_1410 : memref<1x128xi32, #tpu.memory_space<vmem>> -> memref<128xi32, #tpu.memory_space<vmem>>
        %dma_start3A_1412 = arith.constant 0 : i32
        %dma_start3A_1413 = arith.constant 0 : i32
        %dma_start3A_1414 = tpu.memref_slice %arg4[%dma_start3A_1412, %dma_start3A_1413] : memref<20480x64xf32, #tpu.memory_space<hbm>> -> memref<20480x64xf32, #tpu.memory_space<hbm>>
        tpu.enqueue_indirect_dma source(%dma_start3A_1414 : memref<20480x64xf32, #tpu.memory_space<hbm>>) target(%arg14 : memref<128x64xf32, #tpu.memory_space<vmem>>) offsets(%dma_start3A_1411 : memref<128xi32, #tpu.memory_space<vmem>>) semaphore(%arg24 : memref<!tpu.dma_semaphore, #tpu.memory_space<semaphore_mem>>)
      } else {
      }
    }
    %scan3A_440 = arith.constant 20 : i32
    %dma_wait3A_441 = arith.constant 0 : i32
    %dma_wait3A_442 = arith.constant 0 : i32
    %dma_wait3A_443 = tpu.memref_slice %arg4[%dma_wait3A_441, %dma_wait3A_442] : memref<20480x64xf32, #tpu.memory_space<hbm>> -> memref<128x64xf32, #tpu.memory_space<hbm>>
    %dma_wait3A_444 = arith.constant 0 : i32
    %dma_wait3A_445 = arith.constant 0 : i32
    %dma_wait3A_446 = tpu.memref_slice %arg4[%dma_wait3A_444, %dma_wait3A_445] : memref<20480x64xf32, #tpu.memory_space<hbm>> -> memref<128x64xf32, #tpu.memory_space<hbm>>
    tpu.wait_dma2 semaphore(%arg29 : memref<!tpu.dma_semaphore, #tpu.memory_space<semaphore_mem>>) src(%dma_wait3A_446 : memref<128x64xf32, #tpu.memory_space<hbm>>) dst(%arg11 : memref<128x64xf32, #tpu.memory_space<vmem>>)
    %dma_wait3A_447 = arith.constant 0 : i32
    %dma_wait3A_448 = arith.constant 0 : i32
    %dma_wait3A_449 = tpu.memref_slice %arg4[%dma_wait3A_447, %dma_wait3A_448] : memref<20480x64xf32, #tpu.memory_space<hbm>> -> memref<128x64xf32, #tpu.memory_space<hbm>>
    %dma_wait3A_450 = arith.constant 0 : i32
    %dma_wait3A_451 = arith.constant 0 : i32
    %dma_wait3A_452 = tpu.memref_slice %arg4[%dma_wait3A_450, %dma_wait3A_451] : memref<20480x64xf32, #tpu.memory_space<hbm>> -> memref<128x64xf32, #tpu.memory_space<hbm>>
    tpu.wait_dma2 semaphore(%arg30 : memref<!tpu.dma_semaphore, #tpu.memory_space<semaphore_mem>>) src(%dma_wait3A_452 : memref<128x64xf32, #tpu.memory_space<hbm>>) dst(%arg12 : memref<128x64xf32, #tpu.memory_space<vmem>>)
    %dma_wait3A_453 = arith.constant 0 : i32
    %dma_wait3A_454 = arith.constant 0 : i32
    %dma_wait3A_455 = tpu.memref_slice %arg4[%dma_wait3A_453, %dma_wait3A_454] : memref<20480x64xf32, #tpu.memory_space<hbm>> -> memref<128x64xf32, #tpu.memory_space<hbm>>
    %dma_wait3A_456 = arith.constant 0 : i32
    %dma_wait3A_457 = arith.constant 0 : i32
    %dma_wait3A_458 = tpu.memref_slice %arg4[%dma_wait3A_456, %dma_wait3A_457] : memref<20480x64xf32, #tpu.memory_space<hbm>> -> memref<128x64xf32, #tpu.memory_space<hbm>>
    tpu.wait_dma2 semaphore(%arg31 : memref<!tpu.dma_semaphore, #tpu.memory_space<semaphore_mem>>) src(%dma_wait3A_458 : memref<128x64xf32, #tpu.memory_space<hbm>>) dst(%arg13 : memref<128x64xf32, #tpu.memory_space<vmem>>)
    %dma_wait3A_459 = arith.constant 0 : i32
    %dma_wait3A_460 = arith.constant 0 : i32
    %dma_wait3A_461 = tpu.memref_slice %arg4[%dma_wait3A_459, %dma_wait3A_460] : memref<20480x64xf32, #tpu.memory_space<hbm>> -> memref<128x64xf32, #tpu.memory_space<hbm>>
    %dma_wait3A_462 = arith.constant 0 : i32
    %dma_wait3A_463 = arith.constant 0 : i32
    %dma_wait3A_464 = tpu.memref_slice %arg4[%dma_wait3A_462, %dma_wait3A_463] : memref<20480x64xf32, #tpu.memory_space<hbm>> -> memref<128x64xf32, #tpu.memory_space<hbm>>
    tpu.wait_dma2 semaphore(%arg32 : memref<!tpu.dma_semaphore, #tpu.memory_space<semaphore_mem>>) src(%dma_wait3A_464 : memref<128x64xf32, #tpu.memory_space<hbm>>) dst(%arg14 : memref<128x64xf32, #tpu.memory_space<vmem>>)
    %dma_wait3A_465 = arith.constant 0 : i32
    %dma_wait3A_466 = arith.constant 0 : i32
    %dma_wait3A_467 = tpu.memref_slice %arg4[%dma_wait3A_465, %dma_wait3A_466] : memref<20480x64xf32, #tpu.memory_space<hbm>> -> memref<128x64xf32, #tpu.memory_space<hbm>>
    %dma_wait3A_468 = arith.constant 0 : i32
    %dma_wait3A_469 = arith.constant 0 : i32
    %dma_wait3A_470 = tpu.memref_slice %arg4[%dma_wait3A_468, %dma_wait3A_469] : memref<20480x64xf32, #tpu.memory_space<hbm>> -> memref<128x64xf32, #tpu.memory_space<hbm>>
    tpu.wait_dma2 semaphore(%arg33 : memref<!tpu.dma_semaphore, #tpu.memory_space<semaphore_mem>>) src(%dma_wait3A_470 : memref<128x64xf32, #tpu.memory_space<hbm>>) dst(%arg15 : memref<128x64xf32, #tpu.memory_space<vmem>>)
    %dma_wait3A_471 = arith.constant 0 : i32
    %dma_wait3A_472 = arith.constant 0 : i32
    %dma_wait3A_473 = tpu.memref_slice %arg4[%dma_wait3A_471, %dma_wait3A_472] : memref<20480x64xf32, #tpu.memory_space<hbm>> -> memref<128x64xf32, #tpu.memory_space<hbm>>
    %dma_wait3A_474 = arith.constant 0 : i32
    %dma_wait3A_475 = arith.constant 0 : i32
    %dma_wait3A_476 = tpu.memref_slice %arg4[%dma_wait3A_474, %dma_wait3A_475] : memref<20480x64xf32, #tpu.memory_space<hbm>> -> memref<128x64xf32, #tpu.memory_space<hbm>>
    tpu.wait_dma2 semaphore(%arg34 : memref<!tpu.dma_semaphore, #tpu.memory_space<semaphore_mem>>) src(%dma_wait3A_476 : memref<128x64xf32, #tpu.memory_space<hbm>>) dst(%arg16 : memref<128x64xf32, #tpu.memory_space<vmem>>)
    %dma_wait3A_477 = arith.constant 0 : i32
    %dma_wait3A_478 = arith.constant 0 : i32
    %dma_wait3A_479 = tpu.memref_slice %arg4[%dma_wait3A_477, %dma_wait3A_478] : memref<20480x64xf32, #tpu.memory_space<hbm>> -> memref<128x64xf32, #tpu.memory_space<hbm>>
    %dma_wait3A_480 = arith.constant 0 : i32
    %dma_wait3A_481 = arith.constant 0 : i32
    %dma_wait3A_482 = tpu.memref_slice %arg4[%dma_wait3A_480, %dma_wait3A_481] : memref<20480x64xf32, #tpu.memory_space<hbm>> -> memref<128x64xf32, #tpu.memory_space<hbm>>
    tpu.wait_dma2 semaphore(%arg35 : memref<!tpu.dma_semaphore, #tpu.memory_space<semaphore_mem>>) src(%dma_wait3A_482 : memref<128x64xf32, #tpu.memory_space<hbm>>) dst(%arg17 : memref<128x64xf32, #tpu.memory_space<vmem>>)
    %dma_wait3A_483 = arith.constant 0 : i32
    %dma_wait3A_484 = arith.constant 0 : i32
    %dma_wait3A_485 = tpu.memref_slice %arg4[%dma_wait3A_483, %dma_wait3A_484] : memref<20480x64xf32, #tpu.memory_space<hbm>> -> memref<128x64xf32, #tpu.memory_space<hbm>>
    %dma_wait3A_486 = arith.constant 0 : i32
    %dma_wait3A_487 = arith.constant 0 : i32
    %dma_wait3A_488 = tpu.memref_slice %arg4[%dma_wait3A_486, %dma_wait3A_487] : memref<20480x64xf32, #tpu.memory_space<hbm>> -> memref<128x64xf32, #tpu.memory_space<hbm>>
    tpu.wait_dma2 semaphore(%arg36 : memref<!tpu.dma_semaphore, #tpu.memory_space<semaphore_mem>>) src(%dma_wait3A_488 : memref<128x64xf32, #tpu.memory_space<hbm>>) dst(%arg18 : memref<128x64xf32, #tpu.memory_space<vmem>>)
    "tpu.region"() ({
      %run_scoped3A = tpu.sem_alloc : memref<!tpu.dma_semaphore, #tpu.memory_space<semaphore_mem>>
      %dma_start3A_547 = arith.constant 0 : i32
      %dma_start3A_548 = arith.constant 0 : i32
      %dma_start3A_549 = tpu.memref_slice %arg20[%dma_start3A_547, %dma_start3A_548] : memref<80x128xf32, #tpu.memory_space<vmem_shared>> -> memref<80x128xf32, #tpu.memory_space<vmem_shared>>
      tpu.enqueue_indirect_dma source(%arg8 : memref<80x128xf32, #tpu.memory_space<vmem>>) target(%dma_start3A_549 : memref<80x128xf32, #tpu.memory_space<vmem_shared>>) offsets(%arg10 : memref<80xi32, #tpu.memory_space<vmem>>) semaphore(%run_scoped3A : memref<!tpu.dma_semaphore, #tpu.memory_space<semaphore_mem>>) {add = true}
      %dma_wait3A_550 = arith.constant 0 : i32
      %dma_wait3A_551 = arith.constant 0 : i32
      %dma_wait3A_552 = tpu.memref_slice %arg20[%dma_wait3A_550, %dma_wait3A_551] : memref<80x128xf32, #tpu.memory_space<vmem_shared>> -> memref<80x128xf32, #tpu.memory_space<vmem_shared>>
      tpu.wait_indirect_dma semaphore(%run_scoped3A : memref<!tpu.dma_semaphore, #tpu.memory_space<semaphore_mem>>) src(%arg8 : memref<80x128xf32, #tpu.memory_space<vmem>>) dst(%dma_wait3A_552 : memref<80x128xf32, #tpu.memory_space<vmem_shared>>)
      tpu.yield
    }) : () -> ()
    %barrier3A_489 = arith.constant 0 : index
    tpu.barrier barrier_id(%barrier3A_489)
    %mul3A_490 = arith.constant 5 : i32
    %mul3A_491 = arith.muli %arg1, %mul3A_490 : i32
    "tpu.region"() ({
      %run_scoped3A = tpu.sem_alloc : memref<!tpu.dma_semaphore, #tpu.memory_space<semaphore_mem>>
      %dma_start3A_547 = arith.constant 0 : i32
      %dma_start3A_548 = tpu.memref_slice %arg20[%mul3A_491, %dma_start3A_547] : memref<80x128xf32, #tpu.memory_space<vmem_shared>> -> memref<5x128xf32, #tpu.memory_space<vmem_shared>>
      %dma_start3A_549 = arith.constant 0 : i32
      %dma_start3A_550 = tpu.memref_slice %arg20[%mul3A_491, %dma_start3A_549] : memref<80x128xf32, #tpu.memory_space<vmem_shared>> -> memref<5x128xf32, #tpu.memory_space<vmem_shared>>
      tpu.enqueue_dma source(%dma_start3A_550 : memref<5x128xf32, #tpu.memory_space<vmem_shared>>) target(%arg9 : memref<5x128xf32, #tpu.memory_space<vmem>>) target_semaphore(%run_scoped3A : memref<!tpu.dma_semaphore, #tpu.memory_space<semaphore_mem>>)
      %dma_wait3A_551 = arith.constant 0 : i32
      %dma_wait3A_552 = tpu.memref_slice %arg20[%mul3A_491, %dma_wait3A_551] : memref<80x128xf32, #tpu.memory_space<vmem_shared>> -> memref<5x128xf32, #tpu.memory_space<vmem_shared>>
      %dma_wait3A_553 = arith.constant 0 : i32
      %dma_wait3A_554 = tpu.memref_slice %arg20[%mul3A_491, %dma_wait3A_553] : memref<80x128xf32, #tpu.memory_space<vmem_shared>> -> memref<5x128xf32, #tpu.memory_space<vmem_shared>>
      tpu.wait_dma2 semaphore(%run_scoped3A : memref<!tpu.dma_semaphore, #tpu.memory_space<semaphore_mem>>) src(%dma_wait3A_554 : memref<5x128xf32, #tpu.memory_space<vmem_shared>>) dst(%arg9 : memref<5x128xf32, #tpu.memory_space<vmem>>)
      tpu.yield
    }) : () -> ()
    %add3A_492 = arith.constant 0 : i32
    %add3A_493 = arith.addi %mul3A_281, %add3A_492 : i32
    "tpu.region"() ({
      %run_scoped3A = tpu.sem_alloc : memref<!tpu.dma_semaphore, #tpu.memory_space<semaphore_mem>>
      %dma_start3A_547 = arith.constant 0 : i32
      %dma_start3A_548 = tpu.memref_slice %arg19[%add3A_493, %dma_start3A_547] : memref<10240x64xf32, #tpu.memory_space<vmem_shared>> -> memref<128x64xf32, #tpu.memory_space<vmem_shared>>
      %dma_start3A_549 = arith.constant 0 : i32
      %dma_start3A_550 = tpu.memref_slice %arg19[%add3A_493, %dma_start3A_549] : memref<10240x64xf32, #tpu.memory_space<vmem_shared>> -> memref<128x64xf32, #tpu.memory_space<vmem_shared>>
      tpu.enqueue_dma source(%dma_start3A_550 : memref<128x64xf32, #tpu.memory_space<vmem_shared>>) target(%arg11 : memref<128x64xf32, #tpu.memory_space<vmem>>) target_semaphore(%run_scoped3A : memref<!tpu.dma_semaphore, #tpu.memory_space<semaphore_mem>>)
      %dma_wait3A_551 = arith.constant 0 : i32
      %dma_wait3A_552 = tpu.memref_slice %arg19[%add3A_493, %dma_wait3A_551] : memref<10240x64xf32, #tpu.memory_space<vmem_shared>> -> memref<128x64xf32, #tpu.memory_space<vmem_shared>>
      %dma_wait3A_553 = arith.constant 0 : i32
      %dma_wait3A_554 = tpu.memref_slice %arg19[%add3A_493, %dma_wait3A_553] : memref<10240x64xf32, #tpu.memory_space<vmem_shared>> -> memref<128x64xf32, #tpu.memory_space<vmem_shared>>
      tpu.wait_dma2 semaphore(%run_scoped3A : memref<!tpu.dma_semaphore, #tpu.memory_space<semaphore_mem>>) src(%dma_wait3A_554 : memref<128x64xf32, #tpu.memory_space<vmem_shared>>) dst(%arg11 : memref<128x64xf32, #tpu.memory_space<vmem>>)
      tpu.yield
    }) : () -> ()
    %broadcast_in_dim3A_494 = arith.constant 0 : i32
    %broadcast_in_dim3A_495 = vector.broadcast %broadcast_in_dim3A_494 : i32 to vector<16xi32>
    %scan3A_496 = arith.constant 0 : i32
    %scan3A_497 = arith.constant 0 : i32
    %scan3A_498 = arith.constant 128 : i32
    %scan3A_499 = arith.addi %scan3A_497, %scan3A_498 : i32
    %scan3A_500 = arith.constant 1 : i32
    scf.for %scan3A_547 = %scan3A_497 to %scan3A_499 step %scan3A_500  : i32 {
      %broadcast_in_dim3A_548 = arith.constant 0 : i32
      %broadcast_in_dim3A_549 = vector.broadcast %broadcast_in_dim3A_548 : i32 to vector<16xi32>
      %add3A_550 = vector.broadcast %scan3A_547 : i32 to vector<16xi32>
      %add3A_551 = arith.addi %broadcast_in_dim3A_549, %add3A_550 : vector<16xi32>
      %gather3A = tpu.vector_load_idx %arg9[%broadcast_in_dim3A_495, %add3A_551] : memref<5x128xf32, #tpu.memory_space<vmem>>[vector<16xi32>, vector<16xi32>], vector<16xf32>,
      %eq3A = arith.constant 0.000000e+00 : f32
      %eq3A_552 = vector.broadcast %eq3A : f32 to vector<16xf32>
      %eq3A_553 = arith.cmpf oeq, %gather3A, %eq3A_552 : vector<16xf32>
      %jit3A = arith.constant 1.000000e+00 : f32
      %broadcast_in_dim3A_554 = vector.broadcast %jit3A : f32 to vector<16xf32>
      %select_n3A = arith.select %eq3A_553, %broadcast_in_dim3A_554, %gather3A : vector<16xi1>, vector<16xf32>
      %get3A = arith.index_cast %scan3A_547 : i32 to index
      %get3A_555 = arith.constant 0 : index
      %get3A_556 = tpu.vector_load %arg11[%get3A, %get3A_555] {strides = array<i32>} : memref<128x64xf32, #tpu.memory_space<vmem>>, vector<16xf32>,
      %div3A_557 = arith.divf %get3A_556, %select_n3A : vector<16xf32>
      %swap3A_558 = arith.index_cast %scan3A_547 : i32 to index
      %swap3A_559 = arith.constant 0 : index
      %swap3A_560 = tpu.vector_load %arg11[%swap3A_558, %swap3A_559] {strides = array<i32>} : memref<128x64xf32, #tpu.memory_space<vmem>>, vector<16xf32>,
      tpu.vector_store %arg11[%swap3A_558, %swap3A_559], %div3A_557 {strides = array<i32>} : memref<128x64xf32, #tpu.memory_space<vmem>>, vector<16xf32>,
      %get3A_561 = arith.index_cast %scan3A_547 : i32 to index
      %get3A_562 = arith.constant 16 : index
      %get3A_563 = tpu.vector_load %arg11[%get3A_561, %get3A_562] {strides = array<i32>} : memref<128x64xf32, #tpu.memory_space<vmem>>, vector<16xf32>,
      %div3A_564 = arith.divf %get3A_563, %select_n3A : vector<16xf32>
      %swap3A_565 = arith.index_cast %scan3A_547 : i32 to index
      %swap3A_566 = arith.constant 16 : index
      %swap3A_567 = tpu.vector_load %arg11[%swap3A_565, %swap3A_566] {strides = array<i32>} : memref<128x64xf32, #tpu.memory_space<vmem>>, vector<16xf32>,
      tpu.vector_store %arg11[%swap3A_565, %swap3A_566], %div3A_564 {strides = array<i32>} : memref<128x64xf32, #tpu.memory_space<vmem>>, vector<16xf32>,
      %get3A_568 = arith.index_cast %scan3A_547 : i32 to index
      %get3A_569 = arith.constant 32 : index
      %get3A_570 = tpu.vector_load %arg11[%get3A_568, %get3A_569] {strides = array<i32>} : memref<128x64xf32, #tpu.memory_space<vmem>>, vector<16xf32>,
      %div3A_571 = arith.divf %get3A_570, %select_n3A : vector<16xf32>
      %swap3A_572 = arith.index_cast %scan3A_547 : i32 to index
      %swap3A_573 = arith.constant 32 : index
      %swap3A_574 = tpu.vector_load %arg11[%swap3A_572, %swap3A_573] {strides = array<i32>} : memref<128x64xf32, #tpu.memory_space<vmem>>, vector<16xf32>,
      tpu.vector_store %arg11[%swap3A_572, %swap3A_573], %div3A_571 {strides = array<i32>} : memref<128x64xf32, #tpu.memory_space<vmem>>, vector<16xf32>,
      %get3A_575 = arith.index_cast %scan3A_547 : i32 to index
      %get3A_576 = arith.constant 48 : index
      %get3A_577 = tpu.vector_load %arg11[%get3A_575, %get3A_576] {strides = array<i32>} : memref<128x64xf32, #tpu.memory_space<vmem>>, vector<16xf32>,
      %div3A_578 = arith.divf %get3A_577, %select_n3A : vector<16xf32>
      %swap3A_579 = arith.index_cast %scan3A_547 : i32 to index
      %swap3A_580 = arith.constant 48 : index
      %swap3A_581 = tpu.vector_load %arg11[%swap3A_579, %swap3A_580] {strides = array<i32>} : memref<128x64xf32, #tpu.memory_space<vmem>>, vector<16xf32>,
      tpu.vector_store %arg11[%swap3A_579, %swap3A_580], %div3A_578 {strides = array<i32>} : memref<128x64xf32, #tpu.memory_space<vmem>>, vector<16xf32>,
    }
    %scan3A_501 = arith.constant 128 : i32
    %add3A_502 = arith.addi %mul3A_0, %add3A_493 : i32
    "tpu.region"() ({
      %run_scoped3A = tpu.sem_alloc : memref<!tpu.dma_semaphore, #tpu.memory_space<semaphore_mem>>
      %dma_start3A_547 = arith.constant 0 : i32
      %dma_start3A_548 = tpu.memref_slice %arg5[%add3A_502, %dma_start3A_547] : memref<20480x64xf32, #tpu.memory_space<hbm>> -> memref<128x64xf32, #tpu.memory_space<hbm>>
      %dma_start3A_549 = arith.constant 0 : i32
      %dma_start3A_550 = tpu.memref_slice %arg5[%add3A_502, %dma_start3A_549] : memref<20480x64xf32, #tpu.memory_space<hbm>> -> memref<128x64xf32, #tpu.memory_space<hbm>>
      tpu.enqueue_dma source(%arg11 : memref<128x64xf32, #tpu.memory_space<vmem>>) target(%dma_start3A_550 : memref<128x64xf32, #tpu.memory_space<hbm>>) target_semaphore(%run_scoped3A : memref<!tpu.dma_semaphore, #tpu.memory_space<semaphore_mem>>)
      %dma_wait3A_551 = arith.constant 0 : i32
      %dma_wait3A_552 = tpu.memref_slice %arg5[%add3A_502, %dma_wait3A_551] : memref<20480x64xf32, #tpu.memory_space<hbm>> -> memref<128x64xf32, #tpu.memory_space<hbm>>
      %dma_wait3A_553 = arith.constant 0 : i32
      %dma_wait3A_554 = tpu.memref_slice %arg5[%add3A_502, %dma_wait3A_553] : memref<20480x64xf32, #tpu.memory_space<hbm>> -> memref<128x64xf32, #tpu.memory_space<hbm>>
      tpu.wait_dma2 semaphore(%run_scoped3A : memref<!tpu.dma_semaphore, #tpu.memory_space<semaphore_mem>>) src(%arg11 : memref<128x64xf32, #tpu.memory_space<vmem>>) dst(%dma_wait3A_554 : memref<128x64xf32, #tpu.memory_space<hbm>>)
      tpu.yield
    }) : () -> ()
    %add3A_503 = arith.constant 128 : i32
    %add3A_504 = arith.addi %mul3A_281, %add3A_503 : i32
    "tpu.region"() ({
      %run_scoped3A = tpu.sem_alloc : memref<!tpu.dma_semaphore, #tpu.memory_space<semaphore_mem>>
      %dma_start3A_547 = arith.constant 0 : i32
      %dma_start3A_548 = tpu.memref_slice %arg19[%add3A_504, %dma_start3A_547] : memref<10240x64xf32, #tpu.memory_space<vmem_shared>> -> memref<128x64xf32, #tpu.memory_space<vmem_shared>>
      %dma_start3A_549 = arith.constant 0 : i32
      %dma_start3A_550 = tpu.memref_slice %arg19[%add3A_504, %dma_start3A_549] : memref<10240x64xf32, #tpu.memory_space<vmem_shared>> -> memref<128x64xf32, #tpu.memory_space<vmem_shared>>
      tpu.enqueue_dma source(%dma_start3A_550 : memref<128x64xf32, #tpu.memory_space<vmem_shared>>) target(%arg11 : memref<128x64xf32, #tpu.memory_space<vmem>>) target_semaphore(%run_scoped3A : memref<!tpu.dma_semaphore, #tpu.memory_space<semaphore_mem>>)
      %dma_wait3A_551 = arith.constant 0 : i32
      %dma_wait3A_552 = tpu.memref_slice %arg19[%add3A_504, %dma_wait3A_551] : memref<10240x64xf32, #tpu.memory_space<vmem_shared>> -> memref<128x64xf32, #tpu.memory_space<vmem_shared>>
      %dma_wait3A_553 = arith.constant 0 : i32
      %dma_wait3A_554 = tpu.memref_slice %arg19[%add3A_504, %dma_wait3A_553] : memref<10240x64xf32, #tpu.memory_space<vmem_shared>> -> memref<128x64xf32, #tpu.memory_space<vmem_shared>>
      tpu.wait_dma2 semaphore(%run_scoped3A : memref<!tpu.dma_semaphore, #tpu.memory_space<semaphore_mem>>) src(%dma_wait3A_554 : memref<128x64xf32, #tpu.memory_space<vmem_shared>>) dst(%arg11 : memref<128x64xf32, #tpu.memory_space<vmem>>)
      tpu.yield
    }) : () -> ()
    %broadcast_in_dim3A_505 = arith.constant 1 : i32
    %broadcast_in_dim3A_506 = vector.broadcast %broadcast_in_dim3A_505 : i32 to vector<16xi32>
    %scan3A_507 = arith.constant 0 : i32
    %scan3A_508 = arith.constant 0 : i32
    %scan3A_509 = arith.constant 128 : i32
    %scan3A_510 = arith.addi %scan3A_508, %scan3A_509 : i32
    %scan3A_511 = arith.constant 1 : i32
    scf.for %scan3A_547 = %scan3A_508 to %scan3A_510 step %scan3A_511  : i32 {
      %broadcast_in_dim3A_548 = arith.constant 0 : i32
      %broadcast_in_dim3A_549 = vector.broadcast %broadcast_in_dim3A_548 : i32 to vector<16xi32>
      %add3A_550 = vector.broadcast %scan3A_547 : i32 to vector<16xi32>
      %add3A_551 = arith.addi %broadcast_in_dim3A_549, %add3A_550 : vector<16xi32>
      %gather3A = tpu.vector_load_idx %arg9[%broadcast_in_dim3A_506, %add3A_551] : memref<5x128xf32, #tpu.memory_space<vmem>>[vector<16xi32>, vector<16xi32>], vector<16xf32>,
      %eq3A = arith.constant 0.000000e+00 : f32
      %eq3A_552 = vector.broadcast %eq3A : f32 to vector<16xf32>
      %eq3A_553 = arith.cmpf oeq, %gather3A, %eq3A_552 : vector<16xf32>
      %jit3A = arith.constant 1.000000e+00 : f32
      %broadcast_in_dim3A_554 = vector.broadcast %jit3A : f32 to vector<16xf32>
      %select_n3A = arith.select %eq3A_553, %broadcast_in_dim3A_554, %gather3A : vector<16xi1>, vector<16xf32>
      %get3A = arith.index_cast %scan3A_547 : i32 to index
      %get3A_555 = arith.constant 0 : index
      %get3A_556 = tpu.vector_load %arg11[%get3A, %get3A_555] {strides = array<i32>} : memref<128x64xf32, #tpu.memory_space<vmem>>, vector<16xf32>,
      %div3A_557 = arith.divf %get3A_556, %select_n3A : vector<16xf32>
      %swap3A_558 = arith.index_cast %scan3A_547 : i32 to index
      %swap3A_559 = arith.constant 0 : index
      %swap3A_560 = tpu.vector_load %arg11[%swap3A_558, %swap3A_559] {strides = array<i32>} : memref<128x64xf32, #tpu.memory_space<vmem>>, vector<16xf32>,
      tpu.vector_store %arg11[%swap3A_558, %swap3A_559], %div3A_557 {strides = array<i32>} : memref<128x64xf32, #tpu.memory_space<vmem>>, vector<16xf32>,
      %get3A_561 = arith.index_cast %scan3A_547 : i32 to index
      %get3A_562 = arith.constant 16 : index
      %get3A_563 = tpu.vector_load %arg11[%get3A_561, %get3A_562] {strides = array<i32>} : memref<128x64xf32, #tpu.memory_space<vmem>>, vector<16xf32>,
      %div3A_564 = arith.divf %get3A_563, %select_n3A : vector<16xf32>
      %swap3A_565 = arith.index_cast %scan3A_547 : i32 to index
      %swap3A_566 = arith.constant 16 : index
      %swap3A_567 = tpu.vector_load %arg11[%swap3A_565, %swap3A_566] {strides = array<i32>} : memref<128x64xf32, #tpu.memory_space<vmem>>, vector<16xf32>,
      tpu.vector_store %arg11[%swap3A_565, %swap3A_566], %div3A_564 {strides = array<i32>} : memref<128x64xf32, #tpu.memory_space<vmem>>, vector<16xf32>,
      %get3A_568 = arith.index_cast %scan3A_547 : i32 to index
      %get3A_569 = arith.constant 32 : index
      %get3A_570 = tpu.vector_load %arg11[%get3A_568, %get3A_569] {strides = array<i32>} : memref<128x64xf32, #tpu.memory_space<vmem>>, vector<16xf32>,
      %div3A_571 = arith.divf %get3A_570, %select_n3A : vector<16xf32>
      %swap3A_572 = arith.index_cast %scan3A_547 : i32 to index
      %swap3A_573 = arith.constant 32 : index
      %swap3A_574 = tpu.vector_load %arg11[%swap3A_572, %swap3A_573] {strides = array<i32>} : memref<128x64xf32, #tpu.memory_space<vmem>>, vector<16xf32>,
      tpu.vector_store %arg11[%swap3A_572, %swap3A_573], %div3A_571 {strides = array<i32>} : memref<128x64xf32, #tpu.memory_space<vmem>>, vector<16xf32>,
      %get3A_575 = arith.index_cast %scan3A_547 : i32 to index
      %get3A_576 = arith.constant 48 : index
      %get3A_577 = tpu.vector_load %arg11[%get3A_575, %get3A_576] {strides = array<i32>} : memref<128x64xf32, #tpu.memory_space<vmem>>, vector<16xf32>,
      %div3A_578 = arith.divf %get3A_577, %select_n3A : vector<16xf32>
      %swap3A_579 = arith.index_cast %scan3A_547 : i32 to index
      %swap3A_580 = arith.constant 48 : index
      %swap3A_581 = tpu.vector_load %arg11[%swap3A_579, %swap3A_580] {strides = array<i32>} : memref<128x64xf32, #tpu.memory_space<vmem>>, vector<16xf32>,
      tpu.vector_store %arg11[%swap3A_579, %swap3A_580], %div3A_578 {strides = array<i32>} : memref<128x64xf32, #tpu.memory_space<vmem>>, vector<16xf32>,
    }
    %scan3A_512 = arith.constant 128 : i32
    %add3A_513 = arith.addi %mul3A_0, %add3A_504 : i32
    "tpu.region"() ({
      %run_scoped3A = tpu.sem_alloc : memref<!tpu.dma_semaphore, #tpu.memory_space<semaphore_mem>>
      %dma_start3A_547 = arith.constant 0 : i32
      %dma_start3A_548 = tpu.memref_slice %arg5[%add3A_513, %dma_start3A_547] : memref<20480x64xf32, #tpu.memory_space<hbm>> -> memref<128x64xf32, #tpu.memory_space<hbm>>
      %dma_start3A_549 = arith.constant 0 : i32
      %dma_start3A_550 = tpu.memref_slice %arg5[%add3A_513, %dma_start3A_549] : memref<20480x64xf32, #tpu.memory_space<hbm>> -> memref<128x64xf32, #tpu.memory_space<hbm>>
      tpu.enqueue_dma source(%arg11 : memref<128x64xf32, #tpu.memory_space<vmem>>) target(%dma_start3A_550 : memref<128x64xf32, #tpu.memory_space<hbm>>) target_semaphore(%run_scoped3A : memref<!tpu.dma_semaphore, #tpu.memory_space<semaphore_mem>>)
      %dma_wait3A_551 = arith.constant 0 : i32
      %dma_wait3A_552 = tpu.memref_slice %arg5[%add3A_513, %dma_wait3A_551] : memref<20480x64xf32, #tpu.memory_space<hbm>> -> memref<128x64xf32, #tpu.memory_space<hbm>>
      %dma_wait3A_553 = arith.constant 0 : i32
      %dma_wait3A_554 = tpu.memref_slice %arg5[%add3A_513, %dma_wait3A_553] : memref<20480x64xf32, #tpu.memory_space<hbm>> -> memref<128x64xf32, #tpu.memory_space<hbm>>
      tpu.wait_dma2 semaphore(%run_scoped3A : memref<!tpu.dma_semaphore, #tpu.memory_space<semaphore_mem>>) src(%arg11 : memref<128x64xf32, #tpu.memory_space<vmem>>) dst(%dma_wait3A_554 : memref<128x64xf32, #tpu.memory_space<hbm>>)
      tpu.yield
    }) : () -> ()
    %add3A_514 = arith.constant 256 : i32
    %add3A_515 = arith.addi %mul3A_281, %add3A_514 : i32
    "tpu.region"() ({
      %run_scoped3A = tpu.sem_alloc : memref<!tpu.dma_semaphore, #tpu.memory_space<semaphore_mem>>
      %dma_start3A_547 = arith.constant 0 : i32
      %dma_start3A_548 = tpu.memref_slice %arg19[%add3A_515, %dma_start3A_547] : memref<10240x64xf32, #tpu.memory_space<vmem_shared>> -> memref<128x64xf32, #tpu.memory_space<vmem_shared>>
      %dma_start3A_549 = arith.constant 0 : i32
      %dma_start3A_550 = tpu.memref_slice %arg19[%add3A_515, %dma_start3A_549] : memref<10240x64xf32, #tpu.memory_space<vmem_shared>> -> memref<128x64xf32, #tpu.memory_space<vmem_shared>>
      tpu.enqueue_dma source(%dma_start3A_550 : memref<128x64xf32, #tpu.memory_space<vmem_shared>>) target(%arg11 : memref<128x64xf32, #tpu.memory_space<vmem>>) target_semaphore(%run_scoped3A : memref<!tpu.dma_semaphore, #tpu.memory_space<semaphore_mem>>)
      %dma_wait3A_551 = arith.constant 0 : i32
      %dma_wait3A_552 = tpu.memref_slice %arg19[%add3A_515, %dma_wait3A_551] : memref<10240x64xf32, #tpu.memory_space<vmem_shared>> -> memref<128x64xf32, #tpu.memory_space<vmem_shared>>
      %dma_wait3A_553 = arith.constant 0 : i32
      %dma_wait3A_554 = tpu.memref_slice %arg19[%add3A_515, %dma_wait3A_553] : memref<10240x64xf32, #tpu.memory_space<vmem_shared>> -> memref<128x64xf32, #tpu.memory_space<vmem_shared>>
      tpu.wait_dma2 semaphore(%run_scoped3A : memref<!tpu.dma_semaphore, #tpu.memory_space<semaphore_mem>>) src(%dma_wait3A_554 : memref<128x64xf32, #tpu.memory_space<vmem_shared>>) dst(%arg11 : memref<128x64xf32, #tpu.memory_space<vmem>>)
      tpu.yield
    }) : () -> ()
    %broadcast_in_dim3A_516 = arith.constant 2 : i32
    %broadcast_in_dim3A_517 = vector.broadcast %broadcast_in_dim3A_516 : i32 to vector<16xi32>
    %scan3A_518 = arith.constant 0 : i32
    %scan3A_519 = arith.constant 0 : i32
    %scan3A_520 = arith.constant 128 : i32
    %scan3A_521 = arith.addi %scan3A_519, %scan3A_520 : i32
    %scan3A_522 = arith.constant 1 : i32
    scf.for %scan3A_547 = %scan3A_519 to %scan3A_521 step %scan3A_522  : i32 {
      %broadcast_in_dim3A_548 = arith.constant 0 : i32
      %broadcast_in_dim3A_549 = vector.broadcast %broadcast_in_dim3A_548 : i32 to vector<16xi32>
      %add3A_550 = vector.broadcast %scan3A_547 : i32 to vector<16xi32>
      %add3A_551 = arith.addi %broadcast_in_dim3A_549, %add3A_550 : vector<16xi32>
      %gather3A = tpu.vector_load_idx %arg9[%broadcast_in_dim3A_517, %add3A_551] : memref<5x128xf32, #tpu.memory_space<vmem>>[vector<16xi32>, vector<16xi32>], vector<16xf32>,
      %eq3A = arith.constant 0.000000e+00 : f32
      %eq3A_552 = vector.broadcast %eq3A : f32 to vector<16xf32>
      %eq3A_553 = arith.cmpf oeq, %gather3A, %eq3A_552 : vector<16xf32>
      %jit3A = arith.constant 1.000000e+00 : f32
      %broadcast_in_dim3A_554 = vector.broadcast %jit3A : f32 to vector<16xf32>
      %select_n3A = arith.select %eq3A_553, %broadcast_in_dim3A_554, %gather3A : vector<16xi1>, vector<16xf32>
      %get3A = arith.index_cast %scan3A_547 : i32 to index
      %get3A_555 = arith.constant 0 : index
      %get3A_556 = tpu.vector_load %arg11[%get3A, %get3A_555] {strides = array<i32>} : memref<128x64xf32, #tpu.memory_space<vmem>>, vector<16xf32>,
      %div3A_557 = arith.divf %get3A_556, %select_n3A : vector<16xf32>
      %swap3A_558 = arith.index_cast %scan3A_547 : i32 to index
      %swap3A_559 = arith.constant 0 : index
      %swap3A_560 = tpu.vector_load %arg11[%swap3A_558, %swap3A_559] {strides = array<i32>} : memref<128x64xf32, #tpu.memory_space<vmem>>, vector<16xf32>,
      tpu.vector_store %arg11[%swap3A_558, %swap3A_559], %div3A_557 {strides = array<i32>} : memref<128x64xf32, #tpu.memory_space<vmem>>, vector<16xf32>,
      %get3A_561 = arith.index_cast %scan3A_547 : i32 to index
      %get3A_562 = arith.constant 16 : index
      %get3A_563 = tpu.vector_load %arg11[%get3A_561, %get3A_562] {strides = array<i32>} : memref<128x64xf32, #tpu.memory_space<vmem>>, vector<16xf32>,
      %div3A_564 = arith.divf %get3A_563, %select_n3A : vector<16xf32>
      %swap3A_565 = arith.index_cast %scan3A_547 : i32 to index
      %swap3A_566 = arith.constant 16 : index
      %swap3A_567 = tpu.vector_load %arg11[%swap3A_565, %swap3A_566] {strides = array<i32>} : memref<128x64xf32, #tpu.memory_space<vmem>>, vector<16xf32>,
      tpu.vector_store %arg11[%swap3A_565, %swap3A_566], %div3A_564 {strides = array<i32>} : memref<128x64xf32, #tpu.memory_space<vmem>>, vector<16xf32>,
      %get3A_568 = arith.index_cast %scan3A_547 : i32 to index
      %get3A_569 = arith.constant 32 : index
      %get3A_570 = tpu.vector_load %arg11[%get3A_568, %get3A_569] {strides = array<i32>} : memref<128x64xf32, #tpu.memory_space<vmem>>, vector<16xf32>,
      %div3A_571 = arith.divf %get3A_570, %select_n3A : vector<16xf32>
      %swap3A_572 = arith.index_cast %scan3A_547 : i32 to index
      %swap3A_573 = arith.constant 32 : index
      %swap3A_574 = tpu.vector_load %arg11[%swap3A_572, %swap3A_573] {strides = array<i32>} : memref<128x64xf32, #tpu.memory_space<vmem>>, vector<16xf32>,
      tpu.vector_store %arg11[%swap3A_572, %swap3A_573], %div3A_571 {strides = array<i32>} : memref<128x64xf32, #tpu.memory_space<vmem>>, vector<16xf32>,
      %get3A_575 = arith.index_cast %scan3A_547 : i32 to index
      %get3A_576 = arith.constant 48 : index
      %get3A_577 = tpu.vector_load %arg11[%get3A_575, %get3A_576] {strides = array<i32>} : memref<128x64xf32, #tpu.memory_space<vmem>>, vector<16xf32>,
      %div3A_578 = arith.divf %get3A_577, %select_n3A : vector<16xf32>
      %swap3A_579 = arith.index_cast %scan3A_547 : i32 to index
      %swap3A_580 = arith.constant 48 : index
      %swap3A_581 = tpu.vector_load %arg11[%swap3A_579, %swap3A_580] {strides = array<i32>} : memref<128x64xf32, #tpu.memory_space<vmem>>, vector<16xf32>,
      tpu.vector_store %arg11[%swap3A_579, %swap3A_580], %div3A_578 {strides = array<i32>} : memref<128x64xf32, #tpu.memory_space<vmem>>, vector<16xf32>,
    }
    %scan3A_523 = arith.constant 128 : i32
    %add3A_524 = arith.addi %mul3A_0, %add3A_515 : i32
    "tpu.region"() ({
      %run_scoped3A = tpu.sem_alloc : memref<!tpu.dma_semaphore, #tpu.memory_space<semaphore_mem>>
      %dma_start3A_547 = arith.constant 0 : i32
      %dma_start3A_548 = tpu.memref_slice %arg5[%add3A_524, %dma_start3A_547] : memref<20480x64xf32, #tpu.memory_space<hbm>> -> memref<128x64xf32, #tpu.memory_space<hbm>>
      %dma_start3A_549 = arith.constant 0 : i32
      %dma_start3A_550 = tpu.memref_slice %arg5[%add3A_524, %dma_start3A_549] : memref<20480x64xf32, #tpu.memory_space<hbm>> -> memref<128x64xf32, #tpu.memory_space<hbm>>
      tpu.enqueue_dma source(%arg11 : memref<128x64xf32, #tpu.memory_space<vmem>>) target(%dma_start3A_550 : memref<128x64xf32, #tpu.memory_space<hbm>>) target_semaphore(%run_scoped3A : memref<!tpu.dma_semaphore, #tpu.memory_space<semaphore_mem>>)
      %dma_wait3A_551 = arith.constant 0 : i32
      %dma_wait3A_552 = tpu.memref_slice %arg5[%add3A_524, %dma_wait3A_551] : memref<20480x64xf32, #tpu.memory_space<hbm>> -> memref<128x64xf32, #tpu.memory_space<hbm>>
      %dma_wait3A_553 = arith.constant 0 : i32
      %dma_wait3A_554 = tpu.memref_slice %arg5[%add3A_524, %dma_wait3A_553] : memref<20480x64xf32, #tpu.memory_space<hbm>> -> memref<128x64xf32, #tpu.memory_space<hbm>>
      tpu.wait_dma2 semaphore(%run_scoped3A : memref<!tpu.dma_semaphore, #tpu.memory_space<semaphore_mem>>) src(%arg11 : memref<128x64xf32, #tpu.memory_space<vmem>>) dst(%dma_wait3A_554 : memref<128x64xf32, #tpu.memory_space<hbm>>)
      tpu.yield
    }) : () -> ()
    %add3A_525 = arith.constant 384 : i32
    %add3A_526 = arith.addi %mul3A_281, %add3A_525 : i32
    "tpu.region"() ({
      %run_scoped3A = tpu.sem_alloc : memref<!tpu.dma_semaphore, #tpu.memory_space<semaphore_mem>>
      %dma_start3A_547 = arith.constant 0 : i32
      %dma_start3A_548 = tpu.memref_slice %arg19[%add3A_526, %dma_start3A_547] : memref<10240x64xf32, #tpu.memory_space<vmem_shared>> -> memref<128x64xf32, #tpu.memory_space<vmem_shared>>
      %dma_start3A_549 = arith.constant 0 : i32
      %dma_start3A_550 = tpu.memref_slice %arg19[%add3A_526, %dma_start3A_549] : memref<10240x64xf32, #tpu.memory_space<vmem_shared>> -> memref<128x64xf32, #tpu.memory_space<vmem_shared>>
      tpu.enqueue_dma source(%dma_start3A_550 : memref<128x64xf32, #tpu.memory_space<vmem_shared>>) target(%arg11 : memref<128x64xf32, #tpu.memory_space<vmem>>) target_semaphore(%run_scoped3A : memref<!tpu.dma_semaphore, #tpu.memory_space<semaphore_mem>>)
      %dma_wait3A_551 = arith.constant 0 : i32
      %dma_wait3A_552 = tpu.memref_slice %arg19[%add3A_526, %dma_wait3A_551] : memref<10240x64xf32, #tpu.memory_space<vmem_shared>> -> memref<128x64xf32, #tpu.memory_space<vmem_shared>>
      %dma_wait3A_553 = arith.constant 0 : i32
      %dma_wait3A_554 = tpu.memref_slice %arg19[%add3A_526, %dma_wait3A_553] : memref<10240x64xf32, #tpu.memory_space<vmem_shared>> -> memref<128x64xf32, #tpu.memory_space<vmem_shared>>
      tpu.wait_dma2 semaphore(%run_scoped3A : memref<!tpu.dma_semaphore, #tpu.memory_space<semaphore_mem>>) src(%dma_wait3A_554 : memref<128x64xf32, #tpu.memory_space<vmem_shared>>) dst(%arg11 : memref<128x64xf32, #tpu.memory_space<vmem>>)
      tpu.yield
    }) : () -> ()
    %broadcast_in_dim3A_527 = arith.constant 3 : i32
    %broadcast_in_dim3A_528 = vector.broadcast %broadcast_in_dim3A_527 : i32 to vector<16xi32>
    %scan3A_529 = arith.constant 0 : i32
    %scan3A_530 = arith.constant 0 : i32
    %scan3A_531 = arith.constant 128 : i32
    %scan3A_532 = arith.addi %scan3A_530, %scan3A_531 : i32
    %scan3A_533 = arith.constant 1 : i32
    scf.for %scan3A_547 = %scan3A_530 to %scan3A_532 step %scan3A_533  : i32 {
      %broadcast_in_dim3A_548 = arith.constant 0 : i32
      %broadcast_in_dim3A_549 = vector.broadcast %broadcast_in_dim3A_548 : i32 to vector<16xi32>
      %add3A_550 = vector.broadcast %scan3A_547 : i32 to vector<16xi32>
      %add3A_551 = arith.addi %broadcast_in_dim3A_549, %add3A_550 : vector<16xi32>
      %gather3A = tpu.vector_load_idx %arg9[%broadcast_in_dim3A_528, %add3A_551] : memref<5x128xf32, #tpu.memory_space<vmem>>[vector<16xi32>, vector<16xi32>], vector<16xf32>,
      %eq3A = arith.constant 0.000000e+00 : f32
      %eq3A_552 = vector.broadcast %eq3A : f32 to vector<16xf32>
      %eq3A_553 = arith.cmpf oeq, %gather3A, %eq3A_552 : vector<16xf32>
      %jit3A = arith.constant 1.000000e+00 : f32
      %broadcast_in_dim3A_554 = vector.broadcast %jit3A : f32 to vector<16xf32>
      %select_n3A = arith.select %eq3A_553, %broadcast_in_dim3A_554, %gather3A : vector<16xi1>, vector<16xf32>
      %get3A = arith.index_cast %scan3A_547 : i32 to index
      %get3A_555 = arith.constant 0 : index
      %get3A_556 = tpu.vector_load %arg11[%get3A, %get3A_555] {strides = array<i32>} : memref<128x64xf32, #tpu.memory_space<vmem>>, vector<16xf32>,
      %div3A_557 = arith.divf %get3A_556, %select_n3A : vector<16xf32>
      %swap3A_558 = arith.index_cast %scan3A_547 : i32 to index
      %swap3A_559 = arith.constant 0 : index
      %swap3A_560 = tpu.vector_load %arg11[%swap3A_558, %swap3A_559] {strides = array<i32>} : memref<128x64xf32, #tpu.memory_space<vmem>>, vector<16xf32>,
      tpu.vector_store %arg11[%swap3A_558, %swap3A_559], %div3A_557 {strides = array<i32>} : memref<128x64xf32, #tpu.memory_space<vmem>>, vector<16xf32>,
      %get3A_561 = arith.index_cast %scan3A_547 : i32 to index
      %get3A_562 = arith.constant 16 : index
      %get3A_563 = tpu.vector_load %arg11[%get3A_561, %get3A_562] {strides = array<i32>} : memref<128x64xf32, #tpu.memory_space<vmem>>, vector<16xf32>,
      %div3A_564 = arith.divf %get3A_563, %select_n3A : vector<16xf32>
      %swap3A_565 = arith.index_cast %scan3A_547 : i32 to index
      %swap3A_566 = arith.constant 16 : index
      %swap3A_567 = tpu.vector_load %arg11[%swap3A_565, %swap3A_566] {strides = array<i32>} : memref<128x64xf32, #tpu.memory_space<vmem>>, vector<16xf32>,
      tpu.vector_store %arg11[%swap3A_565, %swap3A_566], %div3A_564 {strides = array<i32>} : memref<128x64xf32, #tpu.memory_space<vmem>>, vector<16xf32>,
      %get3A_568 = arith.index_cast %scan3A_547 : i32 to index
      %get3A_569 = arith.constant 32 : index
      %get3A_570 = tpu.vector_load %arg11[%get3A_568, %get3A_569] {strides = array<i32>} : memref<128x64xf32, #tpu.memory_space<vmem>>, vector<16xf32>,
      %div3A_571 = arith.divf %get3A_570, %select_n3A : vector<16xf32>
      %swap3A_572 = arith.index_cast %scan3A_547 : i32 to index
      %swap3A_573 = arith.constant 32 : index
      %swap3A_574 = tpu.vector_load %arg11[%swap3A_572, %swap3A_573] {strides = array<i32>} : memref<128x64xf32, #tpu.memory_space<vmem>>, vector<16xf32>,
      tpu.vector_store %arg11[%swap3A_572, %swap3A_573], %div3A_571 {strides = array<i32>} : memref<128x64xf32, #tpu.memory_space<vmem>>, vector<16xf32>,
      %get3A_575 = arith.index_cast %scan3A_547 : i32 to index
      %get3A_576 = arith.constant 48 : index
      %get3A_577 = tpu.vector_load %arg11[%get3A_575, %get3A_576] {strides = array<i32>} : memref<128x64xf32, #tpu.memory_space<vmem>>, vector<16xf32>,
      %div3A_578 = arith.divf %get3A_577, %select_n3A : vector<16xf32>
      %swap3A_579 = arith.index_cast %scan3A_547 : i32 to index
      %swap3A_580 = arith.constant 48 : index
      %swap3A_581 = tpu.vector_load %arg11[%swap3A_579, %swap3A_580] {strides = array<i32>} : memref<128x64xf32, #tpu.memory_space<vmem>>, vector<16xf32>,
      tpu.vector_store %arg11[%swap3A_579, %swap3A_580], %div3A_578 {strides = array<i32>} : memref<128x64xf32, #tpu.memory_space<vmem>>, vector<16xf32>,
    }
    %scan3A_534 = arith.constant 128 : i32
    %add3A_535 = arith.addi %mul3A_0, %add3A_526 : i32
    "tpu.region"() ({
      %run_scoped3A = tpu.sem_alloc : memref<!tpu.dma_semaphore, #tpu.memory_space<semaphore_mem>>
      %dma_start3A_547 = arith.constant 0 : i32
      %dma_start3A_548 = tpu.memref_slice %arg5[%add3A_535, %dma_start3A_547] : memref<20480x64xf32, #tpu.memory_space<hbm>> -> memref<128x64xf32, #tpu.memory_space<hbm>>
      %dma_start3A_549 = arith.constant 0 : i32
      %dma_start3A_550 = tpu.memref_slice %arg5[%add3A_535, %dma_start3A_549] : memref<20480x64xf32, #tpu.memory_space<hbm>> -> memref<128x64xf32, #tpu.memory_space<hbm>>
      tpu.enqueue_dma source(%arg11 : memref<128x64xf32, #tpu.memory_space<vmem>>) target(%dma_start3A_550 : memref<128x64xf32, #tpu.memory_space<hbm>>) target_semaphore(%run_scoped3A : memref<!tpu.dma_semaphore, #tpu.memory_space<semaphore_mem>>)
      %dma_wait3A_551 = arith.constant 0 : i32
      %dma_wait3A_552 = tpu.memref_slice %arg5[%add3A_535, %dma_wait3A_551] : memref<20480x64xf32, #tpu.memory_space<hbm>> -> memref<128x64xf32, #tpu.memory_space<hbm>>
      %dma_wait3A_553 = arith.constant 0 : i32
      %dma_wait3A_554 = tpu.memref_slice %arg5[%add3A_535, %dma_wait3A_553] : memref<20480x64xf32, #tpu.memory_space<hbm>> -> memref<128x64xf32, #tpu.memory_space<hbm>>
      tpu.wait_dma2 semaphore(%run_scoped3A : memref<!tpu.dma_semaphore, #tpu.memory_space<semaphore_mem>>) src(%arg11 : memref<128x64xf32, #tpu.memory_space<vmem>>) dst(%dma_wait3A_554 : memref<128x64xf32, #tpu.memory_space<hbm>>)
      tpu.yield
    }) : () -> ()
    %add3A_536 = arith.constant 512 : i32
    %add3A_537 = arith.addi %mul3A_281, %add3A_536 : i32
    "tpu.region"() ({
      %run_scoped3A = tpu.sem_alloc : memref<!tpu.dma_semaphore, #tpu.memory_space<semaphore_mem>>
      %dma_start3A_547 = arith.constant 0 : i32
      %dma_start3A_548 = tpu.memref_slice %arg19[%add3A_537, %dma_start3A_547] : memref<10240x64xf32, #tpu.memory_space<vmem_shared>> -> memref<128x64xf32, #tpu.memory_space<vmem_shared>>
      %dma_start3A_549 = arith.constant 0 : i32
      %dma_start3A_550 = tpu.memref_slice %arg19[%add3A_537, %dma_start3A_549] : memref<10240x64xf32, #tpu.memory_space<vmem_shared>> -> memref<128x64xf32, #tpu.memory_space<vmem_shared>>
      tpu.enqueue_dma source(%dma_start3A_550 : memref<128x64xf32, #tpu.memory_space<vmem_shared>>) target(%arg11 : memref<128x64xf32, #tpu.memory_space<vmem>>) target_semaphore(%run_scoped3A : memref<!tpu.dma_semaphore, #tpu.memory_space<semaphore_mem>>)
      %dma_wait3A_551 = arith.constant 0 : i32
      %dma_wait3A_552 = tpu.memref_slice %arg19[%add3A_537, %dma_wait3A_551] : memref<10240x64xf32, #tpu.memory_space<vmem_shared>> -> memref<128x64xf32, #tpu.memory_space<vmem_shared>>
      %dma_wait3A_553 = arith.constant 0 : i32
      %dma_wait3A_554 = tpu.memref_slice %arg19[%add3A_537, %dma_wait3A_553] : memref<10240x64xf32, #tpu.memory_space<vmem_shared>> -> memref<128x64xf32, #tpu.memory_space<vmem_shared>>
      tpu.wait_dma2 semaphore(%run_scoped3A : memref<!tpu.dma_semaphore, #tpu.memory_space<semaphore_mem>>) src(%dma_wait3A_554 : memref<128x64xf32, #tpu.memory_space<vmem_shared>>) dst(%arg11 : memref<128x64xf32, #tpu.memory_space<vmem>>)
      tpu.yield
    }) : () -> ()
    %broadcast_in_dim3A_538 = arith.constant 4 : i32
    %broadcast_in_dim3A_539 = vector.broadcast %broadcast_in_dim3A_538 : i32 to vector<16xi32>
    %scan3A_540 = arith.constant 0 : i32
    %scan3A_541 = arith.constant 0 : i32
    %scan3A_542 = arith.constant 128 : i32
    %scan3A_543 = arith.addi %scan3A_541, %scan3A_542 : i32
    %scan3A_544 = arith.constant 1 : i32
    scf.for %scan3A_547 = %scan3A_541 to %scan3A_543 step %scan3A_544  : i32 {
      %broadcast_in_dim3A_548 = arith.constant 0 : i32
      %broadcast_in_dim3A_549 = vector.broadcast %broadcast_in_dim3A_548 : i32 to vector<16xi32>
      %add3A_550 = vector.broadcast %scan3A_547 : i32 to vector<16xi32>
      %add3A_551 = arith.addi %broadcast_in_dim3A_549, %add3A_550 : vector<16xi32>
      %gather3A = tpu.vector_load_idx %arg9[%broadcast_in_dim3A_539, %add3A_551] : memref<5x128xf32, #tpu.memory_space<vmem>>[vector<16xi32>, vector<16xi32>], vector<16xf32>,
      %eq3A = arith.constant 0.000000e+00 : f32
      %eq3A_552 = vector.broadcast %eq3A : f32 to vector<16xf32>
      %eq3A_553 = arith.cmpf oeq, %gather3A, %eq3A_552 : vector<16xf32>
      %jit3A = arith.constant 1.000000e+00 : f32
      %broadcast_in_dim3A_554 = vector.broadcast %jit3A : f32 to vector<16xf32>
      %select_n3A = arith.select %eq3A_553, %broadcast_in_dim3A_554, %gather3A : vector<16xi1>, vector<16xf32>
      %get3A = arith.index_cast %scan3A_547 : i32 to index
      %get3A_555 = arith.constant 0 : index
      %get3A_556 = tpu.vector_load %arg11[%get3A, %get3A_555] {strides = array<i32>} : memref<128x64xf32, #tpu.memory_space<vmem>>, vector<16xf32>,
      %div3A_557 = arith.divf %get3A_556, %select_n3A : vector<16xf32>
      %swap3A_558 = arith.index_cast %scan3A_547 : i32 to index
      %swap3A_559 = arith.constant 0 : index
      %swap3A_560 = tpu.vector_load %arg11[%swap3A_558, %swap3A_559] {strides = array<i32>} : memref<128x64xf32, #tpu.memory_space<vmem>>, vector<16xf32>,
      tpu.vector_store %arg11[%swap3A_558, %swap3A_559], %div3A_557 {strides = array<i32>} : memref<128x64xf32, #tpu.memory_space<vmem>>, vector<16xf32>,
      %get3A_561 = arith.index_cast %scan3A_547 : i32 to index
      %get3A_562 = arith.constant 16 : index
      %get3A_563 = tpu.vector_load %arg11[%get3A_561, %get3A_562] {strides = array<i32>} : memref<128x64xf32, #tpu.memory_space<vmem>>, vector<16xf32>,
      %div3A_564 = arith.divf %get3A_563, %select_n3A : vector<16xf32>
      %swap3A_565 = arith.index_cast %scan3A_547 : i32 to index
      %swap3A_566 = arith.constant 16 : index
      %swap3A_567 = tpu.vector_load %arg11[%swap3A_565, %swap3A_566] {strides = array<i32>} : memref<128x64xf32, #tpu.memory_space<vmem>>, vector<16xf32>,
      tpu.vector_store %arg11[%swap3A_565, %swap3A_566], %div3A_564 {strides = array<i32>} : memref<128x64xf32, #tpu.memory_space<vmem>>, vector<16xf32>,
      %get3A_568 = arith.index_cast %scan3A_547 : i32 to index
      %get3A_569 = arith.constant 32 : index
      %get3A_570 = tpu.vector_load %arg11[%get3A_568, %get3A_569] {strides = array<i32>} : memref<128x64xf32, #tpu.memory_space<vmem>>, vector<16xf32>,
      %div3A_571 = arith.divf %get3A_570, %select_n3A : vector<16xf32>
      %swap3A_572 = arith.index_cast %scan3A_547 : i32 to index
      %swap3A_573 = arith.constant 32 : index
      %swap3A_574 = tpu.vector_load %arg11[%swap3A_572, %swap3A_573] {strides = array<i32>} : memref<128x64xf32, #tpu.memory_space<vmem>>, vector<16xf32>,
      tpu.vector_store %arg11[%swap3A_572, %swap3A_573], %div3A_571 {strides = array<i32>} : memref<128x64xf32, #tpu.memory_space<vmem>>, vector<16xf32>,
      %get3A_575 = arith.index_cast %scan3A_547 : i32 to index
      %get3A_576 = arith.constant 48 : index
      %get3A_577 = tpu.vector_load %arg11[%get3A_575, %get3A_576] {strides = array<i32>} : memref<128x64xf32, #tpu.memory_space<vmem>>, vector<16xf32>,
      %div3A_578 = arith.divf %get3A_577, %select_n3A : vector<16xf32>
      %swap3A_579 = arith.index_cast %scan3A_547 : i32 to index
      %swap3A_580 = arith.constant 48 : index
      %swap3A_581 = tpu.vector_load %arg11[%swap3A_579, %swap3A_580] {strides = array<i32>} : memref<128x64xf32, #tpu.memory_space<vmem>>, vector<16xf32>,
      tpu.vector_store %arg11[%swap3A_579, %swap3A_580], %div3A_578 {strides = array<i32>} : memref<128x64xf32, #tpu.memory_space<vmem>>, vector<16xf32>,
    }
    %scan3A_545 = arith.constant 128 : i32
    %add3A_546 = arith.addi %mul3A_0, %add3A_537 : i32
    "tpu.region"() ({
      %run_scoped3A = tpu.sem_alloc : memref<!tpu.dma_semaphore, #tpu.memory_space<semaphore_mem>>
      %dma_start3A_547 = arith.constant 0 : i32
      %dma_start3A_548 = tpu.memref_slice %arg5[%add3A_546, %dma_start3A_547] : memref<20480x64xf32, #tpu.memory_space<hbm>> -> memref<128x64xf32, #tpu.memory_space<hbm>>
      %dma_start3A_549 = arith.constant 0 : i32
      %dma_start3A_550 = tpu.memref_slice %arg5[%add3A_546, %dma_start3A_549] : memref<20480x64xf32, #tpu.memory_space<hbm>> -> memref<128x64xf32, #tpu.memory_space<hbm>>
      tpu.enqueue_dma source(%arg11 : memref<128x64xf32, #tpu.memory_space<vmem>>) target(%dma_start3A_550 : memref<128x64xf32, #tpu.memory_space<hbm>>) target_semaphore(%run_scoped3A : memref<!tpu.dma_semaphore, #tpu.memory_space<semaphore_mem>>)
      %dma_wait3A_551 = arith.constant 0 : i32
      %dma_wait3A_552 = tpu.memref_slice %arg5[%add3A_546, %dma_wait3A_551] : memref<20480x64xf32, #tpu.memory_space<hbm>> -> memref<128x64xf32, #tpu.memory_space<hbm>>
      %dma_wait3A_553 = arith.constant 0 : i32
      %dma_wait3A_554 = tpu.memref_slice %arg5[%add3A_546, %dma_wait3A_553] : memref<20480x64xf32, #tpu.memory_space<hbm>> -> memref<128x64xf32, #tpu.memory_space<hbm>>
      tpu.wait_dma2 semaphore(%run_scoped3A : memref<!tpu.dma_semaphore, #tpu.memory_space<semaphore_mem>>) src(%arg11 : memref<128x64xf32, #tpu.memory_space<vmem>>) dst(%dma_wait3A_554 : memref<128x64xf32, #tpu.memory_space<hbm>>)
      tpu.yield
    }) : () -> ()
    return
  }
}

module attributes {stable_mosaic.version = 14 : i64} {
  func.func @_mlp_body(%arg0: i32, %arg1: memref<256x128xf32, #tpu.memory_space<vmem>>, %arg2: memref<128x128xf32, #tpu.memory_space<vmem>>, %arg3: memref<1x128xf32, #tpu.memory_space<vmem>>, %arg4: memref<128x128xf32, #tpu.memory_space<vmem>>, %arg5: memref<1x128xf32, #tpu.memory_space<vmem>>, %arg6: memref<2x256x64xf32, #tpu.memory_space<vmem>>) attributes {dimension_semantics = [#tpu.dimension_semantics<arbitrary>], iteration_bounds = array<i64: 40>, scalar_prefetch = 0 : i64, scratch_operands = 0 : i64, tpu.core_type = #tpu.core_type<tc>, window_params = [{transform_indices = @transform_0, window_bounds = array<i64: 256, 128>}, {pipeline_mode = #tpu.pipeline_mode<synchronous>, transform_indices = @transform_1, window_bounds = array<i64: 128, 128>}, {pipeline_mode = #tpu.pipeline_mode<synchronous>, transform_indices = @transform_2, window_bounds = array<i64: 1, 128>}, {pipeline_mode = #tpu.pipeline_mode<synchronous>, transform_indices = @transform_3, window_bounds = array<i64: 128, 128>}, {pipeline_mode = #tpu.pipeline_mode<synchronous>, transform_indices = @transform_4, window_bounds = array<i64: 1, 128>}, {transform_indices = @transform_5, window_bounds = array<i64: 2, 256, 64>}]} {
    %get3A = arith.constant 0 : index
    %get3A_0 = arith.constant 0 : index
    %get3A_1 = vector.load %arg1[%get3A, %get3A_0] : memref<256x128xf32, #tpu.memory_space<vmem>>, vector<256x128xf32>
    %get3A_2 = arith.constant 0 : index
    %get3A_3 = arith.constant 0 : index
    %get3A_4 = vector.load %arg2[%get3A_2, %get3A_3] : memref<128x128xf32, #tpu.memory_space<vmem>>, vector<128x128xf32>
    %dot_general3A = arith.constant dense<0.000000e+00> : vector<256x128xf32>
    %dot_general3A_5 = tpu.matmul %get3A_1, %get3A_4, %dot_general3A {dimension_numbers = #tpu.dot_dimension_numbers<[1], [0], [0], [1], [0, 0, 1, 1], [], []>, transpose_lhs_hint = false} : vector<256x128xf32>, vector<128x128xf32>, vector<256x128xf32> -> vector<256x128xf32>
    %get3A_6 = arith.constant 0 : index
    %get3A_7 = arith.constant 0 : index
    %get3A_8 = vector.load %arg3[%get3A_6, %get3A_7] : memref<1x128xf32, #tpu.memory_space<vmem>>, vector<1x128xf32>
    %add3A = vector.broadcast %get3A_8 : vector<1x128xf32> to vector<256x128xf32>
    %add3A_9 = arith.addf %dot_general3A_5, %add3A : vector<256x128xf32>
    %tanh3A = math.tanh %add3A_9 : vector<256x128xf32>
    %get3A_10 = arith.constant 0 : index
    %get3A_11 = arith.constant 0 : index
    %get3A_12 = vector.load %arg4[%get3A_10, %get3A_11] : memref<128x128xf32, #tpu.memory_space<vmem>>, vector<128x128xf32>
    %dot_general3A_13 = arith.constant dense<0.000000e+00> : vector<256x128xf32>
    %dot_general3A_14 = tpu.matmul %tanh3A, %get3A_12, %dot_general3A_13 {dimension_numbers = #tpu.dot_dimension_numbers<[1], [0], [0], [1], [0, 0, 1, 1], [], []>, transpose_lhs_hint = false} : vector<256x128xf32>, vector<128x128xf32>, vector<256x128xf32> -> vector<256x128xf32>
    %get3A_15 = arith.constant 0 : index
    %get3A_16 = arith.constant 0 : index
    %get3A_17 = vector.load %arg5[%get3A_15, %get3A_16] : memref<1x128xf32, #tpu.memory_space<vmem>>, vector<1x128xf32>
    %add3A_18 = vector.broadcast %get3A_17 : vector<1x128xf32> to vector<256x128xf32>
    %add3A_19 = arith.addf %dot_general3A_14, %add3A_18 : vector<256x128xf32>
    %slice3A = vector.extract_strided_slice %add3A_19 {offsets = [0, 0], sizes = [256, 64], strides = [1, 1]} : vector<256x128xf32> to vector<256x64xf32>
    %swap3A = arith.constant 0 : index
    %swap3A_20 = arith.constant 0 : index
    %swap3A_21 = arith.constant 0 : index
    %swap3A_22 = vector.load %arg6[%swap3A, %swap3A_20, %swap3A_21] : memref<2x256x64xf32, #tpu.memory_space<vmem>>, vector<1x256x64xf32>
    %swap3A_23 = vector.shape_cast %swap3A_22 : vector<1x256x64xf32> to vector<256x64xf32>
    %swap3A_24 = vector.shape_cast %slice3A : vector<256x64xf32> to vector<1x256x64xf32>
    tpu.vector_store %arg6[%swap3A, %swap3A_20, %swap3A_21], %swap3A_24 {strides = array<i32>} : memref<2x256x64xf32, #tpu.memory_space<vmem>>, vector<1x256x64xf32>,
    %slice3A_25 = vector.extract_strided_slice %add3A_19 {offsets = [0, 64], sizes = [256, 64], strides = [1, 1]} : vector<256x128xf32> to vector<256x64xf32>
    %swap3A_26 = arith.constant 1 : index
    %swap3A_27 = arith.constant 0 : index
    %swap3A_28 = arith.constant 0 : index
    %swap3A_29 = vector.load %arg6[%swap3A_26, %swap3A_27, %swap3A_28] : memref<2x256x64xf32, #tpu.memory_space<vmem>>, vector<1x256x64xf32>
    %swap3A_30 = vector.shape_cast %swap3A_29 : vector<1x256x64xf32> to vector<256x64xf32>
    %swap3A_31 = vector.shape_cast %slice3A_25 : vector<256x64xf32> to vector<1x256x64xf32>
    tpu.vector_store %arg6[%swap3A_26, %swap3A_27, %swap3A_28], %swap3A_31 {strides = array<i32>} : memref<2x256x64xf32, #tpu.memory_space<vmem>>, vector<1x256x64xf32>,
    return
  }
  func.func @transform_0(%arg0: i32) -> (i32, i32) {
    %c0_i32 = arith.constant 0 : i32
    %c0_i32_0 = arith.constant 0 : i32
    return %arg0, %c0_i32 : i32, i32
  }
  func.func @transform_1(%arg0: i32) -> (i32, i32) {
    %c0_i32 = arith.constant 0 : i32
    %c0_i32_0 = arith.constant 0 : i32
    %c0_i32_1 = arith.constant 0 : i32
    return %c0_i32, %c0_i32_0 : i32, i32
  }
  func.func @transform_2(%arg0: i32) -> (i32, i32) {
    %c0_i32 = arith.constant 0 : i32
    %c0_i32_0 = arith.constant 0 : i32
    %c0_i32_1 = arith.constant 0 : i32
    return %c0_i32, %c0_i32_0 : i32, i32
  }
  func.func @transform_3(%arg0: i32) -> (i32, i32) {
    %c0_i32 = arith.constant 0 : i32
    %c0_i32_0 = arith.constant 0 : i32
    %c0_i32_1 = arith.constant 0 : i32
    return %c0_i32, %c0_i32_0 : i32, i32
  }
  func.func @transform_4(%arg0: i32) -> (i32, i32) {
    %c0_i32 = arith.constant 0 : i32
    %c0_i32_0 = arith.constant 0 : i32
    %c0_i32_1 = arith.constant 0 : i32
    return %c0_i32, %c0_i32_0 : i32, i32
  }
  func.func @transform_5(%arg0: i32) -> (i32, i32, i32) {
    %c0_i32 = arith.constant 0 : i32
    %c0_i32_0 = arith.constant 0 : i32
    %c0_i32_1 = arith.constant 0 : i32
    return %c0_i32, %arg0, %c0_i32_0 : i32, i32, i32
  }
}

module attributes {stable_mosaic.version = 14 : i64} {
  func.func @_combine_body(%arg0: i32, %arg1: memref<2x400x64xf32, #tpu.memory_space<vmem>>, %arg2: memref<400x128xf32, #tpu.memory_space<vmem>>) attributes {dimension_semantics = [#tpu.dimension_semantics<arbitrary>], iteration_bounds = array<i64: 25>, scalar_prefetch = 0 : i64, scratch_operands = 0 : i64, tpu.core_type = #tpu.core_type<tc>, window_params = [{transform_indices = @transform_0, window_bounds = array<i64: 2, 400, 64>}, {transform_indices = @transform_1, window_bounds = array<i64: 400, 128>}]} {
    %get3A = arith.constant 0 : index
    %get3A_0 = arith.constant 0 : index
    %get3A_1 = arith.constant 0 : index
    %get3A_2 = vector.load %arg1[%get3A, %get3A_0, %get3A_1] : memref<2x400x64xf32, #tpu.memory_space<vmem>>, vector<1x400x64xf32>
    %get3A_3 = vector.shape_cast %get3A_2 : vector<1x400x64xf32> to vector<400x64xf32>
    %get3A_4 = arith.constant 1 : index
    %get3A_5 = arith.constant 0 : index
    %get3A_6 = arith.constant 0 : index
    %get3A_7 = vector.load %arg1[%get3A_4, %get3A_5, %get3A_6] : memref<2x400x64xf32, #tpu.memory_space<vmem>>, vector<1x400x64xf32>
    %get3A_8 = vector.shape_cast %get3A_7 : vector<1x400x64xf32> to vector<400x64xf32>
    %concatenate3A = tpu.concatenate %get3A_3, %get3A_8 in 1 : vector<400x64xf32>, vector<400x64xf32> -> vector<400x128xf32>
    %swap3A = arith.constant 0 : index
    %swap3A_9 = arith.constant 0 : index
    %swap3A_10 = vector.load %arg2[%swap3A, %swap3A_9] : memref<400x128xf32, #tpu.memory_space<vmem>>, vector<400x128xf32>
    tpu.vector_store %arg2[%swap3A, %swap3A_9], %concatenate3A {strides = array<i32>} : memref<400x128xf32, #tpu.memory_space<vmem>>, vector<400x128xf32>,
    return
  }
  func.func @transform_0(%arg0: i32) -> (i32, i32, i32) {
    %c0_i32 = arith.constant 0 : i32
    %c0_i32_0 = arith.constant 0 : i32
    %c0_i32_1 = arith.constant 0 : i32
    return %c0_i32, %arg0, %c0_i32_0 : i32, i32, i32
  }
  func.func @transform_1(%arg0: i32) -> (i32, i32) {
    %c0_i32 = arith.constant 0 : i32
    %c0_i32_0 = arith.constant 0 : i32
    return %arg0, %c0_i32 : i32, i32
  }
}

</mosaic_0001>

<sc_bundles>
// kernel: kernel.5.cloned.1.call-start
scs
__scs_entry_jumppad:
0x0: {  	(pc) =	sbr.rel $0x88, $3  }
0x1: {  	(tag) =	ssettag $0x0;
	lr =	simm.s32 $0x1  }
0x2: {  	[smem:$0x3F9B] =	sst lr;
	_ =	strace $0xD0000000  }
0x3: {  	_ = 	snop  }
0x4: {  	_ = 	snop  }
0x5: {  	_ = 	snop  }
0x6: {  	_ = 	snop  }
0x7: {  	_ = 	snop  }
__scs_overlays_trampoline_lowered:
0x8: {  	[smem:$0x3FAA] =	sst s0  }
0x9: {  	[smem:$0x3FAB] =	sst s1  }
0xa: {  	[smem:$0x3FAC] =	sst s2  }
0xb: {  	[smem:$0x3FAD] =	sst s3  }
0xc: {  	[smem:$0x3FAE] =	sst s4  }
0xd: {  	[smem:$0x3FAF] =	sst s5  }
0xe: {  	[smem:$0x3FB0] =	sst s6  }
0xf: {  	[smem:$0x3FB1] =	sst s7  }
0x10: {  	[smem:$0x3FB2] =	sst s8  }
0x11: {  	[smem:$0x3FB3] =	sst s9;
	s0 =	simm.s32 @!p0 $0x0  }
0x12: {  	s1 =	sld [smem:$0x3F99];
	s0 =	simm.s32 @p0 $0x1  }
0x13: {  	[smem:$0x3FB4] =	sst s0;
	s0 =	simm.s32 @!p1 $0x0  }
0x14: {  	s2 =	sld [smem:$0x3F98];
	s0 =	simm.s32 @p1 $0x1  }
0x15: {  	[smem:$0x3FB5] =	sst s0;
	s0 =	simm.s32 @!p2 $0x0  }
0x16: {  	s3 =	sld [smem:$0x3FDB];
	s0 =	simm.s32 @p2 $0x1  }
0x17: {  	s4 =	simm.s32 $0x1BF5;
	[smem:$0x3FB7] =	sst s0  }
0x18: {  	s0 =	sld [smem:$0x3F9A];
	_ =	swait.ge [sflag:s4], $0x0  }
0x19: {  	s7 =	sld [smem:$0x3F9B]  }
0x1a: {  	s8 =	sadd.s32 $0xFFFFE003, lr  }
0x1b: {  	s9 =	sadd.s32 $0xFFFFFEF7, lr;
	s5 =	simm.s32 $0xFFFFFFFF;
	p2 =	slt.u32 s8, $0xFFFFF086  }
0x1c: {  	p1 =	slt.u32 s9, $0xF7A;
	s5 =	simm.s32 @!p2 $0x0  }
0x1d: {  	s5 =	simm.s32 @p1 $0x1;
	p0 =	seq.s32 s7, s2  }
0x1e: {  	s7 =	smul.u32 @!p0 $0xF7A, s2;
	p2 =	seq.s32 @!p0 s5, $0x0  }
0x1f: {  	s9 =	smul.u32 $0xF7A, s1;
	s8 =	simm.s32 @!p0 $0x1BF5;
	p2 =	por !p2, p0  }
0x20: {  	[sflag:s8] =	ssyncset.s32 @!p0 $0xFFFFF086;
	s6 =	sadd.s32 @!p0 s3, s7;
	s7 =	simm.s32 @!p0 $0x108  }
0x21: {  	s3 =	sadd.s32 s3, s9;
	s6 =	sadd.s32 @!p0 $0x88, s6;
	s7 =	simm.s32 @p2 $0x1082  }
0x22: {  	[simem:s7], [sflag:s8] =	dma.local @!p0 [hbm:s6], $0xF7A  }
0x23: {  	s9 =	sor.u32 $0xD0000000, s2;
	s6 =	simm.s32 $0x108;
	_ =	swait.ge @!p0 [sflag:s8], $0x0  }
0x24: {  	s3 =	sadd.s32 $0x88, s3;
	s6 =	simm.s32 @!p1 $0x1082;
	[sflag:s4] =	ssyncset.s32 $0xFFFFF086  }
0x25: {  	[simem:s6], [sflag:s4] =	dma.local [hbm:s3], $0xF7A  }
0x26: {  	[smem:$0x3F9B] =	sst s1;
	(tag) =	ssettag s2;
	_ =	strace s9  }
0x27: {  	s1 =	sld [smem:$0x3FAB]  }
0x28: {  	s2 =	sld [smem:$0x3FAC]  }
0x29: {  	s4 =	sld [smem:$0x3FAE]  }
0x2a: {  	p0 =	seq.s32 s5, $0x0;
	s5 =	sld [smem:$0x3FAF]  }
0x2b: {  	s6 =	sld [smem:$0x3FB0]  }
0x2c: {  	s7 =	sld [smem:$0x3FB1]  }
0x2d: {  	s3 =	simm.s32 $0x108;
	s8 =	sld [smem:$0x3FB2]  }
0x2e: {  	s3 =	simm.s32 @!p0 $0x1082;
	s9 =	sld [smem:$0x3FB3]  }
0x2f: {  	lr =	sadd.s32 s0, s3;
	s0 =	sld [smem:$0x3FAA]  }
0x30: {  	s3 =	sld [smem:$0x3FAD]  }
0x31: {  	[smem:$0x3FB6] =	sst s10  }
0x32: {  	s10 =	sld [smem:$0x3FB4];
	_ =	sdelay $0x3  }
0x33: {  	p0 =	seq.s32 s10, $0x1;
	s10 =	sld [smem:$0x3FB6];
	_ =	sdelay $0x3  }
0x34: {  	[smem:$0x3FB6] =	sst s10  }
0x35: {  	s10 =	sld [smem:$0x3FB5];
	_ =	sdelay $0x3  }
0x36: {  	p1 =	seq.s32 s10, $0x1;
	s10 =	sld [smem:$0x3FB6];
	_ =	sdelay $0x3  }
0x37: {  	[smem:$0x3FB6] =	sst s10  }
0x38: {  	s10 =	sld [smem:$0x3FB7]  }
0x39: {  	_ = 	snop;
	(pc) =	sbr.ind lr, $3  }
0x3a: {  	_ = 	snop  }
0x3b: {  	_ = 	snop  }
0x3c: {  	p2 =	seq.s32 s10, $0x1;
	s10 =	sld [smem:$0x3FB6]  }
0x3d: {  	_ =	shalt  }
0x3e: {  	_ =	shalt  }
0x3f: {  	_ =	shalt  }
0x40: {  	_ =	shalt  }
0x41: {  	_ =	shalt  }
0x42: {  	_ =	shalt  }
0x43: {  	_ =	shalt  }
0x44: {  	_ =	shalt  }
0x45: {  	_ =	shalt  }
0x46: {  	_ =	shalt  }
0x47: {  	_ =	shalt  }
0x48: {  	_ =	shalt  }
0x49: {  	_ =	shalt  }
0x4a: {  	_ =	shalt  }
0x4b: {  	_ =	shalt  }
0x4c: {  	_ =	shalt  }
0x4d: {  	_ =	shalt  }
0x4e: {  	_ =	shalt  }
0x4f: {  	_ =	shalt  }
0x50: {  	_ =	shalt  }
0x51: {  	_ =	shalt  }
0x52: {  	_ =	shalt  }
0x53: {  	_ =	shalt  }
0x54: {  	_ =	shalt  }
0x55: {  	_ =	shalt  }
0x56: {  	_ =	shalt  }
0x57: {  	_ =	shalt  }
0x58: {  	_ =	shalt  }
0x59: {  	_ =	shalt  }
0x5a: {  	_ =	shalt  }
0x5b: {  	_ =	shalt  }
0x5c: {  	_ =	shalt  }
0x5d: {  	_ =	shalt  }
0x5e: {  	_ =	shalt  }
0x5f: {  	_ =	shalt  }
0x60: {  	_ =	shalt  }
0x61: {  	_ =	shalt  }
0x62: {  	_ =	shalt  }
0x63: {  	_ =	shalt  }
0x64: {  	_ =	shalt  }
0x65: {  	_ =	shalt  }
0x66: {  	_ =	shalt  }
0x67: {  	_ =	shalt  }
0x68: {  	_ =	shalt  }
0x69: {  	_ =	shalt  }
0x6a: {  	_ =	shalt  }
0x6b: {  	_ =	shalt  }
0x6c: {  	_ =	shalt  }
0x6d: {  	_ =	shalt  }
0x6e: {  	_ =	shalt  }
0x6f: {  	_ =	shalt  }
0x70: {  	_ =	shalt  }
0x71: {  	_ =	shalt  }
0x72: {  	_ =	shalt  }
0x73: {  	_ =	shalt  }
0x74: {  	_ =	shalt  }
0x75: {  	_ =	shalt  }
0x76: {  	_ =	shalt  }
0x77: {  	_ =	shalt  }
0x78: {  	_ =	shalt  }
0x79: {  	_ =	shalt  }
0x7a: {  	_ =	shalt  }
0x7b: {  	_ =	shalt  }
0x7c: {  	_ =	shalt  }
0x7d: {  	_ =	shalt  }
0x7e: {  	_ =	shalt  }
0x7f: {  	_ =	shalt  }
0x80: {  	_ =	shalt  }
0x81: {  	_ =	shalt  }
0x82: {  	_ =	shalt  }
0x83: {  	_ =	shalt  }
0x84: {  	_ =	shalt  }
0x85: {  	_ =	shalt  }
0x86: {  	_ =	shalt  }
0x87: {  	_ =	shalt  }
.Lfunc_end0:
.L_simem_size_0:
called_computation_lowered:
.L_overlay_start_0:
0x88: {  	s2 =	sld [smem:$0x3FD9]  }
0x89: {  	s3 =	sld [smem:$0x3FFE];
	_ =	sdelay $0x1  }
0x8a: {  	s1 =	srdreg.scid  }
0x8b: {  	s0 =	sand.u32 $0x1, s1  }
0x8c: {  	s17 =	sshll.u32 s0, $0xA;
	s2 =	sadd.s32 s3, s2  }
0x8d: {  	s2 =	sadd.s32 s2, s17  }
0x8e: {  	[smem:$0x3FC2] =	sst s2  }
0x8f: {  	_ = 	snop  }
0x90: {  	s2 =	sld [smem:$0x3FD0];
	(tm) =	ssettm $0x1  }
0x91: {  	s18 =	sld [smem:$0x3FFB];
	_ =	sdelay $0x3  }
0x92: {  	_ =	strace s18  }
0x93: {  	s3 =	sld [smem:$0x3FFC];
	_ =	sdelay $0x3  }
0x94: {  	_ =	strace s3  }
0x95: {  	s3 =	sld [smem:$0x3FFD];
	_ =	sdelay $0x3  }
0x96: {  	_ =	strace s3  }
0x97: {  	_ =	strace $0x8FFFFFFF  }
0x98: {  	s19 =	sld [smem:$0x3FDB];
	_ =	sdelay $0x1  }
0x99: {  	s4 =	simm.s32 $_scs_section_size  }
0x9a: {  	s5 =	simm.s32 $_size__tile_overlayer_lowered;
	s6 =	simm.s32 $_tile_overlayer_lowered  }
0x9b: {  	s22 =	simm.s32 $0x1BFF;
	s21 =	sshll.u32 s6, $0x1;
	s3 =	sadd.s32 s4, s19  }
0x9c: {  	s7 =	simm.s32 $0x0;
	s20 =	sshll.u32 s5, $0x1;
	s5 =	sadd.s32 s21, s3  }
0x9d: {  	[timem:s7], [sflag:s22] =	dma.local [hbm:s5], s20  }
0x9e: {  	_ =	swait.ge [sflag:s22], s20  }
0x9f: {  	s4 =	ssub.s32 $0x0, s20;
	[sflag:s22] =	ssyncset.done $0x0  }
0xa0: {  	[sflag:s22] =	ssyncadd.s32 s4;
	_ =	sdelay $0x1  }
0xa1: {  	s23 =	simm.s32 $0x1B8B  }
0xa2: {  	_ =	swait.ge [sflag:s23], $0x1  }
0xa3: {  	[sflag:s23] =	ssyncset.done $0x0  }
0xa4: {  	s25 =	simm.s32 $0x1B8E;
	s24 =	sld [smem:$0x3FFE];
	[sflag:s23] =	ssyncadd.s32 $0xFFFFFFFF  }
0xa5: {  	s26 =	simm.s32 $execute0_lowered;
	[smem:$0x3FD2] =	sst s25  }
0xa6: {  	s5 =	sshll.u32 s26, $0x1;
	_ =	strace $0x80000046;
	[dreg:$0x1] =	wrdreg $0xFFFFFFFF  }
0xa7: {  	s28 =	simm.s32 $_size_execute0_lowered;
	s3 =	sadd.s32 s3, s5;
	[dreg:$0x0] =	wrdreg $0x0  }
0xa8: {  	s5 =	sshll.u32 s28, $0x1;
	[dreg:$0x2] =	wrdreg s3  }
0xa9: {  	[dreg:$0x3] =	wrdreg s5  }
0xaa: {  	[dreg:$0x4] =	wrdreg $0xC0  }
0xab: {  	_ =	task [dreg:s7], $0x5FFFF  }
0xac: {  	[dreg:$0x1] =	wrdreg $0xFFFFFFFF  }
0xad: {  	[dreg:$0x0] =	wrdreg $0x60  }
0xae: {  	[dreg:$0x2] =	wrdreg s2  }
0xaf: {  	[dreg:$0x3] =	wrdreg s24  }
0xb0: {  	[dreg:$0x4] =	wrdreg $0x14AD00  }
0xb1: {  	[dreg:$0x5] =	wrdreg $0x1EAD00  }
0xb2: {  	[dreg:$0x6] =	wrdreg $0x9  }
0xb3: {  	_ =	task.clear_ibuf [dreg:s7], $0x7FFFF;
	_ =	strace $0x90000046  }
0xb4: {  	s29 =	simm.s32 $0x9;
	_ =	strace $0x80000048  }
0xb5: {  	_ =	swait.ge [sflag:s29], $0x1  }
0xb6: {  	[sflag:s29] =	ssyncadd.s32 $0xFFFFFFFF  }
0xb7: {  	_ =	strace $0x90000048  }
0xb8: {  	_ =	sfence  }
0xb9: {  	s30 =	sld [smem:$0x0];
	_ =	sdelay $0x2  }
0xba: {  	s31 =	sshll.u32 s1, $0xD;
	s1 =	sshrl.u32 s1, $0x2  }
0xbb: {  	s3 =	sand.u32 $0x4000, s31;
	s1 =	sadd.s32 s1, s30  }
0xbc: {  	s0 =	sor.u32 s3, s0;
	s1 =	sshll.u32 s1, $0x11  }
0xbd: {  	s0 =	sor.u32 s1, s0  }
0xbe: {  	s0 =	sadd.s32 $0x8F2B, s0  }
0xbf: {  	[sflag:s0] =	ssyncadd.remote.s32 $0x1  }
0xc0: {  	_ =	sfence.sel $0xFFFF  }
0xc1: {  	[dreg:$0x0] =	wrdreg $0xFFFFFFFF;
	(pc) =	sbr.abs _section_cstart, $3  }
0xc2: {  	[dreg:$0x1] =	wrdreg $0xFFFFFFFF  }
0xc3: {  	_ =	task.clear_ibuf [dreg:s7], $0x2FFFF;
	_ =	strace $0x9FFFFFFF  }
0xc4: {  	(tm) =	ssettm $0x7FFFFFFF  }
0xc5: {  	_ =	shalt  }
tec
execute0_lowered:
.L_overlay_start_1:
0x0: {  	(tag) =	ssettag $0x1  }
0x1: {  	s15 =	rddreg [dreg:$0x0]  }
0x2: {  	s0 =	rddreg [dreg:$0x1]  }
0x3: {  	s2 =	rddreg [dreg:$0x2]  }
0x4: {  	s14 =	rddreg [dreg:$0x3];
	s1 =	simm.s32 $0x0;
	s21 =	srdreg.scid  }
0x5: {  	s16 =	stileid.u32;
	s28 =	simm.s32 $0x11;
	s29 =	simm.s32 $0x80  }
0x6: {  	s30 =	simm.s32 $0x2000;
	[smem:$0x7FF] =	sst s1;
	s4 =	smul.u32 $0x280, s16  }
0x7: {  	s1 =	sand.u32 $0x1, s21;
	s6 =	sadd.s32 $0x600, s0;
	s8 =	smul.u32 $0x28000, s16  }
0x8: {  	s7 =	sadd.s32 $0xA600, s0;
	s0 =	sadd.s32 $0x32600, s0;
	s11 =	smul.u32 $0xA00, s16  }
0x9: {  	_ =	strace $0x80000047;
	s3 =	ssub.s32 $0x2, s1;
	s10 =	smul.u32 $0x2800, s1  }
0xa: {  	s5 =	sshrl.u32 s3, $0x1;
	s22 =	sadd.s32 $0x80, s4;
	s23 =	sshrl.u32 s8, $0x2  }
0xb: {  	s26 =	sadd.s32 $0x100, s4;
	s9 =	sadd.s32 $0x180, s4;
	s18 =	sadd.s32 s15, s11  }
0xc: {  	s19 =	sadd.s32 s6, s11;
	s15 =	simm.s32 $0x2;
	s3 =	ssub.s32 s3, s5  }
0xd: {  	s24 =	sshll.u32 s22, $0x6;
	s23 =	sadd.s32 s23, s2;
	s12 =	sshll.u32 s26, $0x6  }
0xe: {  	s13 =	sshll.u32 s9, $0x6;
	[dreg:$0xb] =	wrdreg s18;
	s5 =	sadd.s32 s10, s22  }
0xf: {  	[dreg:$0xc] =	wrdreg s19;
	s1 =	sadd.s32 s10, s26;
	s21 =	sadd.s32 s10, s9  }
0x10: {  	s18 =	simm.s32 $0x4;
	s19 =	simm.s32 $0x12AD0;
	s9 =	simm.s32 $0xC  }
0x11: {  	s25 =	sadd.s32 s24, s2;
	s31 =	sadd.s32 s12, s2;
	s12 =	sadd.s32 $0x200, s4  }
0x12: {  	s8 =	sadd.s32 s13, s2;
	s13 =	sshrl.u32 s11, $0x2;
	s4 =	sadd.s32 s4, s10  }
0x13: {  	s5 =	sshll.u32 s5, $0x3;
	s1 =	sshll.u32 s1, $0x3;
	[dreg:$0x5] =	wrdreg s23  }
0x14: {  	s24 =	sshll.u32 s21, $0x3;
	s26 =	smax.u32 s3, $0x1;
	[dreg:$0x6] =	wrdreg s25  }
0x15: {  	s3 =	simm.s32 $0xCAD0;
	s21 =	simm.s32 $0x6;
	[dreg:$0x8] =	wrdreg s8  }
0x16: {  	s17 =	sshll.u32 s12, $0x6;
	s13 =	sadd.s32 s13, s14;
	s14 =	smul.u32 $0xA, s16  }
0x17: {  	s4 =	sshll.u32 s4, $0x3;
	s20 =	sadd.s32 s0, s5;
	[dreg:$0x12] =	wrdreg s26  }
0x18: {  	s22 =	sadd.s32 s10, s12;
	s1 =	sadd.s32 s0, s1;
	[dreg:$0x7] =	wrdreg s31  }
0x19: {  	s12 =	simm.s32 $0x1000;
	s5 =	simm.s32 $0xAAD0;
	[dreg:$0xe] =	wrdreg s20  }
0x1a: {  	s16 =	simm.s32 $0xEAD0;
	s26 =	simm.s32 $0x3;
	[dreg:$0xf] =	wrdreg s1  }
0x1b: {  	s8 =	sadd.s32 s17, s2;
	s4 =	sadd.s32 s0, s4;
	[dreg:$0xa] =	wrdreg s13  }
0x1c: {  	s25 =	sshll.u32 s22, $0x3;
	s1 =	sadd.s32 s0, s24;
	[dreg:$0x9] =	wrdreg s8  }
0x1d: {  	s24 =	simm.s32 $0x12;
	s17 =	simm.s32 $0x10AD0;
	[dreg:$0xd] =	wrdreg s4  }
0x1e: {  	v1 =	vlaneseq.u32;
	v2 =	vimm.f32 $0.0e+00;
	s20 =	simm.s32 $0x5;
	s22 =	simm.s32 $0x7;
	[dreg:$0x10] =	wrdreg s1  }
0x1f: {  	v7 =	vimm.f32 $1.000000000e+00;
	v3 =	vor.u32 $0x10, v1;
	v4 =	vor.u32 $0x20, v1;
	s0 =	sadd.s32 s0, s25;
	s25 =	simm.s32 $0x4800;
	s8 =	simm.s32 $0x8  }
0x20: {  	v5 =	vor.u32 $0x30, v1;
	v6 =	vor.u32 $0x40, v1;
	v0 =	vmov s10;
	s4 =	simm.s32 $0x0;
	[dreg:$0x11] =	wrdreg s0;
	s0 =	simm.s32 $0x1  }
.LBB2_1:
0x21: {  	s1 =	simm.s32 $0x0  }
.LBB2_2:
0x22: {  	p0 =	sne.s32 s1, $0x7F00  }
.Ltmp0:
0x23: {  	s10 =	sshra.s32 s1, $0x2;
	(pc) =	sbr.rel @p0 .LBB2_2-.Ltmp0, $4  }
0x24: {  	[tilespmem:s10+$0x4AD0] =	vst v2  }
0x25: {  	[tilespmem:s10+$0x4AE0] =	vst v2  }
0x26: {  	[tilespmem:s10+$0x4AF0] =	vst v2  }
0x27: {  	s1 =	sadd.s32 $0x100, s1;
	[tilespmem:s10+$0x4B00] =	vst v2  }
0x28: {  	[dreg:$0x13] =	wrdreg s4;
	s1 =	simm.s32 $0x0;
	s10 =	simm.s32 $0x200  }
.LBB2_4:
0x29: {  	p0 =	sne.s32 s10, $0x9E00;
	[tilespmem:s1+$0x2070] =	vst v2  }
0x2a: {  	[tilespmem:s1+$0x2000] =	vst v2  }
0x2b: {  	[tilespmem:s1+$0x2010] =	vst v2  }
.Ltmp1:
0x2c: {  	[tilespmem:s1+$0x2020] =	vst v2;
	(pc) =	sbr.rel @p0 .LBB2_4-.Ltmp1, $4  }
0x2d: {  	[tilespmem:s1+$0x2030] =	vst v2  }
0x2e: {  	[tilespmem:s1+$0x2040] =	vst v2  }
0x2f: {  	[tilespmem:s1+$0x2050] =	vst v2  }
0x30: {  	[tilespmem:s1+$0x2060] =	vst v2;
	s1 =	sshra.s32 s10, $0x2;
	s10 =	sadd.s32 $0x200, s10  }
0x31: {  	[tilespmem:s1+$0x2070] =	vst v2  }
0x32: {  	[tilespmem:s1+$0x2000] =	vst v2  }
0x33: {  	[tilespmem:s1+$0x2010] =	vst v2  }
0x34: {  	[tilespmem:s1+$0x2020] =	vst v2  }
0x35: {  	[tilespmem:s1+$0x2030] =	vst v2  }
0x36: {  	[tilespmem:s1+$0x2040] =	vst v2  }
0x37: {  	[tilespmem:s1+$0x2050] =	vst v2  }
0x38: {  	[tilespmem:s1+$0x2060] =	vst v2  }
0x39: {  	[tilespmem:$0x4800] =	vst v2  }
0x3a: {  	[tilespmem:$0x4810] =	vst v2  }
0x3b: {  	[tilespmem:$0x4820] =	vst v2  }
0x3c: {  	[tilespmem:$0x4830] =	vst v2  }
0x3d: {  	[tilespmem:$0x4840] =	vst v2  }
0x3e: {  	[tilespmem:$0x4850] =	vst v2  }
0x3f: {  	[tilespmem:$0x4860] =	vst v2  }
0x40: {  	[tilespmem:$0x4870] =	vst v2  }
0x41: {  	[tilespmem:$0x4880] =	vst v2  }
0x42: {  	[tilespmem:$0x4890] =	vst v2  }
0x43: {  	[tilespmem:$0x48A0] =	vst v2  }
0x44: {  	[tilespmem:$0x48B0] =	vst v2  }
0x45: {  	[tilespmem:$0x48C0] =	vst v2  }
0x46: {  	[tilespmem:$0x48D0] =	vst v2  }
0x47: {  	[tilespmem:$0x48E0] =	vst v2  }
0x48: {  	[tilespmem:$0x48F0] =	vst v2  }
0x49: {  	[tilespmem:$0x4900] =	vst v2  }
0x4a: {  	[tilespmem:$0x4910] =	vst v2  }
0x4b: {  	[tilespmem:$0x4920] =	vst v2  }
0x4c: {  	[tilespmem:$0x4930] =	vst v2  }
0x4d: {  	[tilespmem:$0x4940] =	vst v2  }
0x4e: {  	[tilespmem:$0x4950] =	vst v2  }
0x4f: {  	[tilespmem:$0x4960] =	vst v2  }
0x50: {  	[tilespmem:$0x4970] =	vst v2  }
0x51: {  	[tilespmem:$0x4980] =	vst v2  }
0x52: {  	[tilespmem:$0x4990] =	vst v2  }
0x53: {  	[tilespmem:$0x49A0] =	vst v2  }
0x54: {  	[tilespmem:$0x49B0] =	vst v2  }
0x55: {  	[tilespmem:$0x49C0] =	vst v2  }
0x56: {  	[tilespmem:$0x49D0] =	vst v2  }
0x57: {  	[tilespmem:$0x49E0] =	vst v2  }
0x58: {  	[tilespmem:$0x49F0] =	vst v2  }
0x59: {  	[tilespmem:$0x4A00] =	vst v2  }
0x5a: {  	[tilespmem:$0x4A10] =	vst v2  }
0x5b: {  	[tilespmem:$0x4A20] =	vst v2  }
0x5c: {  	[tilespmem:$0x4A30] =	vst v2  }
0x5d: {  	[tilespmem:$0x4A40] =	vst v2  }
0x5e: {  	[tilespmem:$0x4A50] =	vst v2  }
0x5f: {  	[tilespmem:$0x4A60] =	vst v2  }
0x60: {  	[tilespmem:$0x4A70] =	vst v2  }
0x61: {  	[tilespmem:$0x4A80] =	vst v1  }
0x62: {  	[tilespmem:$0x4A90] =	vst v3  }
0x63: {  	[tilespmem:$0x4AA0] =	vst v4  }
0x64: {  	[tilespmem:$0x4AB0] =	vst v5  }
0x65: {  	s4 =	simm.s32 $0x4AD0;
	[tilespmem:$0x4AC0] =	vst v6  }
0x66: {  	[spmem:s23] =	stream.linear.scatter [tilespmem:s4], [sflag:$0x12], $0x2000, $0x38;
	[tilespmem:$0x1ED50] =	vst v63  }
0x67: {  	_ =	swait.ge [sflag:s24], $0x2000  }
0x68: {  	[sflag:s24] =	ssyncset.done $0x0  }
0x69: {  	s23 =	rddreg [dreg:$0x6];
	[sflag:s24] =	ssyncadd.s32 $0xFFFFE000  }
0x6a: {  	[spmem:s23] =	stream.linear.scatter [tilespmem:s4], [sflag:$0x12], $0x2000, $0x38;
	[tilespmem:$0x1ED50] =	vst v63  }
0x6b: {  	_ =	swait.ge [sflag:s24], $0x2000  }
0x6c: {  	[sflag:s24] =	ssyncset.done $0x0  }
0x6d: {  	[sflag:s24] =	ssyncadd.s32 $0xFFFFE000  }
0x6e: {  	[spmem:s31] =	stream.linear.scatter [tilespmem:s4], [sflag:$0x12], $0x2000, $0x38;
	[tilespmem:$0x1ED50] =	vst v63  }
0x6f: {  	_ =	swait.ge [sflag:s24], $0x2000  }
0x70: {  	[sflag:s24] =	ssyncset.done $0x0  }
0x71: {  	s10 =	rddreg [dreg:$0x8];
	[sflag:s24] =	ssyncadd.s32 $0xFFFFE000  }
0x72: {  	[spmem:s10] =	stream.linear.scatter [tilespmem:s4], [sflag:$0x12], $0x2000, $0x38;
	[tilespmem:$0x1ED50] =	vst v63  }
0x73: {  	_ =	swait.ge [sflag:s24], $0x2000  }
0x74: {  	[sflag:s24] =	ssyncset.done $0x0  }
0x75: {  	s10 =	simm.s32 $0x12;
	s11 =	rddreg [dreg:$0x9];
	[sflag:s24] =	ssyncadd.s32 $0xFFFFE000  }
0x76: {  	[spmem:s11] =	stream.linear.scatter [tilespmem:s4], [sflag:$0x12], $0x2000, $0x38;
	[tilespmem:$0x1ED50] =	vst v63  }
0x77: {  	_ =	swait.ge [sflag:s10], $0x2000  }
0x78: {  	[sflag:s10] =	ssyncset.done $0x0  }
0x79: {  	[sflag:s10] =	ssyncadd.s32 $0xFFFFE000  }
0x7a: {  	[spmem:s13] =	stream.linear.scatter [tilespmem:s25], [sflag:$0x12], $0x280, $0x38;
	[tilespmem:$0x1ED50] =	vst v63  }
0x7b: {  	_ =	swait.ge [sflag:s10], $0x280  }
0x7c: {  	[sflag:s10] =	ssyncset.done $0x0  }
0x7d: {  	[sflag:s10] =	ssyncadd.s32 $0xFFFFFD80  }
0x7e: {  	[bflag:$0x0] =	sbarrier.arrive $0xFFFF  }
0x7f: {  	s13 =	simm.s32 $0x0;
	s23 =	rddreg [dreg:$0xb]  }
0x80: {  	[tilespmem:s13], [sflag:$0x11] =	stream.linear.gather [hbm4b:s23+s13], $0x800, $0x38;
	[tilespmem:$0x1ED50] =	vst v63  }
0x81: {  	s31 =	rddreg [dreg:$0xc]  }
0x82: {  	[tilespmem:s12], [sflag:$0x11] =	stream.linear.gather [hbm4b:s31+s13], $0x800, $0x38;
	[tilespmem:$0x1ED50] =	vst v63  }
0x83: {  	_ =	swait.ge [sflag:s28], $0x800  }
0x84: {  	[sflag:s28] =	ssyncset.done $0x0  }
0x85: {  	[sflag:s28] =	ssyncadd.s32 $0xFFFFF800  }
0x86: {  	_ =	swait.ge [sflag:s28], $0x800  }
0x87: {  	[sflag:s28] =	ssyncset.done $0x0  }
0x88: {  	s11 =	simm.s32 $0x0;
	[sflag:s28] =	ssyncadd.s32 $0xFFFFF800  }
0x89: {  	v10 =	vld [tilespmem:s11+$0x1000]  }
0x8a: {  	v12 =	vld [tilespmem:s11+$0x1010]  }
0x8b: {  	v11 =	vld [tilespmem:s11+$0x1020]  }
0x8c: {  	v9 =	vld [tilespmem:s11+$0x1030]  }
0x8d: {  	v8 =	vld [tilespmem:s11+$0x1040]  }
0x8e: {  	v13 =	vadd.s32 v0, v10;
	v10 =	vld [tilespmem:s11+$0x1050]  }
0x8f: {  	s1 =	simm.s32 $0x200;
	s24 =	simm.s32 $0x4AD0;
	[tilespmem:s11+$0x1000] =	vst v13;
	v13 =	vadd.s32 v0, v12;
	v12 =	vld [tilespmem:s11+$0x1060]  }
.LBB2_6:
0x90: {  	s10 =	sshra.s32 s1, $0x2;
	p0 =	sne.s32 s1, $0x1E00;
	[tilespmem:s11+$0x1010] =	vst v13;
	v11 =	vadd.s32 v0, v11;
	v13 =	vld [tilespmem:s11+$0x1070]  }
0x91: {  	v14 =	vld [tilespmem:s10+$0x1000];
	[tilespmem:s11+$0x1020] =	vst v11;
	v9 =	vadd.s32 v0, v9  }
0x92: {  	v15 =	vld [tilespmem:s10+$0x1010];
	[tilespmem:s11+$0x1030] =	vst v9;
	v8 =	vadd.s32 v0, v8  }
.Ltmp2:
0x93: {  	v11 =	vld [tilespmem:s10+$0x1020];
	[tilespmem:s11+$0x1040] =	vst v8;
	v8 =	vadd.s32 v0, v10;
	(pc) =	sbr.rel @p0 .LBB2_6-.Ltmp2, $4  }
0x94: {  	v9 =	vld [tilespmem:s10+$0x1030];
	[tilespmem:s11+$0x1050] =	vst v8;
	v10 =	vadd.s32 v0, v12  }
0x95: {  	v8 =	vld [tilespmem:s10+$0x1040];
	[tilespmem:s11+$0x1060] =	vst v10;
	v12 =	vadd.s32 v0, v13  }
0x96: {  	v13 =	vadd.s32 v0, v14;
	v10 =	vld [tilespmem:s10+$0x1050];
	[tilespmem:s11+$0x1070] =	vst v12;
	s11 =	smov.u32 s10  }
0x97: {  	s1 =	sadd.s32 $0x200, s1;
	[tilespmem:s11+$0x1000] =	vst v13;
	v13 =	vadd.s32 v0, v15;
	v12 =	vld [tilespmem:s11+$0x1060]  }
0x98: {  	[tilespmem:s11+$0x1010] =	vst v13;
	v11 =	vadd.s32 v0, v11;
	v63 =	vld [tilespmem:s11+$0x1070]  }
0x99: {  	[tilespmem:s11+$0x1020] =	vst v11;
	v9 =	vadd.s32 v0, v9  }
0x9a: {  	[tilespmem:s11+$0x1030] =	vst v9;
	v8 =	vadd.s32 v0, v8  }
0x9b: {  	[tilespmem:s11+$0x1040] =	vst v8;
	v8 =	vadd.s32 v0, v10  }
0x9c: {  	[tilespmem:s11+$0x1050] =	vst v8;
	v8 =	vadd.s32 v0, v12  }
0x9d: {  	[tilespmem:s11+$0x1060] =	vst v8;
	v8 =	vadd.s32 v0, v63  }
0x9e: {  	[tilespmem:s11+$0x1070] =	vst v8  }
0x9f: {  	[tilespmem:s24], [sflag:$0x1] =	stream.indirect.gather [hbm4b:s7+s29], $0x40, s12, s29, $0xb8;
	[tilespmem:$0x1ED50] =	vst v63  }
0xa0: {  	s1 =	simm.s32 $0x1080;
	s4 =	simm.s32 $0x6AD0  }
0xa1: {  	[tilespmem:s4], [sflag:$0x2] =	stream.indirect.gather [hbm4b:s7+s29], $0x40, s1, s29, $0xb8;
	[tilespmem:$0x1ED50] =	vst v63  }
0xa2: {  	s13 =	simm.s32 $0x1100;
	s23 =	simm.s32 $0x8AD0  }
0xa3: {  	[tilespmem:s23], [sflag:$0x3] =	stream.indirect.gather [hbm4b:s7+s29], $0x40, s13, s29, $0xb8;
	[tilespmem:$0x1ED50] =	vst v63  }
0xa4: {  	s31 =	simm.s32 $0x1180;
	s11 =	simm.s32 $0x0  }
0xa5: {  	[tilespmem:s5], [sflag:$0x4] =	stream.indirect.gather [hbm4b:s7+s29], $0x40, s31, s29, $0xb8;
	[tilespmem:$0x1ED50] =	vst v63  }
.LBB2_8:
0xa6: {  	s13 =	sshll.u32 s11, $0xA  }
0xa7: {  	s12 =	sand.u32 $0xC00, s13  }
0xa8: {  	v8 =	vld [tilespmem:s12+$0x0];
	_ =	sdelay $0x7  }
0xa9: {  	[tilespmem:v8+s30+$0x0] =	vst.idx.add.f32.msk $0xffff, v7  }
0xaa: {  	v8 =	vld [tilespmem:s12+$0x10];
	_ =	sdelay $0x7  }
0xab: {  	[tilespmem:v8+s30+$0x0] =	vst.idx.add.f32.msk $0xffff, v7  }
0xac: {  	v8 =	vld [tilespmem:s12+$0x20];
	_ =	sdelay $0x7  }
0xad: {  	[tilespmem:v8+s30+$0x0] =	vst.idx.add.f32.msk $0xffff, v7  }
0xae: {  	v8 =	vld [tilespmem:s12+$0x30];
	_ =	sdelay $0x7  }
0xaf: {  	[tilespmem:v8+s30+$0x0] =	vst.idx.add.f32.msk $0xffff, v7  }
0xb0: {  	v8 =	vld [tilespmem:s12+$0x40];
	_ =	sdelay $0x7  }
0xb1: {  	[tilespmem:v8+s30+$0x0] =	vst.idx.add.f32.msk $0xffff, v7  }
0xb2: {  	v8 =	vld [tilespmem:s12+$0x50];
	_ =	sdelay $0x7  }
0xb3: {  	[tilespmem:v8+s30+$0x0] =	vst.idx.add.f32.msk $0xffff, v7  }
0xb4: {  	v8 =	vld [tilespmem:s12+$0x60];
	_ =	sdelay $0x7  }
0xb5: {  	[tilespmem:v8+s30+$0x0] =	vst.idx.add.f32.msk $0xffff, v7  }
0xb6: {  	v8 =	vld [tilespmem:s12+$0x70];
	_ =	sdelay $0x7  }
0xb7: {  	[tilespmem:v8+s30+$0x0] =	vst.idx.add.f32.msk $0xffff, v7  }
0xb8: {  	_ =	swait.ge [sflag:s0], $0x2000  }
0xb9: {  	p0 =	seq.s32 s11, $0x0;
	[sflag:s0] =	ssyncset.done $0x0  }
0xba: {  	s1 =	simm.s32 @!p0 $0xD;
	[sflag:s0] =	ssyncadd.s32 $0xFFFFE000  }
0xbb: {  	[spmem:s2] =	stream.indirect.scatter.add.f32 [tilespmem:s24], [sflag:$0x9], $0x40, s12, s29, $0xb8;
	[tilespmem:$0x1ED50] =	vst v63  }
0xbc: {  	_ =	swait.ge @!p0 [sflag:s1], $0x2000  }
0xbd: {  	[sflag:s1] =	ssyncset.done @!p0 $0x0  }
0xbe: {  	s23 =	sor.u32 $0x1200, s12;
	[sflag:s1] =	ssyncadd.s32 @!p0 $0xFFFFE000  }
0xbf: {  	[tilespmem:s3], [sflag:$0x5] =	stream.indirect.gather [hbm4b:s7+s29], $0x40, s23, s29, $0xb8;
	[tilespmem:$0x1ED50] =	vst v63  }
0xc0: {  	v8 =	vld [tilespmem:s12+$0x80];
	_ =	sdelay $0x7  }
0xc1: {  	[tilespmem:v8+s30+$0x0] =	vst.idx.add.f32.msk $0xffff, v7  }
0xc2: {  	v8 =	vld [tilespmem:s12+$0x90];
	_ =	sdelay $0x7  }
0xc3: {  	[tilespmem:v8+s30+$0x0] =	vst.idx.add.f32.msk $0xffff, v7  }
0xc4: {  	v8 =	vld [tilespmem:s12+$0xA0];
	_ =	sdelay $0x7  }
0xc5: {  	[tilespmem:v8+s30+$0x0] =	vst.idx.add.f32.msk $0xffff, v7  }
0xc6: {  	v8 =	vld [tilespmem:s12+$0xB0];
	_ =	sdelay $0x7  }
0xc7: {  	[tilespmem:v8+s30+$0x0] =	vst.idx.add.f32.msk $0xffff, v7  }
0xc8: {  	v8 =	vld [tilespmem:s12+$0xC0];
	_ =	sdelay $0x7  }
0xc9: {  	[tilespmem:v8+s30+$0x0] =	vst.idx.add.f32.msk $0xffff, v7  }
0xca: {  	v8 =	vld [tilespmem:s12+$0xD0];
	_ =	sdelay $0x7  }
0xcb: {  	[tilespmem:v8+s30+$0x0] =	vst.idx.add.f32.msk $0xffff, v7  }
0xcc: {  	v8 =	vld [tilespmem:s12+$0xE0];
	_ =	sdelay $0x7  }
0xcd: {  	[tilespmem:v8+s30+$0x0] =	vst.idx.add.f32.msk $0xffff, v7  }
0xce: {  	v8 =	vld [tilespmem:s12+$0xF0];
	_ =	sdelay $0x7  }
0xcf: {  	[tilespmem:v8+s30+$0x0] =	vst.idx.add.f32.msk $0xffff, v7  }
0xd0: {  	_ =	swait.ge [sflag:s15], $0x2000  }
0xd1: {  	s4 =	simm.s32 $0x6AD0;
	[sflag:s15] =	ssyncset.done $0x0  }
0xd2: {  	s31 =	sadd.s32 $0x80, s12;
	s1 =	simm.s32 @!p0 $0xE;
	[sflag:s15] =	ssyncadd.s32 $0xFFFFE000  }
0xd3: {  	[spmem:s2] =	stream.indirect.scatter.add.f32 [tilespmem:s4], [sflag:$0xA], $0x40, s31, s29, $0xb8;
	[tilespmem:$0x1ED50] =	vst v63  }
0xd4: {  	_ =	swait.ge @!p0 [sflag:s1], $0x2000  }
0xd5: {  	[sflag:s1] =	ssyncset.done @!p0 $0x0  }
0xd6: {  	s10 =	sor.u32 $0x1280, s12;
	[sflag:s1] =	ssyncadd.s32 @!p0 $0xFFFFE000  }
0xd7: {  	[tilespmem:s16], [sflag:$0x6] =	stream.indirect.gather [hbm4b:s7+s29], $0x40, s10, s29, $0xb8;
	[tilespmem:$0x1ED50] =	vst v63  }
0xd8: {  	v8 =	vld [tilespmem:s12+$0x100];
	_ =	sdelay $0x7  }
0xd9: {  	[tilespmem:v8+s30+$0x0] =	vst.idx.add.f32.msk $0xffff, v7  }
0xda: {  	v8 =	vld [tilespmem:s12+$0x110];
	_ =	sdelay $0x7  }
0xdb: {  	[tilespmem:v8+s30+$0x0] =	vst.idx.add.f32.msk $0xffff, v7  }
0xdc: {  	v8 =	vld [tilespmem:s12+$0x120];
	_ =	sdelay $0x7  }
0xdd: {  	[tilespmem:v8+s30+$0x0] =	vst.idx.add.f32.msk $0xffff, v7  }
0xde: {  	v8 =	vld [tilespmem:s12+$0x130];
	_ =	sdelay $0x7  }
0xdf: {  	[tilespmem:v8+s30+$0x0] =	vst.idx.add.f32.msk $0xffff, v7  }
0xe0: {  	v8 =	vld [tilespmem:s12+$0x140];
	_ =	sdelay $0x7  }
0xe1: {  	[tilespmem:v8+s30+$0x0] =	vst.idx.add.f32.msk $0xffff, v7  }
0xe2: {  	v8 =	vld [tilespmem:s12+$0x150];
	_ =	sdelay $0x7  }
0xe3: {  	[tilespmem:v8+s30+$0x0] =	vst.idx.add.f32.msk $0xffff, v7  }
0xe4: {  	v8 =	vld [tilespmem:s12+$0x160];
	_ =	sdelay $0x7  }
0xe5: {  	[tilespmem:v8+s30+$0x0] =	vst.idx.add.f32.msk $0xffff, v7  }
0xe6: {  	v8 =	vld [tilespmem:s12+$0x170];
	_ =	sdelay $0x7  }
0xe7: {  	[tilespmem:v8+s30+$0x0] =	vst.idx.add.f32.msk $0xffff, v7  }
0xe8: {  	_ =	swait.ge [sflag:s26], $0x2000  }
0xe9: {  	s23 =	sadd.s32 $0x100, s12;
	[sflag:s26] =	ssyncset.done $0x0  }
0xea: {  	s31 =	simm.s32 $0x8AD0;
	s1 =	simm.s32 @!p0 $0xF;
	[sflag:s26] =	ssyncadd.s32 $0xFFFFE000  }
0xeb: {  	[spmem:s2] =	stream.indirect.scatter.add.f32 [tilespmem:s31], [sflag:$0xB], $0x40, s23, s29, $0xb8;
	[tilespmem:$0x1ED50] =	vst v63  }
0xec: {  	_ =	swait.ge @!p0 [sflag:s1], $0x2000  }
0xed: {  	[sflag:s1] =	ssyncset.done @!p0 $0x0  }
0xee: {  	s10 =	sor.u32 $0x1300, s12;
	[sflag:s1] =	ssyncadd.s32 @!p0 $0xFFFFE000  }
0xef: {  	[tilespmem:s17], [sflag:$0x7] =	stream.indirect.gather [hbm4b:s7+s29], $0x40, s10, s29, $0xb8;
	[tilespmem:$0x1ED50] =	vst v63  }
0xf0: {  	v8 =	vld [tilespmem:s12+$0x180];
	_ =	sdelay $0x7  }
0xf1: {  	[tilespmem:v8+s30+$0x0] =	vst.idx.add.f32.msk $0xffff, v7  }
0xf2: {  	v8 =	vld [tilespmem:s12+$0x190];
	_ =	sdelay $0x7  }
0xf3: {  	[tilespmem:v8+s30+$0x0] =	vst.idx.add.f32.msk $0xffff, v7  }
0xf4: {  	v8 =	vld [tilespmem:s12+$0x1A0];
	_ =	sdelay $0x7  }
0xf5: {  	[tilespmem:v8+s30+$0x0] =	vst.idx.add.f32.msk $0xffff, v7  }
0xf6: {  	v8 =	vld [tilespmem:s12+$0x1B0];
	_ =	sdelay $0x7  }
0xf7: {  	[tilespmem:v8+s30+$0x0] =	vst.idx.add.f32.msk $0xffff, v7  }
0xf8: {  	v8 =	vld [tilespmem:s12+$0x1C0];
	_ =	sdelay $0x7  }
0xf9: {  	[tilespmem:v8+s30+$0x0] =	vst.idx.add.f32.msk $0xffff, v7  }
0xfa: {  	v8 =	vld [tilespmem:s12+$0x1D0];
	_ =	sdelay $0x7  }
0xfb: {  	[tilespmem:v8+s30+$0x0] =	vst.idx.add.f32.msk $0xffff, v7  }
0xfc: {  	v8 =	vld [tilespmem:s12+$0x1E0];
	_ =	sdelay $0x7  }
0xfd: {  	[tilespmem:v8+s30+$0x0] =	vst.idx.add.f32.msk $0xffff, v7  }
0xfe: {  	v8 =	vld [tilespmem:s12+$0x1F0];
	_ =	sdelay $0x7  }
0xff: {  	[tilespmem:v8+s30+$0x0] =	vst.idx.add.f32.msk $0xffff, v7  }
0x100: {  	_ =	swait.ge [sflag:s18], $0x2000  }
0x101: {  	[sflag:s18] =	ssyncset.done $0x0  }
0x102: {  	s23 =	sadd.s32 $0x180, s12;
	s1 =	simm.s32 @!p0 $0x10;
	[sflag:s18] =	ssyncadd.s32 $0xFFFFE000  }
0x103: {  	[spmem:s2] =	stream.indirect.scatter.add.f32 [tilespmem:s5], [sflag:$0xC], $0x40, s23, s29, $0xb8;
	[tilespmem:$0x1ED50] =	vst v63  }
0x104: {  	_ =	swait.ge @!p0 [sflag:s1], $0x2000  }
0x105: {  	s31 =	sor.u32 $0x1380, s12;
	[sflag:s1] =	ssyncset.done @!p0 $0x0  }
0x106: {  	[sflag:s1] =	ssyncadd.s32 @!p0 $0xFFFFE000;
	s1 =	sand.u32 $0x1, s11;
	p0 =	sgt.u32 s11, $0x11  }
0x107: {  	[tilespmem:s19], [sflag:$0x8] =	stream.indirect.gather [hbm4b:s7+s29], $0x40, s31, s29, $0xb8;
	[tilespmem:$0x1ED50] =	vst v63  }
0x108: {  	p1 =	sne.s32 @!p0 s1, $0x0  }
0x109: {  	s10 =	sshrl.u32 s11, $0x1;
	p0 =	por p1, p0  }
0x10a: {  	s10 =	sadd.s32 @!p0 $0x1, s10  }
0x10b: {  	s31 =	sadd.s32 @!p0 s14, s10  }
0x10c: {  	s4 =	rddreg [dreg:$0x0];
	s10 =	sshll.u32 @!p0 s10, $0xB;
	s31 =	sshll.u32 @!p0 s31, $0x8  }
0x10d: {  	s23 =	simm.s32 @!p0 $0x0;
	s10 =	sand.u32 @!p0 $0x800, s10;
	s4 =	sadd.s32 @!p0 s4, s31  }
0x10e: {  	[tilespmem:s10], [sflag:$0x11] =	stream.linear.gather @!p0 [hbm4b:s4+s23], $0x800, $0x38;
	[tilespmem:$0x1ED50] =	vst v63  }
0x10f: {  	s4 =	sor.u32 @!p0 $0x1000, s10;
	s10 =	sadd.s32 @!p0 s6, s31  }
0x110: {  	[tilespmem:s4], [sflag:$0x11] =	stream.linear.gather @!p0 [hbm4b:s10+s23], $0x800, $0x38;
	[tilespmem:$0x1ED50] =	vst v63  }
0x111: {  	p6 =	seq.s32 s1, $0x1;
	p0 =	seq.s32 s11, $0x13  }
0x112: {  	p1 =	por p0, !p6  }
.Ltmp3:
0x113: {  	_ = 	snop;
	(pc) =	sbr.rel @p1 .LBB2_12-.Ltmp3, $1  }
0x114: {  	_ =	sdelay $0x3  }
0x115: {  	_ =	swait.ge [sflag:s28], $0x800  }
0x116: {  	[sflag:s28] =	ssyncset.done $0x0  }
0x117: {  	[sflag:s28] =	ssyncadd.s32 $0xFFFFF800  }
0x118: {  	s10 =	sand.u32 $0x800, s13;
	_ =	swait.ge [sflag:s28], $0x800  }
0x119: {  	s1 =	sadd.s32 $0x0, s10;
	[sflag:s28] =	ssyncset.done $0x0  }
0x11a: {  	s13 =	sxor.u32 $0x800, s1;
	[sflag:s28] =	ssyncadd.s32 $0xFFFFF800  }
0x11b: {  	v10 =	vld [tilespmem:s13+$0x1000]  }
0x11c: {  	v12 =	vld [tilespmem:s13+$0x1010]  }
0x11d: {  	v11 =	vld [tilespmem:s13+$0x1020]  }
0x11e: {  	v9 =	vld [tilespmem:s13+$0x1030]  }
0x11f: {  	v8 =	vld [tilespmem:s13+$0x1040]  }
0x120: {  	s1 =	simm.s32 $0x80;
	v13 =	vadd.s32 v0, v10;
	v10 =	vld [tilespmem:s13+$0x1050]  }
.LBB2_10:
0x121: {  	s4 =	sadd.s32 s1, s10;
	p1 =	sne.s32 s1, $0x780;
	[tilespmem:s13+$0x1000] =	vst v13;
	v12 =	vadd.s32 v0, v12;
	v13 =	vld [tilespmem:s13+$0x1060]  }
0x122: {  	s4 =	sxor.u32 $0x800, s4;
	[tilespmem:s13+$0x1010] =	vst v12;
	v11 =	vadd.s32 v0, v11;
	v14 =	vld [tilespmem:s13+$0x1070]  }
0x123: {  	v15 =	vld [tilespmem:s4+$0x1000];
	[tilespmem:s13+$0x1020] =	vst v11;
	v9 =	vadd.s32 v0, v9  }
.Ltmp4:
0x124: {  	v12 =	vld [tilespmem:s4+$0x1010];
	[tilespmem:s13+$0x1030] =	vst v9;
	v8 =	vadd.s32 v0, v8;
	(pc) =	sbr.rel @p1 .LBB2_10-.Ltmp4, $4  }
0x125: {  	v11 =	vld [tilespmem:s4+$0x1020];
	[tilespmem:s13+$0x1040] =	vst v8;
	v8 =	vadd.s32 v0, v10  }
0x126: {  	v9 =	vld [tilespmem:s4+$0x1030];
	[tilespmem:s13+$0x1050] =	vst v8;
	v10 =	vadd.s32 v0, v13  }
0x127: {  	v8 =	vld [tilespmem:s4+$0x1040];
	[tilespmem:s13+$0x1060] =	vst v10;
	v14 =	vadd.s32 v0, v14  }
0x128: {  	s1 =	sadd.s32 $0x80, s1;
	v13 =	vadd.s32 v0, v15;
	v10 =	vld [tilespmem:s4+$0x1050];
	[tilespmem:s13+$0x1070] =	vst v14;
	s13 =	smov.u32 s4  }
0x129: {  	[tilespmem:s13+$0x1000] =	vst v13;
	v12 =	vadd.s32 v0, v12;
	v62 =	vld [tilespmem:s13+$0x1060]  }
0x12a: {  	v63 =	vld [tilespmem:s13+$0x1070];
	[tilespmem:s13+$0x1010] =	vst v12;
	v11 =	vadd.s32 v0, v11  }
0x12b: {  	[tilespmem:s13+$0x1020] =	vst v11;
	v9 =	vadd.s32 v0, v9  }
0x12c: {  	[tilespmem:s13+$0x1030] =	vst v9;
	v8 =	vadd.s32 v0, v8  }
0x12d: {  	[tilespmem:s13+$0x1040] =	vst v8;
	v8 =	vadd.s32 v0, v10  }
0x12e: {  	[tilespmem:s13+$0x1050] =	vst v8;
	v8 =	vadd.s32 v0, v62  }
0x12f: {  	[tilespmem:s13+$0x1060] =	vst v8;
	v8 =	vadd.s32 v0, v63  }
0x130: {  	[tilespmem:s13+$0x1070] =	vst v8  }
.LBB2_12:
0x131: {  	s1 =	sor.u32 $0x200, s12  }
0x132: {  	v8 =	vld [tilespmem:s1+$0x0];
	_ =	sdelay $0x7  }
0x133: {  	[tilespmem:v8+s30+$0x0] =	vst.idx.add.f32.msk $0xffff, v7  }
0x134: {  	v8 =	vld [tilespmem:s1+$0x10];
	_ =	sdelay $0x7  }
0x135: {  	[tilespmem:v8+s30+$0x0] =	vst.idx.add.f32.msk $0xffff, v7  }
0x136: {  	v8 =	vld [tilespmem:s1+$0x20];
	_ =	sdelay $0x7  }
0x137: {  	[tilespmem:v8+s30+$0x0] =	vst.idx.add.f32.msk $0xffff, v7  }
0x138: {  	v8 =	vld [tilespmem:s1+$0x30];
	_ =	sdelay $0x7  }
0x139: {  	[tilespmem:v8+s30+$0x0] =	vst.idx.add.f32.msk $0xffff, v7  }
0x13a: {  	v8 =	vld [tilespmem:s1+$0x40];
	_ =	sdelay $0x7  }
0x13b: {  	[tilespmem:v8+s30+$0x0] =	vst.idx.add.f32.msk $0xffff, v7  }
0x13c: {  	v8 =	vld [tilespmem:s1+$0x50];
	_ =	sdelay $0x7  }
0x13d: {  	[tilespmem:v8+s30+$0x0] =	vst.idx.add.f32.msk $0xffff, v7  }
0x13e: {  	v8 =	vld [tilespmem:s1+$0x60];
	_ =	sdelay $0x7  }
0x13f: {  	[tilespmem:v8+s30+$0x0] =	vst.idx.add.f32.msk $0xffff, v7  }
0x140: {  	v8 =	vld [tilespmem:s1+$0x70];
	_ =	sdelay $0x7  }
0x141: {  	[tilespmem:v8+s30+$0x0] =	vst.idx.add.f32.msk $0xffff, v7  }
0x142: {  	_ =	swait.ge [sflag:s20], $0x2000  }
0x143: {  	[sflag:s20] =	ssyncset.done $0x0  }
0x144: {  	[sflag:s20] =	ssyncadd.s32 $0xFFFFE000  }
0x145: {  	[spmem:s2] =	stream.indirect.scatter.add.f32 [tilespmem:s3], [sflag:$0xD], $0x40, s1, s29, $0xb8;
	[tilespmem:$0x1ED50] =	vst v63  }
0x146: {  	s13 =	sshll.u32 s11, $0xC;
	s1 =	simm.s32 @!p0 $0x9  }
0x147: {  	s4 =	sadd.s32 @!p0 $0x1000, s13;
	_ =	swait.ge @!p0 [sflag:s1], $0x2000  }
0x148: {  	s4 =	sand.u32 @!p0 $0x3000, s4;
	[sflag:s1] =	ssyncset.done @!p0 $0x0  }
0x149: {  	s23 =	sor.u32 $0x280, s12;
	[sflag:s1] =	ssyncadd.s32 @!p0 $0xFFFFE000;
	s1 =	sshrl.u32 @!p0 s4, $0x2  }
0x14a: {  	s10 =	simm.s32 @!p0 $0x80;
	s4 =	simm.s32 @!p0 $0x4AD0;
	s1 =	sor.u32 @!p0 $0x1000, s1  }
0x14b: {  	[tilespmem:s4], [sflag:$0x1] =	stream.indirect.gather @!p0 [hbm4b:s7+s10], $0x40, s1, s10, $0xb8;
	[tilespmem:$0x1ED50] =	vst v63  }
0x14c: {  	v8 =	vld [tilespmem:s23+$0x0];
	_ =	sdelay $0x7  }
0x14d: {  	[tilespmem:v8+s30+$0x0] =	vst.idx.add.f32.msk $0xffff, v7  }
0x14e: {  	v8 =	vld [tilespmem:s23+$0x10];
	_ =	sdelay $0x7  }
0x14f: {  	[tilespmem:v8+s30+$0x0] =	vst.idx.add.f32.msk $0xffff, v7  }
0x150: {  	v8 =	vld [tilespmem:s23+$0x20];
	_ =	sdelay $0x7  }
0x151: {  	[tilespmem:v8+s30+$0x0] =	vst.idx.add.f32.msk $0xffff, v7  }
0x152: {  	v8 =	vld [tilespmem:s23+$0x30];
	_ =	sdelay $0x7  }
0x153: {  	[tilespmem:v8+s30+$0x0] =	vst.idx.add.f32.msk $0xffff, v7  }
0x154: {  	v8 =	vld [tilespmem:s23+$0x40];
	_ =	sdelay $0x7  }
0x155: {  	[tilespmem:v8+s30+$0x0] =	vst.idx.add.f32.msk $0xffff, v7  }
0x156: {  	v8 =	vld [tilespmem:s23+$0x50];
	_ =	sdelay $0x7  }
0x157: {  	[tilespmem:v8+s30+$0x0] =	vst.idx.add.f32.msk $0xffff, v7  }
0x158: {  	v8 =	vld [tilespmem:s23+$0x60];
	_ =	sdelay $0x7  }
0x159: {  	[tilespmem:v8+s30+$0x0] =	vst.idx.add.f32.msk $0xffff, v7  }
0x15a: {  	v8 =	vld [tilespmem:s23+$0x70];
	_ =	sdelay $0x7  }
0x15b: {  	[tilespmem:v8+s30+$0x0] =	vst.idx.add.f32.msk $0xffff, v7  }
0x15c: {  	_ =	swait.ge [sflag:s21], $0x2000  }
0x15d: {  	[sflag:s21] =	ssyncset.done $0x0  }
0x15e: {  	s1 =	simm.s32 @!p0 $0xA;
	s4 =	sadd.s32 @!p0 $0x1200, s13;
	[sflag:s21] =	ssyncadd.s32 $0xFFFFE000  }
0x15f: {  	[spmem:s2] =	stream.indirect.scatter.add.f32 [tilespmem:s16], [sflag:$0xE], $0x40, s23, s29, $0xb8;
	[tilespmem:$0x1ED50] =	vst v63  }
0x160: {  	s4 =	sand.u32 @!p0 $0x3200, s4;
	_ =	swait.ge @!p0 [sflag:s1], $0x2000  }
0x161: {  	s31 =	sor.u32 $0x300, s12;
	s4 =	sshrl.u32 @!p0 s4, $0x2;
	[sflag:s1] =	ssyncset.done @!p0 $0x0  }
0x162: {  	[sflag:s1] =	ssyncadd.s32 @!p0 $0xFFFFE000;
	s1 =	sor.u32 @!p0 $0x1000, s4;
	s4 =	simm.s32 @!p0 $0x6AD0  }
0x163: {  	[tilespmem:s4], [sflag:$0x2] =	stream.indirect.gather @!p0 [hbm4b:s7+s10], $0x40, s1, s10, $0xb8;
	[tilespmem:$0x1ED50] =	vst v63  }
0x164: {  	v8 =	vld [tilespmem:s31+$0x0];
	_ =	sdelay $0x7  }
0x165: {  	[tilespmem:v8+s30+$0x0] =	vst.idx.add.f32.msk $0xffff, v7  }
0x166: {  	v8 =	vld [tilespmem:s31+$0x10];
	_ =	sdelay $0x7  }
0x167: {  	[tilespmem:v8+s30+$0x0] =	vst.idx.add.f32.msk $0xffff, v7  }
0x168: {  	v8 =	vld [tilespmem:s31+$0x20];
	_ =	sdelay $0x7  }
0x169: {  	[tilespmem:v8+s30+$0x0] =	vst.idx.add.f32.msk $0xffff, v7  }
0x16a: {  	v8 =	vld [tilespmem:s31+$0x30];
	_ =	sdelay $0x7  }
0x16b: {  	[tilespmem:v8+s30+$0x0] =	vst.idx.add.f32.msk $0xffff, v7  }
0x16c: {  	v8 =	vld [tilespmem:s31+$0x40];
	_ =	sdelay $0x7  }
0x16d: {  	[tilespmem:v8+s30+$0x0] =	vst.idx.add.f32.msk $0xffff, v7  }
0x16e: {  	v8 =	vld [tilespmem:s31+$0x50];
	_ =	sdelay $0x7  }
0x16f: {  	[tilespmem:v8+s30+$0x0] =	vst.idx.add.f32.msk $0xffff, v7  }
0x170: {  	v8 =	vld [tilespmem:s31+$0x60];
	_ =	sdelay $0x7  }
0x171: {  	[tilespmem:v8+s30+$0x0] =	vst.idx.add.f32.msk $0xffff, v7  }
0x172: {  	v8 =	vld [tilespmem:s31+$0x70];
	_ =	sdelay $0x7  }
0x173: {  	[tilespmem:v8+s30+$0x0] =	vst.idx.add.f32.msk $0xffff, v7  }
0x174: {  	_ =	swait.ge [sflag:s22], $0x2000  }
0x175: {  	[sflag:s22] =	ssyncset.done $0x0  }
0x176: {  	s1 =	simm.s32 @!p0 $0xB;
	s4 =	sadd.s32 @!p0 $0x1400, s13;
	[sflag:s22] =	ssyncadd.s32 $0xFFFFE000  }
0x177: {  	[spmem:s2] =	stream.indirect.scatter.add.f32 [tilespmem:s17], [sflag:$0xF], $0x40, s31, s29, $0xb8;
	[tilespmem:$0x1ED50] =	vst v63  }
0x178: {  	s4 =	sand.u32 @!p0 $0x3400, s4;
	_ =	swait.ge @!p0 [sflag:s1], $0x2000  }
0x179: {  	s4 =	sshrl.u32 @!p0 s4, $0x2;
	s31 =	sor.u32 $0x380, s12;
	[sflag:s1] =	ssyncset.done @!p0 $0x0  }
0x17a: {  	[sflag:s1] =	ssyncadd.s32 @!p0 $0xFFFFE000;
	s1 =	sor.u32 @!p0 $0x1000, s4;
	s4 =	simm.s32 @!p0 $0x8AD0  }
0x17b: {  	[tilespmem:s4], [sflag:$0x3] =	stream.indirect.gather @!p0 [hbm4b:s7+s10], $0x40, s1, s10, $0xb8;
	[tilespmem:$0x1ED50] =	vst v63  }
0x17c: {  	v8 =	vld [tilespmem:s31+$0x0];
	_ =	sdelay $0x7  }
0x17d: {  	[tilespmem:v8+s30+$0x0] =	vst.idx.add.f32.msk $0xffff, v7  }
0x17e: {  	v8 =	vld [tilespmem:s31+$0x10];
	_ =	sdelay $0x7  }
0x17f: {  	[tilespmem:v8+s30+$0x0] =	vst.idx.add.f32.msk $0xffff, v7  }
0x180: {  	v8 =	vld [tilespmem:s31+$0x20];
	_ =	sdelay $0x7  }
0x181: {  	[tilespmem:v8+s30+$0x0] =	vst.idx.add.f32.msk $0xffff, v7  }
0x182: {  	v8 =	vld [tilespmem:s31+$0x30];
	_ =	sdelay $0x7  }
0x183: {  	[tilespmem:v8+s30+$0x0] =	vst.idx.add.f32.msk $0xffff, v7  }
0x184: {  	v8 =	vld [tilespmem:s31+$0x40];
	_ =	sdelay $0x7  }
0x185: {  	[tilespmem:v8+s30+$0x0] =	vst.idx.add.f32.msk $0xffff, v7  }
0x186: {  	v8 =	vld [tilespmem:s31+$0x50];
	_ =	sdelay $0x7  }
0x187: {  	[tilespmem:v8+s30+$0x0] =	vst.idx.add.f32.msk $0xffff, v7  }
0x188: {  	v8 =	vld [tilespmem:s31+$0x60];
	_ =	sdelay $0x7  }
0x189: {  	[tilespmem:v8+s30+$0x0] =	vst.idx.add.f32.msk $0xffff, v7  }
0x18a: {  	v8 =	vld [tilespmem:s31+$0x70];
	_ =	sdelay $0x7  }
.Ltmp5:
0x18b: {  	[tilespmem:v8+s30+$0x0] =	vst.idx.add.f32.msk $0xffff, v7;
	(pc) =	sbr.rel @p0 .LBB2_14-.Ltmp5, $4  }
0x18c: {  	_ =	swait.ge [sflag:s8], $0x2000  }
0x18d: {  	[sflag:s8] =	ssyncset.done $0x0  }
0x18e: {  	[sflag:s8] =	ssyncadd.s32 $0xFFFFE000  }
0x18f: {  	[spmem:s2] =	stream.indirect.scatter.add.f32 [tilespmem:s19], [sflag:$0x10], $0x40, s31, s29, $0xb8;
	[tilespmem:$0x1ED50] =	vst v63  }
.Ltmp6:
0x190: {  	s1 =	sadd.s32 $0x1600, s13;
	(pc) =	sbr.rel .LBB2_8-.Ltmp6, $4  }
0x191: {  	_ =	swait.ge [sflag:s9], $0x2000;
	s1 =	sand.u32 $0x3600, s1  }
0x192: {  	[sflag:s9] =	ssyncset.done $0x0;
	s1 =	sshrl.u32 s1, $0x2  }
0x193: {  	s11 =	sadd.s32 $0x1, s11;
	[sflag:s9] =	ssyncadd.s32 $0xFFFFE000;
	s1 =	sor.u32 $0x1000, s1  }
0x194: {  	[tilespmem:s5], [sflag:$0x4] =	stream.indirect.gather [hbm4b:s7+s29], $0x40, s1, s29, $0xb8;
	[tilespmem:$0x1ED50] =	vst v63  }
.LBB2_14:
0x195: {  	s1 =	simm.s32 $0x9  }
0x196: {  	_ =	swait.ge [sflag:s1], $0x2000  }
0x197: {  	[sflag:s1] =	ssyncset.done $0x0  }
0x198: {  	s13 =	simm.s32 $0xA;
	[sflag:s1] =	ssyncadd.s32 $0xFFFFE000  }
0x199: {  	_ =	swait.ge [sflag:s13], $0x2000  }
0x19a: {  	[sflag:s13] =	ssyncset.done $0x0  }
0x19b: {  	s23 =	simm.s32 $0xB;
	[sflag:s13] =	ssyncadd.s32 $0xFFFFE000  }
0x19c: {  	_ =	swait.ge [sflag:s23], $0x2000  }
0x19d: {  	[sflag:s23] =	ssyncset.done $0x0  }
0x19e: {  	[sflag:s23] =	ssyncadd.s32 $0xFFFFE000  }
0x19f: {  	_ =	swait.ge [sflag:s9], $0x2000  }
0x1a0: {  	[sflag:s9] =	ssyncset.done $0x0  }
0x1a1: {  	s31 =	simm.s32 $0xD;
	[sflag:s9] =	ssyncadd.s32 $0xFFFFE000  }
0x1a2: {  	_ =	swait.ge [sflag:s31], $0x2000  }
0x1a3: {  	[sflag:s31] =	ssyncset.done $0x0  }
0x1a4: {  	s4 =	simm.s32 $0xE;
	[sflag:s31] =	ssyncadd.s32 $0xFFFFE000  }
0x1a5: {  	_ =	swait.ge [sflag:s4], $0x2000  }
0x1a6: {  	[sflag:s4] =	ssyncset.done $0x0  }
0x1a7: {  	s10 =	simm.s32 $0xF;
	[sflag:s4] =	ssyncadd.s32 $0xFFFFE000  }
0x1a8: {  	_ =	swait.ge [sflag:s10], $0x2000  }
0x1a9: {  	[sflag:s10] =	ssyncset.done $0x0  }
0x1aa: {  	s11 =	simm.s32 $0x10;
	[sflag:s10] =	ssyncadd.s32 $0xFFFFE000  }
0x1ab: {  	_ =	swait.ge [sflag:s11], $0x2000  }
0x1ac: {  	[sflag:s11] =	ssyncset.done $0x0  }
0x1ad: {  	s12 =	simm.s32 $0x12;
	[sflag:s11] =	ssyncadd.s32 $0xFFFFE000  }
0x1ae: {  	s4 =	simm.s32 $0x50;
	s10 =	simm.s32 $0x4A80;
	s1 =	rddreg [dreg:$0x3]  }
0x1af: {  	[spmem:s1] =	stream.indirect.scatter.add.f32 [tilespmem:s30], [sflag:$0x12], $0x80, s10, s4, $0xb8;
	[tilespmem:$0x1ED50] =	vst v63  }
0x1b0: {  	_ =	swait.ge [sflag:s12], $0x2800  }
0x1b1: {  	[sflag:s12] =	ssyncset.done $0x0  }
0x1b2: {  	[sflag:s12] =	ssyncadd.s32 $0xFFFFD800  }
0x1b3: {  	[bflag:$0x0] =	sbarrier.arrive $0xFFFF  }
0x1b4: {  	s13 =	rddreg [dreg:$0xa]  }
0x1b5: {  	[tilespmem:s25], [sflag:$0x12] =	stream.linear.gather [spmem:s13], $0x280, $0x38;
	[tilespmem:$0x1ED50] =	vst v63  }
0x1b6: {  	_ =	swait.ge [sflag:s12], $0x280  }
0x1b7: {  	s23 =	simm.s32 $0x0;
	[sflag:s12] =	ssyncset.done $0x0  }
0x1b8: {  	v8 =	vmov s23;
	s23 =	rddreg [dreg:$0x5];
	[sflag:s12] =	ssyncadd.s32 $0xFFFFFD80  }
0x1b9: {  	[tilespmem:s24], [sflag:$0x12] =	stream.linear.gather [spmem:s23], $0x2000, $0x38;
	[tilespmem:$0x1ED50] =	vst v63  }
0x1ba: {  	s24 =	simm.s32 $0x12  }
0x1bb: {  	_ =	swait.ge [sflag:s24], $0x2000  }
0x1bc: {  	[sflag:s24] =	ssyncset.done $0x0  }
0x1bd: {  	[sflag:s24] =	ssyncadd.s32 $0xFFFFE000  }
0x1be: {  	v8 =	vld.idx.msk [tilespmem:v8+s25+$0x0], $0xffff;
	_ =	sdelay $0x4  }
0x1bf: {  	vm0 =	veq.f32 v8, $0.0e+00  }
0x1c0: {  	v8 =	vsel vm0, $0x3F800000, v8  }
0x1c1: {  	(erf) = vrcp.f32 v8;
	_ =	sdelay $0x1  }
0x1c2: {  	s11 =	simm.s32 $0x4AF0  }
0x1c3: {  	v11 =	vld [tilespmem:s11+$0x10]  }
0x1c4: {  	v9 =	vld [tilespmem:s11+$0xFFFFFFE0]  }
0x1c5: {  	v8 =	vld [tilespmem:s11+$0xFFFFFFF0]  }
0x1c6: {  	v12 =	vld [tilespmem:s11+$0x0];
	_ =	sdelay $0x2  }
0x1c7: {  	v13 =	vpop (erf)  }
0x1c8: {  	s31 =	simm.s32 $0x1;
	v10 =	vmul.f32 v13, v9;
	v9 =	vmul.f32 v13, v8  }
0x1c9: {  	s10 =	simm.s32 $0x2;
	v8 =	vmov s31;
	v12 =	vmul.f32 v12, v13;
	v11 =	vmul.f32 v11, v13  }
.LBB2_15:
0x1ca: {  	p0 =	sne.s32 s10, $0x7F;
	[tilespmem:s11+$0xFFFFFFE0] =	vst v10  }
0x1cb: {  	[tilespmem:s11+$0xFFFFFFF0] =	vst v9  }
0x1cc: {  	[tilespmem:s11+$0x0] =	vst v12  }
0x1cd: {  	[tilespmem:s11+$0x10] =	vst v11  }
0x1ce: {  	v8 =	vld.idx.msk [tilespmem:v8+s25+$0x0], $0xffff;
	_ =	sdelay $0x5  }
0x1cf: {  	vm0 =	veq.f32 v8, $0.0e+00  }
0x1d0: {  	v8 =	vsel vm0, $0x3F800000, v8  }
0x1d1: {  	(erf) = vrcp.f32 v8;
	_ =	sdelay $0x1  }
0x1d2: {  	s11 =	sadd.s32 $0x40, s11  }
0x1d3: {  	v8 =	vld [tilespmem:s11+$0xFFFFFFF0]  }
0x1d4: {  	v11 =	vld [tilespmem:s11+$0x10]  }
0x1d5: {  	v9 =	vld [tilespmem:s11+$0xFFFFFFE0]  }
0x1d6: {  	v12 =	vld [tilespmem:s11+$0x0]  }
.Ltmp7:
0x1d7: {  	(pc) =	sbr.rel @p0 .LBB2_15-.Ltmp7, $4  }
0x1d8: {  	_ = 	snop  }
0x1d9: {  	v13 =	vpop (erf)  }
0x1da: {  	v10 =	vmul.f32 v13, v9;
	v9 =	vmul.f32 v13, v8  }
0x1db: {  	v8 =	vmov s10;
	s10 =	sadd.s32 $0x1, s10;
	v11 =	vmul.f32 v11, v13;
	v12 =	vmul.f32 v12, v13  }
0x1dc: {  	[tilespmem:s11+$0xFFFFFFE0] =	vst v10  }
0x1dd: {  	[tilespmem:s11+$0xFFFFFFF0] =	vst v9  }
0x1de: {  	[tilespmem:s11+$0x0] =	vst v12  }
0x1df: {  	[tilespmem:s11+$0x10] =	vst v11  }
0x1e0: {  	v8 =	vld.idx.msk [tilespmem:v8+s25+$0x0], $0xffff;
	_ =	sdelay $0x4  }
0x1e1: {  	vm0 =	veq.f32 v8, $0.0e+00  }
0x1e2: {  	v8 =	vsel vm0, $0x3F800000, v8  }
0x1e3: {  	(erf) = vrcp.f32 v8;
	_ =	sdelay $0x3  }
0x1e4: {  	s1 =	sadd.s32 $0x40, s11  }
0x1e5: {  	v8 =	vld [tilespmem:s1+$0xFFFFFFE0]  }
0x1e6: {  	v9 =	vld [tilespmem:s1+$0xFFFFFFF0]  }
0x1e7: {  	v10 =	vld [tilespmem:s1+$0x0]  }
0x1e8: {  	v11 =	vld [tilespmem:s1+$0x10]  }
0x1e9: {  	v12 =	vpop (erf)  }
0x1ea: {  	v8 =	vmul.f32 v12, v8  }
0x1eb: {  	v9 =	vmul.f32 v12, v9  }
0x1ec: {  	v10 =	vmul.f32 v10, v12;
	[tilespmem:s1+$0xFFFFFFE0] =	vst v8  }
0x1ed: {  	v8 =	vmul.f32 v11, v12;
	[tilespmem:s1+$0xFFFFFFF0] =	vst v9  }
0x1ee: {  	s4 =	simm.s32 $0x0;
	[tilespmem:s1+$0x0] =	vst v10  }
0x1ef: {  	s12 =	rddreg [dreg:$0xd];
	s10 =	simm.s32 $0x4AD0;
	[tilespmem:s1+$0x10] =	vst v8;
	v8 =	vmov s4  }
0x1f0: {  	[hbm4b:s12+s4] =	stream.linear.scatter [tilespmem:s10], [sflag:$0x12], $0x2000, $0x38;
	v8 =	vand.u32 $0x7F, v8;
	[tilespmem:$0x1ED50] =	vst v63  }
0x1f1: {  	_ =	swait.ge [sflag:s24], $0x2000;
	v8 =	vor.u32 $0x80, v8  }
0x1f2: {  	[sflag:s24] =	ssyncset.done $0x0;
	v8 =	vbroadcast v8, $0x0  }
0x1f3: {  	s11 =	rddreg [dreg:$0x6];
	[sflag:s24] =	ssyncadd.s32 $0xFFFFE000  }
0x1f4: {  	[tilespmem:s10], [sflag:$0x12] =	stream.linear.gather [spmem:s11], $0x2000, $0x38;
	[tilespmem:$0x1ED50] =	vst v63  }
0x1f5: {  	_ =	swait.ge [sflag:s24], $0x2000  }
0x1f6: {  	[sflag:s24] =	ssyncset.done $0x0  }
0x1f7: {  	[sflag:s24] =	ssyncadd.s32 $0xFFFFE000  }
0x1f8: {  	v10 =	vld.idx.msk [tilespmem:v8+s25+$0x0], $0xffff;
	_ =	sdelay $0x4  }
0x1f9: {  	vm15 =	veq.f32 v10, $0.0e+00  }
0x1fa: {  	v11 =	vsel vm15, $0x3F800000, v10  }
0x1fb: {  	(erf) = vrcp.f32 v11;
	_ =	sdelay $0x1  }
0x1fc: {  	s11 =	simm.s32 $0x4AF0  }
0x1fd: {  	v9 =	vld [tilespmem:s11+$0xFFFFFFF0]  }
0x1fe: {  	v8 =	vld [tilespmem:s11+$0x10]  }
0x1ff: {  	s12 =	simm.s32 $0x1;
	v10 =	vld [tilespmem:s11+$0xFFFFFFE0]  }
0x200: {  	v12 =	vmov s12;
	v11 =	vld [tilespmem:s11+$0x0]  }
0x201: {  	v12 =	vand.u32 $0x7F, v12;
	s10 =	simm.s32 $0x2;
	s31 =	rddreg [dreg:$0x7]  }
.LBB2_17:
0x202: {  	p0 =	sne.s32 s10, $0x7F;
	v12 =	vor.u32 $0x80, v12  }
0x203: {  	v12 =	vbroadcast v12, $0x0;
	v13 =	vpop (erf)  }
0x204: {  	v10 =	vmul.f32 v13, v10;
	v9 =	vmul.f32 v13, v9  }
0x205: {  	v8 =	vmul.f32 v8, v13;
	v11 =	vmul.f32 v11, v13  }
0x206: {  	[tilespmem:s11+$0xFFFFFFE0] =	vst v10  }
0x207: {  	[tilespmem:s11+$0xFFFFFFF0] =	vst v9  }
0x208: {  	[tilespmem:s11+$0x0] =	vst v11  }
0x209: {  	[tilespmem:s11+$0x10] =	vst v8  }
0x20a: {  	v8 =	vld.idx.msk [tilespmem:v12+s25+$0x0], $0xffff;
	_ =	sdelay $0x5  }
0x20b: {  	vm0 =	veq.f32 v8, $0.0e+00  }
0x20c: {  	v8 =	vsel vm0, $0x3F800000, v8  }
0x20d: {  	(erf) = vrcp.f32 v8;
	_ =	sdelay $0x1  }
0x20e: {  	s11 =	sadd.s32 $0x40, s11  }
.Ltmp8:
0x20f: {  	v9 =	vld [tilespmem:s11+$0xFFFFFFF0];
	(pc) =	sbr.rel @p0 .LBB2_17-.Ltmp8, $4  }
0x210: {  	v8 =	vld [tilespmem:s11+$0x10]  }
0x211: {  	v10 =	vld [tilespmem:s11+$0xFFFFFFE0]  }
0x212: {  	v12 =	vmov s10;
	v11 =	vld [tilespmem:s11+$0x0]  }
0x213: {  	s10 =	sadd.s32 $0x1, s10;
	v12 =	vand.u32 $0x7F, v12  }
0x214: {  	_ = 	snop  }
0x215: {  	v12 =	vor.u32 $0x80, v12;
	v13 =	vpop (erf)  }
0x216: {  	v12 =	vbroadcast v12, $0x0;
	v10 =	vmul.f32 v13, v10  }
0x217: {  	v9 =	vmul.f32 v13, v9  }
0x218: {  	v8 =	vmul.f32 v8, v13;
	[tilespmem:s11+$0xFFFFFFE0] =	vst v10  }
0x219: {  	v11 =	vmul.f32 v11, v13;
	[tilespmem:s11+$0xFFFFFFF0] =	vst v9  }
0x21a: {  	[tilespmem:s11+$0x10] =	vst v8  }
0x21b: {  	[tilespmem:s11+$0x0] =	vst v11  }
0x21c: {  	v8 =	vld.idx.msk [tilespmem:v12+s25+$0x0], $0xffff;
	_ =	sdelay $0x4  }
0x21d: {  	vm0 =	veq.f32 v8, $0.0e+00  }
0x21e: {  	v8 =	vsel vm0, $0x3F800000, v8  }
0x21f: {  	(erf) = vrcp.f32 v8;
	_ =	sdelay $0x3  }
0x220: {  	s1 =	sadd.s32 $0x40, s11  }
0x221: {  	v8 =	vld [tilespmem:s1+$0xFFFFFFE0]  }
0x222: {  	v9 =	vld [tilespmem:s1+$0xFFFFFFF0]  }
0x223: {  	v10 =	vld [tilespmem:s1+$0x0]  }
0x224: {  	v11 =	vld [tilespmem:s1+$0x10]  }
0x225: {  	v12 =	vpop (erf)  }
0x226: {  	v8 =	vmul.f32 v12, v8  }
0x227: {  	v9 =	vmul.f32 v12, v9  }
0x228: {  	v10 =	vmul.f32 v10, v12;
	[tilespmem:s1+$0xFFFFFFE0] =	vst v8  }
0x229: {  	v8 =	vmul.f32 v11, v12;
	[tilespmem:s1+$0xFFFFFFF0] =	vst v9  }
0x22a: {  	s4 =	simm.s32 $0x0;
	[tilespmem:s1+$0x0] =	vst v10  }
0x22b: {  	s10 =	simm.s32 $0x4AD0;
	s11 =	rddreg [dreg:$0xe];
	[tilespmem:s1+$0x10] =	vst v8;
	v8 =	vmov s4  }
0x22c: {  	[hbm4b:s11+s4] =	stream.linear.scatter [tilespmem:s10], [sflag:$0x12], $0x2000, $0x38;
	v8 =	vand.u32 $0x7F, v8;
	[tilespmem:$0x1ED50] =	vst v63  }
0x22d: {  	_ =	swait.ge [sflag:s24], $0x2000;
	v8 =	vor.u32 $0x100, v8  }
0x22e: {  	[sflag:s24] =	ssyncset.done $0x0;
	v8 =	vbroadcast v8, $0x0  }
0x22f: {  	[sflag:s24] =	ssyncadd.s32 $0xFFFFE000  }
0x230: {  	[tilespmem:s10], [sflag:$0x12] =	stream.linear.gather [spmem:s31], $0x2000, $0x38;
	[tilespmem:$0x1ED50] =	vst v63  }
0x231: {  	_ =	swait.ge [sflag:s24], $0x2000  }
0x232: {  	[sflag:s24] =	ssyncset.done $0x0  }
0x233: {  	[sflag:s24] =	ssyncadd.s32 $0xFFFFE000  }
0x234: {  	v10 =	vld.idx.msk [tilespmem:v8+s25+$0x0], $0xffff;
	_ =	sdelay $0x4  }
0x235: {  	vm15 =	veq.f32 v10, $0.0e+00  }
0x236: {  	v11 =	vsel vm15, $0x3F800000, v10  }
0x237: {  	(erf) = vrcp.f32 v11;
	_ =	sdelay $0x1  }
0x238: {  	s11 =	simm.s32 $0x4AF0  }
0x239: {  	v9 =	vld [tilespmem:s11+$0xFFFFFFF0]  }
0x23a: {  	v8 =	vld [tilespmem:s11+$0x10]  }
0x23b: {  	s12 =	simm.s32 $0x1;
	v10 =	vld [tilespmem:s11+$0xFFFFFFE0]  }
0x23c: {  	v12 =	vmov s12;
	v11 =	vld [tilespmem:s11+$0x0]  }
0x23d: {  	v12 =	vand.u32 $0x7F, v12;
	s10 =	simm.s32 $0x2  }
.LBB2_19:
0x23e: {  	p0 =	sne.s32 s10, $0x7F;
	v12 =	vor.u32 $0x100, v12  }
0x23f: {  	v12 =	vbroadcast v12, $0x0;
	v13 =	vpop (erf)  }
0x240: {  	v10 =	vmul.f32 v13, v10;
	v9 =	vmul.f32 v13, v9  }
0x241: {  	v8 =	vmul.f32 v8, v13;
	v11 =	vmul.f32 v11, v13  }
0x242: {  	[tilespmem:s11+$0xFFFFFFE0] =	vst v10  }
0x243: {  	[tilespmem:s11+$0xFFFFFFF0] =	vst v9  }
0x244: {  	[tilespmem:s11+$0x0] =	vst v11  }
0x245: {  	[tilespmem:s11+$0x10] =	vst v8  }
0x246: {  	v8 =	vld.idx.msk [tilespmem:v12+s25+$0x0], $0xffff;
	_ =	sdelay $0x5  }
0x247: {  	vm0 =	veq.f32 v8, $0.0e+00  }
0x248: {  	v8 =	vsel vm0, $0x3F800000, v8  }
0x249: {  	(erf) = vrcp.f32 v8;
	_ =	sdelay $0x1  }
0x24a: {  	s11 =	sadd.s32 $0x40, s11  }
.Ltmp9:
0x24b: {  	v9 =	vld [tilespmem:s11+$0xFFFFFFF0];
	(pc) =	sbr.rel @p0 .LBB2_19-.Ltmp9, $4  }
0x24c: {  	v8 =	vld [tilespmem:s11+$0x10]  }
0x24d: {  	v10 =	vld [tilespmem:s11+$0xFFFFFFE0]  }
0x24e: {  	v12 =	vmov s10;
	v11 =	vld [tilespmem:s11+$0x0]  }
0x24f: {  	s10 =	sadd.s32 $0x1, s10;
	v12 =	vand.u32 $0x7F, v12  }
0x250: {  	_ = 	snop  }
0x251: {  	v12 =	vor.u32 $0x100, v12;
	v13 =	vpop (erf)  }
0x252: {  	v12 =	vbroadcast v12, $0x0;
	v10 =	vmul.f32 v13, v10  }
0x253: {  	v9 =	vmul.f32 v13, v9  }
0x254: {  	v8 =	vmul.f32 v8, v13;
	[tilespmem:s11+$0xFFFFFFE0] =	vst v10  }
0x255: {  	v11 =	vmul.f32 v11, v13;
	[tilespmem:s11+$0xFFFFFFF0] =	vst v9  }
0x256: {  	[tilespmem:s11+$0x10] =	vst v8  }
0x257: {  	[tilespmem:s11+$0x0] =	vst v11  }
0x258: {  	v8 =	vld.idx.msk [tilespmem:v12+s25+$0x0], $0xffff;
	_ =	sdelay $0x4  }
0x259: {  	vm0 =	veq.f32 v8, $0.0e+00  }
0x25a: {  	v8 =	vsel vm0, $0x3F800000, v8  }
0x25b: {  	(erf) = vrcp.f32 v8;
	_ =	sdelay $0x3  }
0x25c: {  	s1 =	sadd.s32 $0x40, s11  }
0x25d: {  	v8 =	vld [tilespmem:s1+$0xFFFFFFE0]  }
0x25e: {  	v9 =	vld [tilespmem:s1+$0xFFFFFFF0]  }
0x25f: {  	v10 =	vld [tilespmem:s1+$0x0]  }
0x260: {  	v11 =	vld [tilespmem:s1+$0x10]  }
0x261: {  	v12 =	vpop (erf)  }
0x262: {  	v8 =	vmul.f32 v12, v8  }
0x263: {  	v9 =	vmul.f32 v12, v9  }
0x264: {  	v10 =	vmul.f32 v10, v12;
	[tilespmem:s1+$0xFFFFFFE0] =	vst v8  }
0x265: {  	v8 =	vmul.f32 v11, v12;
	[tilespmem:s1+$0xFFFFFFF0] =	vst v9  }
0x266: {  	s4 =	simm.s32 $0x0;
	[tilespmem:s1+$0x0] =	vst v10  }
0x267: {  	s12 =	rddreg [dreg:$0xf];
	s10 =	simm.s32 $0x4AD0;
	[tilespmem:s1+$0x10] =	vst v8;
	v8 =	vmov s4  }
0x268: {  	[hbm4b:s12+s4] =	stream.linear.scatter [tilespmem:s10], [sflag:$0x12], $0x2000, $0x38;
	v8 =	vand.u32 $0x7F, v8;
	[tilespmem:$0x1ED50] =	vst v63  }
0x269: {  	_ =	swait.ge [sflag:s24], $0x2000;
	v8 =	vor.u32 $0x180, v8  }
0x26a: {  	[sflag:s24] =	ssyncset.done $0x0;
	v8 =	vbroadcast v8, $0x0  }
0x26b: {  	s11 =	rddreg [dreg:$0x8];
	[sflag:s24] =	ssyncadd.s32 $0xFFFFE000  }
0x26c: {  	[tilespmem:s10], [sflag:$0x12] =	stream.linear.gather [spmem:s11], $0x2000, $0x38;
	[tilespmem:$0x1ED50] =	vst v63  }
0x26d: {  	_ =	swait.ge [sflag:s24], $0x2000  }
0x26e: {  	[sflag:s24] =	ssyncset.done $0x0  }
0x26f: {  	[sflag:s24] =	ssyncadd.s32 $0xFFFFE000  }
0x270: {  	v10 =	vld.idx.msk [tilespmem:v8+s25+$0x0], $0xffff;
	_ =	sdelay $0x4  }
0x271: {  	vm15 =	veq.f32 v10, $0.0e+00  }
0x272: {  	v11 =	vsel vm15, $0x3F800000, v10  }
0x273: {  	(erf) = vrcp.f32 v11;
	_ =	sdelay $0x1  }
0x274: {  	s11 =	simm.s32 $0x4AF0  }
0x275: {  	v9 =	vld [tilespmem:s11+$0xFFFFFFF0]  }
0x276: {  	v8 =	vld [tilespmem:s11+$0x10]  }
0x277: {  	s12 =	simm.s32 $0x1;
	v10 =	vld [tilespmem:s11+$0xFFFFFFE0]  }
0x278: {  	v12 =	vmov s12;
	v11 =	vld [tilespmem:s11+$0x0]  }
0x279: {  	v12 =	vand.u32 $0x7F, v12;
	s10 =	simm.s32 $0x2  }
.LBB2_21:
0x27a: {  	p0 =	sne.s32 s10, $0x7F;
	v12 =	vor.u32 $0x180, v12  }
0x27b: {  	v12 =	vbroadcast v12, $0x0;
	v13 =	vpop (erf)  }
0x27c: {  	v10 =	vmul.f32 v13, v10;
	v9 =	vmul.f32 v13, v9  }
0x27d: {  	v8 =	vmul.f32 v8, v13;
	v11 =	vmul.f32 v11, v13  }
0x27e: {  	[tilespmem:s11+$0xFFFFFFE0] =	vst v10  }
0x27f: {  	[tilespmem:s11+$0xFFFFFFF0] =	vst v9  }
0x280: {  	[tilespmem:s11+$0x0] =	vst v11  }
0x281: {  	[tilespmem:s11+$0x10] =	vst v8  }
0x282: {  	v8 =	vld.idx.msk [tilespmem:v12+s25+$0x0], $0xffff;
	_ =	sdelay $0x5  }
0x283: {  	vm0 =	veq.f32 v8, $0.0e+00  }
0x284: {  	v8 =	vsel vm0, $0x3F800000, v8  }
0x285: {  	(erf) = vrcp.f32 v8;
	_ =	sdelay $0x1  }
0x286: {  	s11 =	sadd.s32 $0x40, s11  }
.Ltmp10:
0x287: {  	v9 =	vld [tilespmem:s11+$0xFFFFFFF0];
	(pc) =	sbr.rel @p0 .LBB2_21-.Ltmp10, $4  }
0x288: {  	v8 =	vld [tilespmem:s11+$0x10]  }
0x289: {  	v10 =	vld [tilespmem:s11+$0xFFFFFFE0]  }
0x28a: {  	v12 =	vmov s10;
	v11 =	vld [tilespmem:s11+$0x0]  }
0x28b: {  	s10 =	sadd.s32 $0x1, s10;
	v12 =	vand.u32 $0x7F, v12  }
0x28c: {  	_ = 	snop  }
0x28d: {  	v12 =	vor.u32 $0x180, v12;
	v13 =	vpop (erf)  }
0x28e: {  	v12 =	vbroadcast v12, $0x0;
	v10 =	vmul.f32 v13, v10  }
0x28f: {  	v9 =	vmul.f32 v13, v9  }
0x290: {  	v8 =	vmul.f32 v8, v13;
	[tilespmem:s11+$0xFFFFFFE0] =	vst v10  }
0x291: {  	v11 =	vmul.f32 v11, v13;
	[tilespmem:s11+$0xFFFFFFF0] =	vst v9  }
0x292: {  	[tilespmem:s11+$0x10] =	vst v8  }
0x293: {  	[tilespmem:s11+$0x0] =	vst v11  }
0x294: {  	v8 =	vld.idx.msk [tilespmem:v12+s25+$0x0], $0xffff;
	_ =	sdelay $0x4  }
0x295: {  	vm0 =	veq.f32 v8, $0.0e+00  }
0x296: {  	v8 =	vsel vm0, $0x3F800000, v8  }
0x297: {  	(erf) = vrcp.f32 v8;
	_ =	sdelay $0x3  }
0x298: {  	s1 =	sadd.s32 $0x40, s11  }
0x299: {  	v8 =	vld [tilespmem:s1+$0xFFFFFFE0]  }
0x29a: {  	v9 =	vld [tilespmem:s1+$0xFFFFFFF0]  }
0x29b: {  	v10 =	vld [tilespmem:s1+$0x0]  }
0x29c: {  	v11 =	vld [tilespmem:s1+$0x10]  }
0x29d: {  	v12 =	vpop (erf)  }
0x29e: {  	v8 =	vmul.f32 v12, v8  }
0x29f: {  	v9 =	vmul.f32 v12, v9  }
0x2a0: {  	v10 =	vmul.f32 v10, v12;
	[tilespmem:s1+$0xFFFFFFE0] =	vst v8  }
0x2a1: {  	v8 =	vmul.f32 v11, v12;
	[tilespmem:s1+$0xFFFFFFF0] =	vst v9  }
0x2a2: {  	s4 =	simm.s32 $0x0;
	[tilespmem:s1+$0x0] =	vst v10  }
0x2a3: {  	s12 =	rddreg [dreg:$0x10];
	s10 =	simm.s32 $0x4AD0;
	[tilespmem:s1+$0x10] =	vst v8;
	v8 =	vmov s4  }
0x2a4: {  	[hbm4b:s12+s4] =	stream.linear.scatter [tilespmem:s10], [sflag:$0x12], $0x2000, $0x38;
	v8 =	vand.u32 $0x7F, v8;
	[tilespmem:$0x1ED50] =	vst v63  }
0x2a5: {  	_ =	swait.ge [sflag:s24], $0x2000;
	v8 =	vor.u32 $0x200, v8  }
0x2a6: {  	[sflag:s24] =	ssyncset.done $0x0;
	v8 =	vbroadcast v8, $0x0  }
0x2a7: {  	s4 =	rddreg [dreg:$0x9];
	[sflag:s24] =	ssyncadd.s32 $0xFFFFE000  }
0x2a8: {  	[tilespmem:s10], [sflag:$0x12] =	stream.linear.gather [spmem:s4], $0x2000, $0x38;
	[tilespmem:$0x1ED50] =	vst v63  }
0x2a9: {  	_ =	swait.ge [sflag:s24], $0x2000  }
0x2aa: {  	[sflag:s24] =	ssyncset.done $0x0  }
0x2ab: {  	[sflag:s24] =	ssyncadd.s32 $0xFFFFE000  }
0x2ac: {  	v10 =	vld.idx.msk [tilespmem:v8+s25+$0x0], $0xffff;
	_ =	sdelay $0x4  }
0x2ad: {  	vm15 =	veq.f32 v10, $0.0e+00  }
0x2ae: {  	v11 =	vsel vm15, $0x3F800000, v10  }
0x2af: {  	(erf) = vrcp.f32 v11;
	_ =	sdelay $0x1  }
0x2b0: {  	s11 =	simm.s32 $0x4AF0  }
0x2b1: {  	v9 =	vld [tilespmem:s11+$0xFFFFFFF0]  }
0x2b2: {  	v8 =	vld [tilespmem:s11+$0x10]  }
0x2b3: {  	s10 =	simm.s32 $0x1;
	v10 =	vld [tilespmem:s11+$0xFFFFFFE0]  }
0x2b4: {  	v12 =	vmov s10;
	v11 =	vld [tilespmem:s11+$0x0]  }
0x2b5: {  	s12 =	simm.s32 $0x4AD0;
	s10 =	simm.s32 $0x2;
	v12 =	vand.u32 $0x7F, v12  }
.LBB2_23:
0x2b6: {  	p0 =	sne.s32 s10, $0x7F;
	v12 =	vor.u32 $0x200, v12  }
0x2b7: {  	v12 =	vbroadcast v12, $0x0;
	v13 =	vpop (erf)  }
0x2b8: {  	v10 =	vmul.f32 v13, v10;
	v9 =	vmul.f32 v13, v9  }
0x2b9: {  	v8 =	vmul.f32 v8, v13;
	v11 =	vmul.f32 v11, v13  }
0x2ba: {  	[tilespmem:s11+$0xFFFFFFE0] =	vst v10  }
0x2bb: {  	[tilespmem:s11+$0xFFFFFFF0] =	vst v9  }
0x2bc: {  	[tilespmem:s11+$0x0] =	vst v11  }
0x2bd: {  	[tilespmem:s11+$0x10] =	vst v8  }
0x2be: {  	v8 =	vld.idx.msk [tilespmem:v12+s25+$0x0], $0xffff;
	_ =	sdelay $0x5  }
0x2bf: {  	vm0 =	veq.f32 v8, $0.0e+00  }
0x2c0: {  	v8 =	vsel vm0, $0x3F800000, v8  }
0x2c1: {  	(erf) = vrcp.f32 v8;
	_ =	sdelay $0x1  }
0x2c2: {  	s11 =	sadd.s32 $0x40, s11  }
.Ltmp11:
0x2c3: {  	v9 =	vld [tilespmem:s11+$0xFFFFFFF0];
	(pc) =	sbr.rel @p0 .LBB2_23-.Ltmp11, $4  }
0x2c4: {  	v8 =	vld [tilespmem:s11+$0x10]  }
0x2c5: {  	v10 =	vld [tilespmem:s11+$0xFFFFFFE0]  }
0x2c6: {  	v12 =	vmov s10;
	v11 =	vld [tilespmem:s11+$0x0]  }
0x2c7: {  	s10 =	sadd.s32 $0x1, s10;
	v12 =	vand.u32 $0x7F, v12  }
0x2c8: {  	_ = 	snop  }
0x2c9: {  	v12 =	vor.u32 $0x200, v12;
	v13 =	vpop (erf)  }
0x2ca: {  	v12 =	vbroadcast v12, $0x0;
	v10 =	vmul.f32 v13, v10  }
0x2cb: {  	v9 =	vmul.f32 v13, v9  }
0x2cc: {  	v8 =	vmul.f32 v8, v13;
	[tilespmem:s11+$0xFFFFFFE0] =	vst v10  }
0x2cd: {  	v11 =	vmul.f32 v11, v13;
	[tilespmem:s11+$0xFFFFFFF0] =	vst v9  }
0x2ce: {  	[tilespmem:s11+$0x10] =	vst v8  }
0x2cf: {  	[tilespmem:s11+$0x0] =	vst v11  }
0x2d0: {  	v8 =	vld.idx.msk [tilespmem:v12+s25+$0x0], $0xffff;
	_ =	sdelay $0x4  }
0x2d1: {  	vm0 =	veq.f32 v8, $0.0e+00  }
0x2d2: {  	v8 =	vsel vm0, $0x3F800000, v8  }
0x2d3: {  	(erf) = vrcp.f32 v8;
	_ =	sdelay $0x3  }
0x2d4: {  	s1 =	sadd.s32 $0x40, s11  }
0x2d5: {  	v8 =	vld [tilespmem:s1+$0xFFFFFFE0]  }
0x2d6: {  	v9 =	vld [tilespmem:s1+$0xFFFFFFF0]  }
0x2d7: {  	v10 =	vld [tilespmem:s1+$0x0]  }
0x2d8: {  	v11 =	vld [tilespmem:s1+$0x10]  }
0x2d9: {  	v63 =	vpop (erf)  }
0x2da: {  	v8 =	vmul.f32 v63, v8  }
0x2db: {  	v9 =	vmul.f32 v63, v9  }
0x2dc: {  	v10 =	vmul.f32 v10, v63;
	[tilespmem:s1+$0xFFFFFFE0] =	vst v8  }
0x2dd: {  	v8 =	vmul.f32 v11, v63;
	[tilespmem:s1+$0xFFFFFFF0] =	vst v9  }
0x2de: {  	[tilespmem:s1+$0x0] =	vst v10  }
0x2df: {  	s10 =	simm.s32 $0x0;
	s4 =	rddreg [dreg:$0x11];
	[tilespmem:s1+$0x10] =	vst v8  }
0x2e0: {  	[hbm4b:s4+s10] =	stream.linear.scatter [tilespmem:s12], [sflag:$0x12], $0x2000, $0x38;
	[tilespmem:$0x1ED50] =	vst v63  }
0x2e1: {  	_ =	swait.ge [sflag:s24], $0x2000  }
0x2e2: {  	s11 =	rddreg [dreg:$0x13]  }
0x2e3: {  	s12 =	rddreg [dreg:$0x12];
	s4 =	sadd.s32 $0x1, s11  }
0x2e4: {  	p0 =	sne.s32 s4, s12  }
.Ltmp12:
0x2e5: {  	_ = 	snop;
	(pc) =	sbr.rel @p0 .LBB2_1-.Ltmp12, $3  }
0x2e6: {  	_ =	sdelay $0x1  }
0x2e7: {  	[sflag:s24] =	ssyncset.done $0x0  }
0x2e8: {  	[sflag:s24] =	ssyncadd.s32 $0xFFFFE000;
	s12 =	simm.s32 $0x1000  }
0x2e9: {  	_ =	sfence.sel $0x180000  }
0x2ea: {  	[bflag:$0x0] =	sbarrier.arrive $0xFFFF  }
0x2eb: {  	_ =	strace $0x90000047  }
0x2ec: {  	s0 =	stileid.u32;
	[bflag:$0x2] =	sbarrier.arrive $0xFFFF  }
0x2ed: {  	p0 =	sne.s32 s0, $0x0;
	s0 =	rddreg [dreg:$0x4]  }
0x2ee: {  	s0 =	sadd.s32 @!p0 $0x100000, s0  }
0x2ef: {  	[sflag:s0] =	ssyncadd.tile.s32 @!p0 $0x1;
	_ =	shalt  }
.Lfunc_end2:
_tile_overlayer_lowered:
.L_overlay_start_2:
0x2f0: {  	(tag) =	ssettag $0x2  }
0x2f1: {  	s0 =	rddreg [dreg:$0x0];
	s2 =	stileid.u32  }
0x2f2: {  	s1 =	rddreg [dreg:$0x1];
	p0 =	sne.s32 s2, $0x0  }
0x2f3: {  	s3 =	rddreg [dreg:$0x2];
	[bflag:$0x3] =	sbarrier.arrive $0xFFFF;
	s2 =	simm.s32 @!p0 $0x1C12  }
0x2f4: {  	[timem:s3], [sflag:s2] =	dma.local @!p0 [hbm:s0], s1  }
0x2f5: {  	s0 =	simm.s32 @!p0 $0x12  }
0x2f6: {  	_ =	swait.ge @!p0 [sflag:s0], s1  }
0x2f7: {  	s1 =	ssub.s32 @!p0 $0x0, s1;
	[sflag:s0] =	ssyncset.done @!p0 $0x0  }
0x2f8: {  	[sflag:s0] =	ssyncadd.s32 @!p0 s1  }
0x2f9: {  	[bflag:$0x3] =	sbarrier.arrive $0xFFFF  }
0x2fa: {  	_ =	shalt  }

</sc_bundles>
